<compile_context>
chip_gen: v7x
topology: tpu7x:2x2x1
jax: 0.10.2.dev20260603
libtpu: 0.0.44.dev20260713+nightly
codegen_flags: <defaults>
</compile_context>

<pallas_src>
import jax
import jax.numpy as jnp
from jax import lax
from jax.experimental import pallas as pl
from jax.experimental.pallas import tpu as pltpu
from jax.experimental.pallas import tpu_sc as plsc

N_FEAT = 26
IN_DIM = 101
OUT_D = 3
BATCH = 16384
OUT_W = N_FEAT * OUT_D
TAB_W = N_FEAT * IN_DIM * OUT_D

_NC, _NS, _L = 2, 16, 16
_NW = _NC * _NS
_BPW = BATCH // _NW
_NBLK = _BPW // _L


def _embed_body(idx_hbm, tab_hbm, out_hbm, idx_v, tab_v, out_v, sem_in):
    wid = lax.axis_index("s") * _NC + lax.axis_index("c")
    base = wid * _BPW
    idx_cp = pltpu.async_copy(idx_hbm.at[:, pl.ds(base, _BPW)], idx_v, sem_in)
    pltpu.sync_copy(tab_hbm, tab_v)
    idx_cp.wait()

    def block(bb):
        col = bb * _L
        for f in range(N_FEAT):
            iv = idx_v[f, pl.ds(col, _L)]
            tbase = iv * OUT_D + f * (IN_DIM * OUT_D)
            for d in range(OUT_D):
                val = plsc.load_gather(tab_v, [tbase + d])
                out_v[f * OUT_D + d, pl.ds(col, _L)] = val

    plsc.parallel_loop(0, _NBLK, 1)(block)
    pltpu.sync_copy(out_v, out_hbm.at[:, pl.ds(base, _BPW)])


def kernel(inputs, tables):
    call = pl.kernel(
        _embed_body,
        mesh=plsc.VectorSubcoreMesh(core_axis_name="c", subcore_axis_name="s"),
        out_type=jax.ShapeDtypeStruct((OUT_W, BATCH), jnp.float32),
        scratch_types=[
            pltpu.VMEM((N_FEAT, _BPW), jnp.int32),
            pltpu.VMEM((TAB_W,), jnp.float32),
            pltpu.VMEM((OUT_W, _BPW), jnp.float32),
            pltpu.SemaphoreType.DMA,
        ],
        compiler_params=pltpu.CompilerParams(needs_layout_passes=False),
    )
    out_t = call(inputs.T, tables.reshape(-1))
    return out_t.T

# --- scband reference (transcript-rebuilt; emitter-appended) ---
"""Pipeline reference for scband-embedder-13228499271939 (READ-ONLY COPY).

The authoritative reference and input builder live on the scoring server;
editing this copy changes nothing except your own understanding.
"""

import jax, jax.numpy as jnp
import numpy as np

N_FEATURES = 26
N_CATEGORIES = 100  # len(encoding_dictionary[feature]) for every feature
INPUT_DIM = N_CATEGORIES + 1  # keras: n_categories + 1 -> 101
OUT_DIM = int(INPUT_DIM ** 0.25)  # fourth-root rule -> 3
BATCH = 16384


def setup_inputs(seed: int = 0) -> dict:
    key = jax.random.key(seed)
    kidx, ktab = jax.random.split(key)
    # indices per sparse field; int32 used so the module runs under default (non-x64) jax
    inputs = jax.random.randint(kidx, (BATCH, N_FEATURES), 0, N_CATEGORIES, dtype=jnp.int32)
    # one embedding table per feature; all features share (INPUT_DIM, OUT_DIM) here,
    # so they are packed into a single stacked parameter [N_FEATURES, INPUT_DIM, OUT_DIM].
    # keras 'uniform' initializer -> U(-0.05, 0.05)
    tables = jax.random.uniform(ktab, (N_FEATURES, INPUT_DIM, OUT_DIM), minval=-0.05, maxval=0.05, dtype=jnp.float32)
    return {"inputs": inputs, "tables": tables}


def reference(inputs, tables):
    # Faithful translation of Embedder._forward_call_embedder:
    # per-feature column gather through its own embedding table, then concat on axis 1.
    embedded_inputs = []
    for layer_idx in range(N_FEATURES):
        encoded_column = inputs[:, layer_idx]                       # get_encoded_column
        embedded_column = jnp.take(tables[layer_idx], encoded_column, axis=0)  # Embedding lookup -> [B, OUT_DIM]
        embedded_inputs.append(embedded_column)
    return jnp.concatenate(embedded_inputs, axis=1)                 # [B, N_FEATURES * OUT_DIM]

if __name__ == "__main__":
    import jax
    _d = setup_inputs()
    print(jax.jit(kernel)(*tuple(_d.values())))

</pallas_src>

<mosaic_0001>
#map = affine_map<(d0, d1) -> (0, 0)>
#map1 = affine_map<(d0, d1) -> (0)>
module attributes {stable_mosaic.version = 14 : i64} {
  func.func @_embed_body(%arg0: i32, %arg1: i32, %arg2: memref<26x16384xi32, #tpu.memory_space<hbm>>, %arg3: memref<7878xf32, #tpu.memory_space<hbm>>, %arg4: memref<78x16384xf32, #tpu.memory_space<hbm>>, %arg5: memref<26x512xi32, #tpu.memory_space<vmem>>, %arg6: memref<7878xf32, #tpu.memory_space<vmem>>, %arg7: memref<78x512xf32, #tpu.memory_space<vmem>>, %arg8: memref<!tpu.dma_semaphore, #tpu.memory_space<semaphore_mem>>) attributes {dimension_semantics = [#tpu.dimension_semantics<core_parallel>, #tpu.dimension_semantics<subcore_parallel>], iteration_bounds = array<i64: 2, 16>, scalar_prefetch = 0 : i64, scratch_operands = 4 : i64, tpu.core_type = #tpu.core_type<sc_vector_subcore>, window_params = [{transform_indices = #map}, {transform_indices = #map1}, {transform_indices = #map}]} {
    %mul3A = arith.constant 2 : i32
    %mul3A_0 = arith.muli %arg1, %mul3A : i32
    %add3A = arith.addi %mul3A_0, %arg0 : i32
    %mul3A_1 = arith.constant 512 : i32
    %mul3A_2 = arith.muli %add3A, %mul3A_1 : i32
    %dma_start3A = arith.constant 0 : i32
    %dma_start3A_3 = tpu.memref_slice %arg2[%dma_start3A, %mul3A_2] : memref<26x16384xi32, #tpu.memory_space<hbm>> -> memref<26x512xi32, #tpu.memory_space<hbm>>
    %dma_start3A_4 = arith.constant 0 : i32
    %dma_start3A_5 = tpu.memref_slice %arg2[%dma_start3A_4, %mul3A_2] : memref<26x16384xi32, #tpu.memory_space<hbm>> -> memref<26x512xi32, #tpu.memory_space<hbm>>
    tpu.enqueue_dma source(%dma_start3A_5 : memref<26x512xi32, #tpu.memory_space<hbm>>) target(%arg5 : memref<26x512xi32, #tpu.memory_space<vmem>>) target_semaphore(%arg8 : memref<!tpu.dma_semaphore, #tpu.memory_space<semaphore_mem>>)
    "tpu.region"() ({
      %run_scoped3A = tpu.sem_alloc : memref<!tpu.dma_semaphore, #tpu.memory_space<semaphore_mem>>
      tpu.enqueue_dma source(%arg3 : memref<7878xf32, #tpu.memory_space<hbm>>) target(%arg6 : memref<7878xf32, #tpu.memory_space<vmem>>) target_semaphore(%run_scoped3A : memref<!tpu.dma_semaphore, #tpu.memory_space<semaphore_mem>>)
      tpu.wait_dma2 semaphore(%run_scoped3A : memref<!tpu.dma_semaphore, #tpu.memory_space<semaphore_mem>>) src(%arg3 : memref<7878xf32, #tpu.memory_space<hbm>>) dst(%arg6 : memref<7878xf32, #tpu.memory_space<vmem>>)
      tpu.yield
    }) : () -> ()
    %dma_wait3A = arith.constant 0 : i32
    %dma_wait3A_6 = tpu.memref_slice %arg2[%dma_wait3A, %mul3A_2] : memref<26x16384xi32, #tpu.memory_space<hbm>> -> memref<26x512xi32, #tpu.memory_space<hbm>>
    %dma_wait3A_7 = arith.constant 0 : i32
    %dma_wait3A_8 = tpu.memref_slice %arg2[%dma_wait3A_7, %mul3A_2] : memref<26x16384xi32, #tpu.memory_space<hbm>> -> memref<26x512xi32, #tpu.memory_space<hbm>>
    tpu.wait_dma2 semaphore(%arg8 : memref<!tpu.dma_semaphore, #tpu.memory_space<semaphore_mem>>) src(%dma_wait3A_8 : memref<26x512xi32, #tpu.memory_space<hbm>>) dst(%arg5 : memref<26x512xi32, #tpu.memory_space<vmem>>)
    %parallel_loop3A = arith.constant 0 : i32
    %parallel_loop3A_9 = arith.constant 32 : i32
    %parallel_loop3A_10 = arith.constant 1 : i32
    scf.for %parallel_loop3A_11 = %parallel_loop3A to %parallel_loop3A_9 step %parallel_loop3A_10  : i32 {
      %parallel_loop3A_12 = arith.constant 16 : i32
      %parallel_loop3A_13 = arith.muli %parallel_loop3A_11, %parallel_loop3A_12 : i32
      %parallel_loop3A_14 = arith.constant 0 : i32
      %parallel_loop3A_15 = arith.index_cast %parallel_loop3A_14 : i32 to index
      %parallel_loop3A_16 = arith.index_cast %parallel_loop3A_13 : i32 to index
      %parallel_loop3A_17 = tpu.vector_load %arg5[%parallel_loop3A_15, %parallel_loop3A_16] {strides = array<i32>} : memref<26x512xi32, #tpu.memory_space<vmem>>, vector<16xi32>,
      %parallel_loop3A_18 = arith.constant 3 : i32
      %parallel_loop3A_19 = vector.broadcast %parallel_loop3A_18 : i32 to vector<16xi32>
      %parallel_loop3A_20 = arith.muli %parallel_loop3A_17, %parallel_loop3A_19 : vector<16xi32>
      %parallel_loop3A_21 = arith.constant 0 : i32
      %parallel_loop3A_22 = vector.broadcast %parallel_loop3A_21 : i32 to vector<16xi32>
      %parallel_loop3A_23 = arith.addi %parallel_loop3A_20, %parallel_loop3A_22 : vector<16xi32>
      %parallel_loop3A_24 = arith.constant 0 : i32
      %parallel_loop3A_25 = vector.broadcast %parallel_loop3A_24 : i32 to vector<16xi32>
      %parallel_loop3A_26 = arith.addi %parallel_loop3A_23, %parallel_loop3A_25 : vector<16xi32>
      %parallel_loop3A_27 = tpu.vector_load_idx %arg6[%parallel_loop3A_26] : memref<7878xf32, #tpu.memory_space<vmem>>[vector<16xi32>], vector<16xf32>,
      %parallel_loop3A_28 = arith.constant 0 : i32
      %parallel_loop3A_29 = arith.index_cast %parallel_loop3A_28 : i32 to index
      %parallel_loop3A_30 = arith.index_cast %parallel_loop3A_13 : i32 to index
      %parallel_loop3A_31 = tpu.vector_load %arg7[%parallel_loop3A_29, %parallel_loop3A_30] {strides = array<i32>} : memref<78x512xf32, #tpu.memory_space<vmem>>, vector<16xf32>,
      tpu.vector_store %arg7[%parallel_loop3A_29, %parallel_loop3A_30], %parallel_loop3A_27 {strides = array<i32>} : memref<78x512xf32, #tpu.memory_space<vmem>>, vector<16xf32>,
      %parallel_loop3A_32 = arith.constant 1 : i32
      %parallel_loop3A_33 = vector.broadcast %parallel_loop3A_32 : i32 to vector<16xi32>
      %parallel_loop3A_34 = arith.addi %parallel_loop3A_23, %parallel_loop3A_33 : vector<16xi32>
      %parallel_loop3A_35 = tpu.vector_load_idx %arg6[%parallel_loop3A_34] : memref<7878xf32, #tpu.memory_space<vmem>>[vector<16xi32>], vector<16xf32>,
      %parallel_loop3A_36 = arith.constant 1 : i32
      %parallel_loop3A_37 = arith.index_cast %parallel_loop3A_36 : i32 to index
      %parallel_loop3A_38 = arith.index_cast %parallel_loop3A_13 : i32 to index
      %parallel_loop3A_39 = tpu.vector_load %arg7[%parallel_loop3A_37, %parallel_loop3A_38] {strides = array<i32>} : memref<78x512xf32, #tpu.memory_space<vmem>>, vector<16xf32>,
      tpu.vector_store %arg7[%parallel_loop3A_37, %parallel_loop3A_38], %parallel_loop3A_35 {strides = array<i32>} : memref<78x512xf32, #tpu.memory_space<vmem>>, vector<16xf32>,
      %parallel_loop3A_40 = arith.constant 2 : i32
      %parallel_loop3A_41 = vector.broadcast %parallel_loop3A_40 : i32 to vector<16xi32>
      %parallel_loop3A_42 = arith.addi %parallel_loop3A_23, %parallel_loop3A_41 : vector<16xi32>
      %parallel_loop3A_43 = tpu.vector_load_idx %arg6[%parallel_loop3A_42] : memref<7878xf32, #tpu.memory_space<vmem>>[vector<16xi32>], vector<16xf32>,
      %parallel_loop3A_44 = arith.constant 2 : i32
      %parallel_loop3A_45 = arith.index_cast %parallel_loop3A_44 : i32 to index
      %parallel_loop3A_46 = arith.index_cast %parallel_loop3A_13 : i32 to index
      %parallel_loop3A_47 = tpu.vector_load %arg7[%parallel_loop3A_45, %parallel_loop3A_46] {strides = array<i32>} : memref<78x512xf32, #tpu.memory_space<vmem>>, vector<16xf32>,
      tpu.vector_store %arg7[%parallel_loop3A_45, %parallel_loop3A_46], %parallel_loop3A_43 {strides = array<i32>} : memref<78x512xf32, #tpu.memory_space<vmem>>, vector<16xf32>,
      %parallel_loop3A_48 = arith.constant 1 : i32
      %parallel_loop3A_49 = arith.index_cast %parallel_loop3A_48 : i32 to index
      %parallel_loop3A_50 = arith.index_cast %parallel_loop3A_13 : i32 to index
      %parallel_loop3A_51 = tpu.vector_load %arg5[%parallel_loop3A_49, %parallel_loop3A_50] {strides = array<i32>} : memref<26x512xi32, #tpu.memory_space<vmem>>, vector<16xi32>,
      %parallel_loop3A_52 = arith.constant 3 : i32
      %parallel_loop3A_53 = vector.broadcast %parallel_loop3A_52 : i32 to vector<16xi32>
      %parallel_loop3A_54 = arith.muli %parallel_loop3A_51, %parallel_loop3A_53 : vector<16xi32>
      %parallel_loop3A_55 = arith.constant 303 : i32
      %parallel_loop3A_56 = vector.broadcast %parallel_loop3A_55 : i32 to vector<16xi32>
      %parallel_loop3A_57 = arith.addi %parallel_loop3A_54, %parallel_loop3A_56 : vector<16xi32>
      %parallel_loop3A_58 = arith.constant 0 : i32
      %parallel_loop3A_59 = vector.broadcast %parallel_loop3A_58 : i32 to vector<16xi32>
      %parallel_loop3A_60 = arith.addi %parallel_loop3A_57, %parallel_loop3A_59 : vector<16xi32>
      %parallel_loop3A_61 = tpu.vector_load_idx %arg6[%parallel_loop3A_60] : memref<7878xf32, #tpu.memory_space<vmem>>[vector<16xi32>], vector<16xf32>,
      %parallel_loop3A_62 = arith.constant 3 : i32
      %parallel_loop3A_63 = arith.index_cast %parallel_loop3A_62 : i32 to index
      %parallel_loop3A_64 = arith.index_cast %parallel_loop3A_13 : i32 to index
      %parallel_loop3A_65 = tpu.vector_load %arg7[%parallel_loop3A_63, %parallel_loop3A_64] {strides = array<i32>} : memref<78x512xf32, #tpu.memory_space<vmem>>, vector<16xf32>,
      tpu.vector_store %arg7[%parallel_loop3A_63, %parallel_loop3A_64], %parallel_loop3A_61 {strides = array<i32>} : memref<78x512xf32, #tpu.memory_space<vmem>>, vector<16xf32>,
      %parallel_loop3A_66 = arith.constant 1 : i32
      %parallel_loop3A_67 = vector.broadcast %parallel_loop3A_66 : i32 to vector<16xi32>
      %parallel_loop3A_68 = arith.addi %parallel_loop3A_57, %parallel_loop3A_67 : vector<16xi32>
      %parallel_loop3A_69 = tpu.vector_load_idx %arg6[%parallel_loop3A_68] : memref<7878xf32, #tpu.memory_space<vmem>>[vector<16xi32>], vector<16xf32>,
      %parallel_loop3A_70 = arith.constant 4 : i32
      %parallel_loop3A_71 = arith.index_cast %parallel_loop3A_70 : i32 to index
      %parallel_loop3A_72 = arith.index_cast %parallel_loop3A_13 : i32 to index
      %parallel_loop3A_73 = tpu.vector_load %arg7[%parallel_loop3A_71, %parallel_loop3A_72] {strides = array<i32>} : memref<78x512xf32, #tpu.memory_space<vmem>>, vector<16xf32>,
      tpu.vector_store %arg7[%parallel_loop3A_71, %parallel_loop3A_72], %parallel_loop3A_69 {strides = array<i32>} : memref<78x512xf32, #tpu.memory_space<vmem>>, vector<16xf32>,
      %parallel_loop3A_74 = arith.constant 2 : i32
      %parallel_loop3A_75 = vector.broadcast %parallel_loop3A_74 : i32 to vector<16xi32>
      %parallel_loop3A_76 = arith.addi %parallel_loop3A_57, %parallel_loop3A_75 : vector<16xi32>
      %parallel_loop3A_77 = tpu.vector_load_idx %arg6[%parallel_loop3A_76] : memref<7878xf32, #tpu.memory_space<vmem>>[vector<16xi32>], vector<16xf32>,
      %parallel_loop3A_78 = arith.constant 5 : i32
      %parallel_loop3A_79 = arith.index_cast %parallel_loop3A_78 : i32 to index
      %parallel_loop3A_80 = arith.index_cast %parallel_loop3A_13 : i32 to index
      %parallel_loop3A_81 = tpu.vector_load %arg7[%parallel_loop3A_79, %parallel_loop3A_80] {strides = array<i32>} : memref<78x512xf32, #tpu.memory_space<vmem>>, vector<16xf32>,
      tpu.vector_store %arg7[%parallel_loop3A_79, %parallel_loop3A_80], %parallel_loop3A_77 {strides = array<i32>} : memref<78x512xf32, #tpu.memory_space<vmem>>, vector<16xf32>,
      %parallel_loop3A_82 = arith.constant 2 : i32
      %parallel_loop3A_83 = arith.index_cast %parallel_loop3A_82 : i32 to index
      %parallel_loop3A_84 = arith.index_cast %parallel_loop3A_13 : i32 to index
      %parallel_loop3A_85 = tpu.vector_load %arg5[%parallel_loop3A_83, %parallel_loop3A_84] {strides = array<i32>} : memref<26x512xi32, #tpu.memory_space<vmem>>, vector<16xi32>,
      %parallel_loop3A_86 = arith.constant 3 : i32
      %parallel_loop3A_87 = vector.broadcast %parallel_loop3A_86 : i32 to vector<16xi32>
      %parallel_loop3A_88 = arith.muli %parallel_loop3A_85, %parallel_loop3A_87 : vector<16xi32>
      %parallel_loop3A_89 = arith.constant 606 : i32
      %parallel_loop3A_90 = vector.broadcast %parallel_loop3A_89 : i32 to vector<16xi32>
      %parallel_loop3A_91 = arith.addi %parallel_loop3A_88, %parallel_loop3A_90 : vector<16xi32>
      %parallel_loop3A_92 = arith.constant 0 : i32
      %parallel_loop3A_93 = vector.broadcast %parallel_loop3A_92 : i32 to vector<16xi32>
      %parallel_loop3A_94 = arith.addi %parallel_loop3A_91, %parallel_loop3A_93 : vector<16xi32>
      %parallel_loop3A_95 = tpu.vector_load_idx %arg6[%parallel_loop3A_94] : memref<7878xf32, #tpu.memory_space<vmem>>[vector<16xi32>], vector<16xf32>,
      %parallel_loop3A_96 = arith.constant 6 : i32
      %parallel_loop3A_97 = arith.index_cast %parallel_loop3A_96 : i32 to index
      %parallel_loop3A_98 = arith.index_cast %parallel_loop3A_13 : i32 to index
      %parallel_loop3A_99 = tpu.vector_load %arg7[%parallel_loop3A_97, %parallel_loop3A_98] {strides = array<i32>} : memref<78x512xf32, #tpu.memory_space<vmem>>, vector<16xf32>,
      tpu.vector_store %arg7[%parallel_loop3A_97, %parallel_loop3A_98], %parallel_loop3A_95 {strides = array<i32>} : memref<78x512xf32, #tpu.memory_space<vmem>>, vector<16xf32>,
      %parallel_loop3A_100 = arith.constant 1 : i32
      %parallel_loop3A_101 = vector.broadcast %parallel_loop3A_100 : i32 to vector<16xi32>
      %parallel_loop3A_102 = arith.addi %parallel_loop3A_91, %parallel_loop3A_101 : vector<16xi32>
      %parallel_loop3A_103 = tpu.vector_load_idx %arg6[%parallel_loop3A_102] : memref<7878xf32, #tpu.memory_space<vmem>>[vector<16xi32>], vector<16xf32>,
      %parallel_loop3A_104 = arith.constant 7 : i32
      %parallel_loop3A_105 = arith.index_cast %parallel_loop3A_104 : i32 to index
      %parallel_loop3A_106 = arith.index_cast %parallel_loop3A_13 : i32 to index
      %parallel_loop3A_107 = tpu.vector_load %arg7[%parallel_loop3A_105, %parallel_loop3A_106] {strides = array<i32>} : memref<78x512xf32, #tpu.memory_space<vmem>>, vector<16xf32>,
      tpu.vector_store %arg7[%parallel_loop3A_105, %parallel_loop3A_106], %parallel_loop3A_103 {strides = array<i32>} : memref<78x512xf32, #tpu.memory_space<vmem>>, vector<16xf32>,
      %parallel_loop3A_108 = arith.constant 2 : i32
      %parallel_loop3A_109 = vector.broadcast %parallel_loop3A_108 : i32 to vector<16xi32>
      %parallel_loop3A_110 = arith.addi %parallel_loop3A_91, %parallel_loop3A_109 : vector<16xi32>
      %parallel_loop3A_111 = tpu.vector_load_idx %arg6[%parallel_loop3A_110] : memref<7878xf32, #tpu.memory_space<vmem>>[vector<16xi32>], vector<16xf32>,
      %parallel_loop3A_112 = arith.constant 8 : i32
      %parallel_loop3A_113 = arith.index_cast %parallel_loop3A_112 : i32 to index
      %parallel_loop3A_114 = arith.index_cast %parallel_loop3A_13 : i32 to index
      %parallel_loop3A_115 = tpu.vector_load %arg7[%parallel_loop3A_113, %parallel_loop3A_114] {strides = array<i32>} : memref<78x512xf32, #tpu.memory_space<vmem>>, vector<16xf32>,
      tpu.vector_store %arg7[%parallel_loop3A_113, %parallel_loop3A_114], %parallel_loop3A_111 {strides = array<i32>} : memref<78x512xf32, #tpu.memory_space<vmem>>, vector<16xf32>,
      %parallel_loop3A_116 = arith.constant 3 : i32
      %parallel_loop3A_117 = arith.index_cast %parallel_loop3A_116 : i32 to index
      %parallel_loop3A_118 = arith.index_cast %parallel_loop3A_13 : i32 to index
      %parallel_loop3A_119 = tpu.vector_load %arg5[%parallel_loop3A_117, %parallel_loop3A_118] {strides = array<i32>} : memref<26x512xi32, #tpu.memory_space<vmem>>, vector<16xi32>,
      %parallel_loop3A_120 = arith.constant 3 : i32
      %parallel_loop3A_121 = vector.broadcast %parallel_loop3A_120 : i32 to vector<16xi32>
      %parallel_loop3A_122 = arith.muli %parallel_loop3A_119, %parallel_loop3A_121 : vector<16xi32>
      %parallel_loop3A_123 = arith.constant 909 : i32
      %parallel_loop3A_124 = vector.broadcast %parallel_loop3A_123 : i32 to vector<16xi32>
      %parallel_loop3A_125 = arith.addi %parallel_loop3A_122, %parallel_loop3A_124 : vector<16xi32>
      %parallel_loop3A_126 = arith.constant 0 : i32
      %parallel_loop3A_127 = vector.broadcast %parallel_loop3A_126 : i32 to vector<16xi32>
      %parallel_loop3A_128 = arith.addi %parallel_loop3A_125, %parallel_loop3A_127 : vector<16xi32>
      %parallel_loop3A_129 = tpu.vector_load_idx %arg6[%parallel_loop3A_128] : memref<7878xf32, #tpu.memory_space<vmem>>[vector<16xi32>], vector<16xf32>,
      %parallel_loop3A_130 = arith.constant 9 : i32
      %parallel_loop3A_131 = arith.index_cast %parallel_loop3A_130 : i32 to index
      %parallel_loop3A_132 = arith.index_cast %parallel_loop3A_13 : i32 to index
      %parallel_loop3A_133 = tpu.vector_load %arg7[%parallel_loop3A_131, %parallel_loop3A_132] {strides = array<i32>} : memref<78x512xf32, #tpu.memory_space<vmem>>, vector<16xf32>,
      tpu.vector_store %arg7[%parallel_loop3A_131, %parallel_loop3A_132], %parallel_loop3A_129 {strides = array<i32>} : memref<78x512xf32, #tpu.memory_space<vmem>>, vector<16xf32>,
      %parallel_loop3A_134 = arith.constant 1 : i32
      %parallel_loop3A_135 = vector.broadcast %parallel_loop3A_134 : i32 to vector<16xi32>
      %parallel_loop3A_136 = arith.addi %parallel_loop3A_125, %parallel_loop3A_135 : vector<16xi32>
      %parallel_loop3A_137 = tpu.vector_load_idx %arg6[%parallel_loop3A_136] : memref<7878xf32, #tpu.memory_space<vmem>>[vector<16xi32>], vector<16xf32>,
      %parallel_loop3A_138 = arith.constant 10 : i32
      %parallel_loop3A_139 = arith.index_cast %parallel_loop3A_138 : i32 to index
      %parallel_loop3A_140 = arith.index_cast %parallel_loop3A_13 : i32 to index
      %parallel_loop3A_141 = tpu.vector_load %arg7[%parallel_loop3A_139, %parallel_loop3A_140] {strides = array<i32>} : memref<78x512xf32, #tpu.memory_space<vmem>>, vector<16xf32>,
      tpu.vector_store %arg7[%parallel_loop3A_139, %parallel_loop3A_140], %parallel_loop3A_137 {strides = array<i32>} : memref<78x512xf32, #tpu.memory_space<vmem>>, vector<16xf32>,
      %parallel_loop3A_142 = arith.constant 2 : i32
      %parallel_loop3A_143 = vector.broadcast %parallel_loop3A_142 : i32 to vector<16xi32>
      %parallel_loop3A_144 = arith.addi %parallel_loop3A_125, %parallel_loop3A_143 : vector<16xi32>
      %parallel_loop3A_145 = tpu.vector_load_idx %arg6[%parallel_loop3A_144] : memref<7878xf32, #tpu.memory_space<vmem>>[vector<16xi32>], vector<16xf32>,
      %parallel_loop3A_146 = arith.constant 11 : i32
      %parallel_loop3A_147 = arith.index_cast %parallel_loop3A_146 : i32 to index
      %parallel_loop3A_148 = arith.index_cast %parallel_loop3A_13 : i32 to index
      %parallel_loop3A_149 = tpu.vector_load %arg7[%parallel_loop3A_147, %parallel_loop3A_148] {strides = array<i32>} : memref<78x512xf32, #tpu.memory_space<vmem>>, vector<16xf32>,
      tpu.vector_store %arg7[%parallel_loop3A_147, %parallel_loop3A_148], %parallel_loop3A_145 {strides = array<i32>} : memref<78x512xf32, #tpu.memory_space<vmem>>, vector<16xf32>,
      %parallel_loop3A_150 = arith.constant 4 : i32
      %parallel_loop3A_151 = arith.index_cast %parallel_loop3A_150 : i32 to index
      %parallel_loop3A_152 = arith.index_cast %parallel_loop3A_13 : i32 to index
      %parallel_loop3A_153 = tpu.vector_load %arg5[%parallel_loop3A_151, %parallel_loop3A_152] {strides = array<i32>} : memref<26x512xi32, #tpu.memory_space<vmem>>, vector<16xi32>,
      %parallel_loop3A_154 = arith.constant 3 : i32
      %parallel_loop3A_155 = vector.broadcast %parallel_loop3A_154 : i32 to vector<16xi32>
      %parallel_loop3A_156 = arith.muli %parallel_loop3A_153, %parallel_loop3A_155 : vector<16xi32>
      %parallel_loop3A_157 = arith.constant 1212 : i32
      %parallel_loop3A_158 = vector.broadcast %parallel_loop3A_157 : i32 to vector<16xi32>
      %parallel_loop3A_159 = arith.addi %parallel_loop3A_156, %parallel_loop3A_158 : vector<16xi32>
      %parallel_loop3A_160 = arith.constant 0 : i32
      %parallel_loop3A_161 = vector.broadcast %parallel_loop3A_160 : i32 to vector<16xi32>
      %parallel_loop3A_162 = arith.addi %parallel_loop3A_159, %parallel_loop3A_161 : vector<16xi32>
      %parallel_loop3A_163 = tpu.vector_load_idx %arg6[%parallel_loop3A_162] : memref<7878xf32, #tpu.memory_space<vmem>>[vector<16xi32>], vector<16xf32>,
      %parallel_loop3A_164 = arith.constant 12 : i32
      %parallel_loop3A_165 = arith.index_cast %parallel_loop3A_164 : i32 to index
      %parallel_loop3A_166 = arith.index_cast %parallel_loop3A_13 : i32 to index
      %parallel_loop3A_167 = tpu.vector_load %arg7[%parallel_loop3A_165, %parallel_loop3A_166] {strides = array<i32>} : memref<78x512xf32, #tpu.memory_space<vmem>>, vector<16xf32>,
      tpu.vector_store %arg7[%parallel_loop3A_165, %parallel_loop3A_166], %parallel_loop3A_163 {strides = array<i32>} : memref<78x512xf32, #tpu.memory_space<vmem>>, vector<16xf32>,
      %parallel_loop3A_168 = arith.constant 1 : i32
      %parallel_loop3A_169 = vector.broadcast %parallel_loop3A_168 : i32 to vector<16xi32>
      %parallel_loop3A_170 = arith.addi %parallel_loop3A_159, %parallel_loop3A_169 : vector<16xi32>
      %parallel_loop3A_171 = tpu.vector_load_idx %arg6[%parallel_loop3A_170] : memref<7878xf32, #tpu.memory_space<vmem>>[vector<16xi32>], vector<16xf32>,
      %parallel_loop3A_172 = arith.constant 13 : i32
      %parallel_loop3A_173 = arith.index_cast %parallel_loop3A_172 : i32 to index
      %parallel_loop3A_174 = arith.index_cast %parallel_loop3A_13 : i32 to index
      %parallel_loop3A_175 = tpu.vector_load %arg7[%parallel_loop3A_173, %parallel_loop3A_174] {strides = array<i32>} : memref<78x512xf32, #tpu.memory_space<vmem>>, vector<16xf32>,
      tpu.vector_store %arg7[%parallel_loop3A_173, %parallel_loop3A_174], %parallel_loop3A_171 {strides = array<i32>} : memref<78x512xf32, #tpu.memory_space<vmem>>, vector<16xf32>,
      %parallel_loop3A_176 = arith.constant 2 : i32
      %parallel_loop3A_177 = vector.broadcast %parallel_loop3A_176 : i32 to vector<16xi32>
      %parallel_loop3A_178 = arith.addi %parallel_loop3A_159, %parallel_loop3A_177 : vector<16xi32>
      %parallel_loop3A_179 = tpu.vector_load_idx %arg6[%parallel_loop3A_178] : memref<7878xf32, #tpu.memory_space<vmem>>[vector<16xi32>], vector<16xf32>,
      %parallel_loop3A_180 = arith.constant 14 : i32
      %parallel_loop3A_181 = arith.index_cast %parallel_loop3A_180 : i32 to index
      %parallel_loop3A_182 = arith.index_cast %parallel_loop3A_13 : i32 to index
      %parallel_loop3A_183 = tpu.vector_load %arg7[%parallel_loop3A_181, %parallel_loop3A_182] {strides = array<i32>} : memref<78x512xf32, #tpu.memory_space<vmem>>, vector<16xf32>,
      tpu.vector_store %arg7[%parallel_loop3A_181, %parallel_loop3A_182], %parallel_loop3A_179 {strides = array<i32>} : memref<78x512xf32, #tpu.memory_space<vmem>>, vector<16xf32>,
      %parallel_loop3A_184 = arith.constant 5 : i32
      %parallel_loop3A_185 = arith.index_cast %parallel_loop3A_184 : i32 to index
      %parallel_loop3A_186 = arith.index_cast %parallel_loop3A_13 : i32 to index
      %parallel_loop3A_187 = tpu.vector_load %arg5[%parallel_loop3A_185, %parallel_loop3A_186] {strides = array<i32>} : memref<26x512xi32, #tpu.memory_space<vmem>>, vector<16xi32>,
      %parallel_loop3A_188 = arith.constant 3 : i32
      %parallel_loop3A_189 = vector.broadcast %parallel_loop3A_188 : i32 to vector<16xi32>
      %parallel_loop3A_190 = arith.muli %parallel_loop3A_187, %parallel_loop3A_189 : vector<16xi32>
      %parallel_loop3A_191 = arith.constant 1515 : i32
      %parallel_loop3A_192 = vector.broadcast %parallel_loop3A_191 : i32 to vector<16xi32>
      %parallel_loop3A_193 = arith.addi %parallel_loop3A_190, %parallel_loop3A_192 : vector<16xi32>
      %parallel_loop3A_194 = arith.constant 0 : i32
      %parallel_loop3A_195 = vector.broadcast %parallel_loop3A_194 : i32 to vector<16xi32>
      %parallel_loop3A_196 = arith.addi %parallel_loop3A_193, %parallel_loop3A_195 : vector<16xi32>
      %parallel_loop3A_197 = tpu.vector_load_idx %arg6[%parallel_loop3A_196] : memref<7878xf32, #tpu.memory_space<vmem>>[vector<16xi32>], vector<16xf32>,
      %parallel_loop3A_198 = arith.constant 15 : i32
      %parallel_loop3A_199 = arith.index_cast %parallel_loop3A_198 : i32 to index
      %parallel_loop3A_200 = arith.index_cast %parallel_loop3A_13 : i32 to index
      %parallel_loop3A_201 = tpu.vector_load %arg7[%parallel_loop3A_199, %parallel_loop3A_200] {strides = array<i32>} : memref<78x512xf32, #tpu.memory_space<vmem>>, vector<16xf32>,
      tpu.vector_store %arg7[%parallel_loop3A_199, %parallel_loop3A_200], %parallel_loop3A_197 {strides = array<i32>} : memref<78x512xf32, #tpu.memory_space<vmem>>, vector<16xf32>,
      %parallel_loop3A_202 = arith.constant 1 : i32
      %parallel_loop3A_203 = vector.broadcast %parallel_loop3A_202 : i32 to vector<16xi32>
      %parallel_loop3A_204 = arith.addi %parallel_loop3A_193, %parallel_loop3A_203 : vector<16xi32>
      %parallel_loop3A_205 = tpu.vector_load_idx %arg6[%parallel_loop3A_204] : memref<7878xf32, #tpu.memory_space<vmem>>[vector<16xi32>], vector<16xf32>,
      %parallel_loop3A_206 = arith.constant 16 : i32
      %parallel_loop3A_207 = arith.index_cast %parallel_loop3A_206 : i32 to index
      %parallel_loop3A_208 = arith.index_cast %parallel_loop3A_13 : i32 to index
      %parallel_loop3A_209 = tpu.vector_load %arg7[%parallel_loop3A_207, %parallel_loop3A_208] {strides = array<i32>} : memref<78x512xf32, #tpu.memory_space<vmem>>, vector<16xf32>,
      tpu.vector_store %arg7[%parallel_loop3A_207, %parallel_loop3A_208], %parallel_loop3A_205 {strides = array<i32>} : memref<78x512xf32, #tpu.memory_space<vmem>>, vector<16xf32>,
      %parallel_loop3A_210 = arith.constant 2 : i32
      %parallel_loop3A_211 = vector.broadcast %parallel_loop3A_210 : i32 to vector<16xi32>
      %parallel_loop3A_212 = arith.addi %parallel_loop3A_193, %parallel_loop3A_211 : vector<16xi32>
      %parallel_loop3A_213 = tpu.vector_load_idx %arg6[%parallel_loop3A_212] : memref<7878xf32, #tpu.memory_space<vmem>>[vector<16xi32>], vector<16xf32>,
      %parallel_loop3A_214 = arith.constant 17 : i32
      %parallel_loop3A_215 = arith.index_cast %parallel_loop3A_214 : i32 to index
      %parallel_loop3A_216 = arith.index_cast %parallel_loop3A_13 : i32 to index
      %parallel_loop3A_217 = tpu.vector_load %arg7[%parallel_loop3A_215, %parallel_loop3A_216] {strides = array<i32>} : memref<78x512xf32, #tpu.memory_space<vmem>>, vector<16xf32>,
      tpu.vector_store %arg7[%parallel_loop3A_215, %parallel_loop3A_216], %parallel_loop3A_213 {strides = array<i32>} : memref<78x512xf32, #tpu.memory_space<vmem>>, vector<16xf32>,
      %parallel_loop3A_218 = arith.constant 6 : i32
      %parallel_loop3A_219 = arith.index_cast %parallel_loop3A_218 : i32 to index
      %parallel_loop3A_220 = arith.index_cast %parallel_loop3A_13 : i32 to index
      %parallel_loop3A_221 = tpu.vector_load %arg5[%parallel_loop3A_219, %parallel_loop3A_220] {strides = array<i32>} : memref<26x512xi32, #tpu.memory_space<vmem>>, vector<16xi32>,
      %parallel_loop3A_222 = arith.constant 3 : i32
      %parallel_loop3A_223 = vector.broadcast %parallel_loop3A_222 : i32 to vector<16xi32>
      %parallel_loop3A_224 = arith.muli %parallel_loop3A_221, %parallel_loop3A_223 : vector<16xi32>
      %parallel_loop3A_225 = arith.constant 1818 : i32
      %parallel_loop3A_226 = vector.broadcast %parallel_loop3A_225 : i32 to vector<16xi32>
      %parallel_loop3A_227 = arith.addi %parallel_loop3A_224, %parallel_loop3A_226 : vector<16xi32>
      %parallel_loop3A_228 = arith.constant 0 : i32
      %parallel_loop3A_229 = vector.broadcast %parallel_loop3A_228 : i32 to vector<16xi32>
      %parallel_loop3A_230 = arith.addi %parallel_loop3A_227, %parallel_loop3A_229 : vector<16xi32>
      %parallel_loop3A_231 = tpu.vector_load_idx %arg6[%parallel_loop3A_230] : memref<7878xf32, #tpu.memory_space<vmem>>[vector<16xi32>], vector<16xf32>,
      %parallel_loop3A_232 = arith.constant 18 : i32
      %parallel_loop3A_233 = arith.index_cast %parallel_loop3A_232 : i32 to index
      %parallel_loop3A_234 = arith.index_cast %parallel_loop3A_13 : i32 to index
      %parallel_loop3A_235 = tpu.vector_load %arg7[%parallel_loop3A_233, %parallel_loop3A_234] {strides = array<i32>} : memref<78x512xf32, #tpu.memory_space<vmem>>, vector<16xf32>,
      tpu.vector_store %arg7[%parallel_loop3A_233, %parallel_loop3A_234], %parallel_loop3A_231 {strides = array<i32>} : memref<78x512xf32, #tpu.memory_space<vmem>>, vector<16xf32>,
      %parallel_loop3A_236 = arith.constant 1 : i32
      %parallel_loop3A_237 = vector.broadcast %parallel_loop3A_236 : i32 to vector<16xi32>
      %parallel_loop3A_238 = arith.addi %parallel_loop3A_227, %parallel_loop3A_237 : vector<16xi32>
      %parallel_loop3A_239 = tpu.vector_load_idx %arg6[%parallel_loop3A_238] : memref<7878xf32, #tpu.memory_space<vmem>>[vector<16xi32>], vector<16xf32>,
      %parallel_loop3A_240 = arith.constant 19 : i32
      %parallel_loop3A_241 = arith.index_cast %parallel_loop3A_240 : i32 to index
      %parallel_loop3A_242 = arith.index_cast %parallel_loop3A_13 : i32 to index
      %parallel_loop3A_243 = tpu.vector_load %arg7[%parallel_loop3A_241, %parallel_loop3A_242] {strides = array<i32>} : memref<78x512xf32, #tpu.memory_space<vmem>>, vector<16xf32>,
      tpu.vector_store %arg7[%parallel_loop3A_241, %parallel_loop3A_242], %parallel_loop3A_239 {strides = array<i32>} : memref<78x512xf32, #tpu.memory_space<vmem>>, vector<16xf32>,
      %parallel_loop3A_244 = arith.constant 2 : i32
      %parallel_loop3A_245 = vector.broadcast %parallel_loop3A_244 : i32 to vector<16xi32>
      %parallel_loop3A_246 = arith.addi %parallel_loop3A_227, %parallel_loop3A_245 : vector<16xi32>
      %parallel_loop3A_247 = tpu.vector_load_idx %arg6[%parallel_loop3A_246] : memref<7878xf32, #tpu.memory_space<vmem>>[vector<16xi32>], vector<16xf32>,
      %parallel_loop3A_248 = arith.constant 20 : i32
      %parallel_loop3A_249 = arith.index_cast %parallel_loop3A_248 : i32 to index
      %parallel_loop3A_250 = arith.index_cast %parallel_loop3A_13 : i32 to index
      %parallel_loop3A_251 = tpu.vector_load %arg7[%parallel_loop3A_249, %parallel_loop3A_250] {strides = array<i32>} : memref<78x512xf32, #tpu.memory_space<vmem>>, vector<16xf32>,
      tpu.vector_store %arg7[%parallel_loop3A_249, %parallel_loop3A_250], %parallel_loop3A_247 {strides = array<i32>} : memref<78x512xf32, #tpu.memory_space<vmem>>, vector<16xf32>,
      %parallel_loop3A_252 = arith.constant 7 : i32
      %parallel_loop3A_253 = arith.index_cast %parallel_loop3A_252 : i32 to index
      %parallel_loop3A_254 = arith.index_cast %parallel_loop3A_13 : i32 to index
      %parallel_loop3A_255 = tpu.vector_load %arg5[%parallel_loop3A_253, %parallel_loop3A_254] {strides = array<i32>} : memref<26x512xi32, #tpu.memory_space<vmem>>, vector<16xi32>,
      %parallel_loop3A_256 = arith.constant 3 : i32
      %parallel_loop3A_257 = vector.broadcast %parallel_loop3A_256 : i32 to vector<16xi32>
      %parallel_loop3A_258 = arith.muli %parallel_loop3A_255, %parallel_loop3A_257 : vector<16xi32>
      %parallel_loop3A_259 = arith.constant 2121 : i32
      %parallel_loop3A_260 = vector.broadcast %parallel_loop3A_259 : i32 to vector<16xi32>
      %parallel_loop3A_261 = arith.addi %parallel_loop3A_258, %parallel_loop3A_260 : vector<16xi32>
      %parallel_loop3A_262 = arith.constant 0 : i32
      %parallel_loop3A_263 = vector.broadcast %parallel_loop3A_262 : i32 to vector<16xi32>
      %parallel_loop3A_264 = arith.addi %parallel_loop3A_261, %parallel_loop3A_263 : vector<16xi32>
      %parallel_loop3A_265 = tpu.vector_load_idx %arg6[%parallel_loop3A_264] : memref<7878xf32, #tpu.memory_space<vmem>>[vector<16xi32>], vector<16xf32>,
      %parallel_loop3A_266 = arith.constant 21 : i32
      %parallel_loop3A_267 = arith.index_cast %parallel_loop3A_266 : i32 to index
      %parallel_loop3A_268 = arith.index_cast %parallel_loop3A_13 : i32 to index
      %parallel_loop3A_269 = tpu.vector_load %arg7[%parallel_loop3A_267, %parallel_loop3A_268] {strides = array<i32>} : memref<78x512xf32, #tpu.memory_space<vmem>>, vector<16xf32>,
      tpu.vector_store %arg7[%parallel_loop3A_267, %parallel_loop3A_268], %parallel_loop3A_265 {strides = array<i32>} : memref<78x512xf32, #tpu.memory_space<vmem>>, vector<16xf32>,
      %parallel_loop3A_270 = arith.constant 1 : i32
      %parallel_loop3A_271 = vector.broadcast %parallel_loop3A_270 : i32 to vector<16xi32>
      %parallel_loop3A_272 = arith.addi %parallel_loop3A_261, %parallel_loop3A_271 : vector<16xi32>
      %parallel_loop3A_273 = tpu.vector_load_idx %arg6[%parallel_loop3A_272] : memref<7878xf32, #tpu.memory_space<vmem>>[vector<16xi32>], vector<16xf32>,
      %parallel_loop3A_274 = arith.constant 22 : i32
      %parallel_loop3A_275 = arith.index_cast %parallel_loop3A_274 : i32 to index
      %parallel_loop3A_276 = arith.index_cast %parallel_loop3A_13 : i32 to index
      %parallel_loop3A_277 = tpu.vector_load %arg7[%parallel_loop3A_275, %parallel_loop3A_276] {strides = array<i32>} : memref<78x512xf32, #tpu.memory_space<vmem>>, vector<16xf32>,
      tpu.vector_store %arg7[%parallel_loop3A_275, %parallel_loop3A_276], %parallel_loop3A_273 {strides = array<i32>} : memref<78x512xf32, #tpu.memory_space<vmem>>, vector<16xf32>,
      %parallel_loop3A_278 = arith.constant 2 : i32
      %parallel_loop3A_279 = vector.broadcast %parallel_loop3A_278 : i32 to vector<16xi32>
      %parallel_loop3A_280 = arith.addi %parallel_loop3A_261, %parallel_loop3A_279 : vector<16xi32>
      %parallel_loop3A_281 = tpu.vector_load_idx %arg6[%parallel_loop3A_280] : memref<7878xf32, #tpu.memory_space<vmem>>[vector<16xi32>], vector<16xf32>,
      %parallel_loop3A_282 = arith.constant 23 : i32
      %parallel_loop3A_283 = arith.index_cast %parallel_loop3A_282 : i32 to index
      %parallel_loop3A_284 = arith.index_cast %parallel_loop3A_13 : i32 to index
      %parallel_loop3A_285 = tpu.vector_load %arg7[%parallel_loop3A_283, %parallel_loop3A_284] {strides = array<i32>} : memref<78x512xf32, #tpu.memory_space<vmem>>, vector<16xf32>,
      tpu.vector_store %arg7[%parallel_loop3A_283, %parallel_loop3A_284], %parallel_loop3A_281 {strides = array<i32>} : memref<78x512xf32, #tpu.memory_space<vmem>>, vector<16xf32>,
      %parallel_loop3A_286 = arith.constant 8 : i32
      %parallel_loop3A_287 = arith.index_cast %parallel_loop3A_286 : i32 to index
      %parallel_loop3A_288 = arith.index_cast %parallel_loop3A_13 : i32 to index
      %parallel_loop3A_289 = tpu.vector_load %arg5[%parallel_loop3A_287, %parallel_loop3A_288] {strides = array<i32>} : memref<26x512xi32, #tpu.memory_space<vmem>>, vector<16xi32>,
      %parallel_loop3A_290 = arith.constant 3 : i32
      %parallel_loop3A_291 = vector.broadcast %parallel_loop3A_290 : i32 to vector<16xi32>
      %parallel_loop3A_292 = arith.muli %parallel_loop3A_289, %parallel_loop3A_291 : vector<16xi32>
      %parallel_loop3A_293 = arith.constant 2424 : i32
      %parallel_loop3A_294 = vector.broadcast %parallel_loop3A_293 : i32 to vector<16xi32>
      %parallel_loop3A_295 = arith.addi %parallel_loop3A_292, %parallel_loop3A_294 : vector<16xi32>
      %parallel_loop3A_296 = arith.constant 0 : i32
      %parallel_loop3A_297 = vector.broadcast %parallel_loop3A_296 : i32 to vector<16xi32>
      %parallel_loop3A_298 = arith.addi %parallel_loop3A_295, %parallel_loop3A_297 : vector<16xi32>
      %parallel_loop3A_299 = tpu.vector_load_idx %arg6[%parallel_loop3A_298] : memref<7878xf32, #tpu.memory_space<vmem>>[vector<16xi32>], vector<16xf32>,
      %parallel_loop3A_300 = arith.constant 24 : i32
      %parallel_loop3A_301 = arith.index_cast %parallel_loop3A_300 : i32 to index
      %parallel_loop3A_302 = arith.index_cast %parallel_loop3A_13 : i32 to index
      %parallel_loop3A_303 = tpu.vector_load %arg7[%parallel_loop3A_301, %parallel_loop3A_302] {strides = array<i32>} : memref<78x512xf32, #tpu.memory_space<vmem>>, vector<16xf32>,
      tpu.vector_store %arg7[%parallel_loop3A_301, %parallel_loop3A_302], %parallel_loop3A_299 {strides = array<i32>} : memref<78x512xf32, #tpu.memory_space<vmem>>, vector<16xf32>,
      %parallel_loop3A_304 = arith.constant 1 : i32
      %parallel_loop3A_305 = vector.broadcast %parallel_loop3A_304 : i32 to vector<16xi32>
      %parallel_loop3A_306 = arith.addi %parallel_loop3A_295, %parallel_loop3A_305 : vector<16xi32>
      %parallel_loop3A_307 = tpu.vector_load_idx %arg6[%parallel_loop3A_306] : memref<7878xf32, #tpu.memory_space<vmem>>[vector<16xi32>], vector<16xf32>,
      %parallel_loop3A_308 = arith.constant 25 : i32
      %parallel_loop3A_309 = arith.index_cast %parallel_loop3A_308 : i32 to index
      %parallel_loop3A_310 = arith.index_cast %parallel_loop3A_13 : i32 to index
      %parallel_loop3A_311 = tpu.vector_load %arg7[%parallel_loop3A_309, %parallel_loop3A_310] {strides = array<i32>} : memref<78x512xf32, #tpu.memory_space<vmem>>, vector<16xf32>,
      tpu.vector_store %arg7[%parallel_loop3A_309, %parallel_loop3A_310], %parallel_loop3A_307 {strides = array<i32>} : memref<78x512xf32, #tpu.memory_space<vmem>>, vector<16xf32>,
      %parallel_loop3A_312 = arith.constant 2 : i32
      %parallel_loop3A_313 = vector.broadcast %parallel_loop3A_312 : i32 to vector<16xi32>
      %parallel_loop3A_314 = arith.addi %parallel_loop3A_295, %parallel_loop3A_313 : vector<16xi32>
      %parallel_loop3A_315 = tpu.vector_load_idx %arg6[%parallel_loop3A_314] : memref<7878xf32, #tpu.memory_space<vmem>>[vector<16xi32>], vector<16xf32>,
      %parallel_loop3A_316 = arith.constant 26 : i32
      %parallel_loop3A_317 = arith.index_cast %parallel_loop3A_316 : i32 to index
      %parallel_loop3A_318 = arith.index_cast %parallel_loop3A_13 : i32 to index
      %parallel_loop3A_319 = tpu.vector_load %arg7[%parallel_loop3A_317, %parallel_loop3A_318] {strides = array<i32>} : memref<78x512xf32, #tpu.memory_space<vmem>>, vector<16xf32>,
      tpu.vector_store %arg7[%parallel_loop3A_317, %parallel_loop3A_318], %parallel_loop3A_315 {strides = array<i32>} : memref<78x512xf32, #tpu.memory_space<vmem>>, vector<16xf32>,
      %parallel_loop3A_320 = arith.constant 9 : i32
      %parallel_loop3A_321 = arith.index_cast %parallel_loop3A_320 : i32 to index
      %parallel_loop3A_322 = arith.index_cast %parallel_loop3A_13 : i32 to index
      %parallel_loop3A_323 = tpu.vector_load %arg5[%parallel_loop3A_321, %parallel_loop3A_322] {strides = array<i32>} : memref<26x512xi32, #tpu.memory_space<vmem>>, vector<16xi32>,
      %parallel_loop3A_324 = arith.constant 3 : i32
      %parallel_loop3A_325 = vector.broadcast %parallel_loop3A_324 : i32 to vector<16xi32>
      %parallel_loop3A_326 = arith.muli %parallel_loop3A_323, %parallel_loop3A_325 : vector<16xi32>
      %parallel_loop3A_327 = arith.constant 2727 : i32
      %parallel_loop3A_328 = vector.broadcast %parallel_loop3A_327 : i32 to vector<16xi32>
      %parallel_loop3A_329 = arith.addi %parallel_loop3A_326, %parallel_loop3A_328 : vector<16xi32>
      %parallel_loop3A_330 = arith.constant 0 : i32
      %parallel_loop3A_331 = vector.broadcast %parallel_loop3A_330 : i32 to vector<16xi32>
      %parallel_loop3A_332 = arith.addi %parallel_loop3A_329, %parallel_loop3A_331 : vector<16xi32>
      %parallel_loop3A_333 = tpu.vector_load_idx %arg6[%parallel_loop3A_332] : memref<7878xf32, #tpu.memory_space<vmem>>[vector<16xi32>], vector<16xf32>,
      %parallel_loop3A_334 = arith.constant 27 : i32
      %parallel_loop3A_335 = arith.index_cast %parallel_loop3A_334 : i32 to index
      %parallel_loop3A_336 = arith.index_cast %parallel_loop3A_13 : i32 to index
      %parallel_loop3A_337 = tpu.vector_load %arg7[%parallel_loop3A_335, %parallel_loop3A_336] {strides = array<i32>} : memref<78x512xf32, #tpu.memory_space<vmem>>, vector<16xf32>,
      tpu.vector_store %arg7[%parallel_loop3A_335, %parallel_loop3A_336], %parallel_loop3A_333 {strides = array<i32>} : memref<78x512xf32, #tpu.memory_space<vmem>>, vector<16xf32>,
      %parallel_loop3A_338 = arith.constant 1 : i32
      %parallel_loop3A_339 = vector.broadcast %parallel_loop3A_338 : i32 to vector<16xi32>
      %parallel_loop3A_340 = arith.addi %parallel_loop3A_329, %parallel_loop3A_339 : vector<16xi32>
      %parallel_loop3A_341 = tpu.vector_load_idx %arg6[%parallel_loop3A_340] : memref<7878xf32, #tpu.memory_space<vmem>>[vector<16xi32>], vector<16xf32>,
      %parallel_loop3A_342 = arith.constant 28 : i32
      %parallel_loop3A_343 = arith.index_cast %parallel_loop3A_342 : i32 to index
      %parallel_loop3A_344 = arith.index_cast %parallel_loop3A_13 : i32 to index
      %parallel_loop3A_345 = tpu.vector_load %arg7[%parallel_loop3A_343, %parallel_loop3A_344] {strides = array<i32>} : memref<78x512xf32, #tpu.memory_space<vmem>>, vector<16xf32>,
      tpu.vector_store %arg7[%parallel_loop3A_343, %parallel_loop3A_344], %parallel_loop3A_341 {strides = array<i32>} : memref<78x512xf32, #tpu.memory_space<vmem>>, vector<16xf32>,
      %parallel_loop3A_346 = arith.constant 2 : i32
      %parallel_loop3A_347 = vector.broadcast %parallel_loop3A_346 : i32 to vector<16xi32>
      %parallel_loop3A_348 = arith.addi %parallel_loop3A_329, %parallel_loop3A_347 : vector<16xi32>
      %parallel_loop3A_349 = tpu.vector_load_idx %arg6[%parallel_loop3A_348] : memref<7878xf32, #tpu.memory_space<vmem>>[vector<16xi32>], vector<16xf32>,
      %parallel_loop3A_350 = arith.constant 29 : i32
      %parallel_loop3A_351 = arith.index_cast %parallel_loop3A_350 : i32 to index
      %parallel_loop3A_352 = arith.index_cast %parallel_loop3A_13 : i32 to index
      %parallel_loop3A_353 = tpu.vector_load %arg7[%parallel_loop3A_351, %parallel_loop3A_352] {strides = array<i32>} : memref<78x512xf32, #tpu.memory_space<vmem>>, vector<16xf32>,
      tpu.vector_store %arg7[%parallel_loop3A_351, %parallel_loop3A_352], %parallel_loop3A_349 {strides = array<i32>} : memref<78x512xf32, #tpu.memory_space<vmem>>, vector<16xf32>,
      %parallel_loop3A_354 = arith.constant 10 : i32
      %parallel_loop3A_355 = arith.index_cast %parallel_loop3A_354 : i32 to index
      %parallel_loop3A_356 = arith.index_cast %parallel_loop3A_13 : i32 to index
      %parallel_loop3A_357 = tpu.vector_load %arg5[%parallel_loop3A_355, %parallel_loop3A_356] {strides = array<i32>} : memref<26x512xi32, #tpu.memory_space<vmem>>, vector<16xi32>,
      %parallel_loop3A_358 = arith.constant 3 : i32
      %parallel_loop3A_359 = vector.broadcast %parallel_loop3A_358 : i32 to vector<16xi32>
      %parallel_loop3A_360 = arith.muli %parallel_loop3A_357, %parallel_loop3A_359 : vector<16xi32>
      %parallel_loop3A_361 = arith.constant 3030 : i32
      %parallel_loop3A_362 = vector.broadcast %parallel_loop3A_361 : i32 to vector<16xi32>
      %parallel_loop3A_363 = arith.addi %parallel_loop3A_360, %parallel_loop3A_362 : vector<16xi32>
      %parallel_loop3A_364 = arith.constant 0 : i32
      %parallel_loop3A_365 = vector.broadcast %parallel_loop3A_364 : i32 to vector<16xi32>
      %parallel_loop3A_366 = arith.addi %parallel_loop3A_363, %parallel_loop3A_365 : vector<16xi32>
      %parallel_loop3A_367 = tpu.vector_load_idx %arg6[%parallel_loop3A_366] : memref<7878xf32, #tpu.memory_space<vmem>>[vector<16xi32>], vector<16xf32>,
      %parallel_loop3A_368 = arith.constant 30 : i32
      %parallel_loop3A_369 = arith.index_cast %parallel_loop3A_368 : i32 to index
      %parallel_loop3A_370 = arith.index_cast %parallel_loop3A_13 : i32 to index
      %parallel_loop3A_371 = tpu.vector_load %arg7[%parallel_loop3A_369, %parallel_loop3A_370] {strides = array<i32>} : memref<78x512xf32, #tpu.memory_space<vmem>>, vector<16xf32>,
      tpu.vector_store %arg7[%parallel_loop3A_369, %parallel_loop3A_370], %parallel_loop3A_367 {strides = array<i32>} : memref<78x512xf32, #tpu.memory_space<vmem>>, vector<16xf32>,
      %parallel_loop3A_372 = arith.constant 1 : i32
      %parallel_loop3A_373 = vector.broadcast %parallel_loop3A_372 : i32 to vector<16xi32>
      %parallel_loop3A_374 = arith.addi %parallel_loop3A_363, %parallel_loop3A_373 : vector<16xi32>
      %parallel_loop3A_375 = tpu.vector_load_idx %arg6[%parallel_loop3A_374] : memref<7878xf32, #tpu.memory_space<vmem>>[vector<16xi32>], vector<16xf32>,
      %parallel_loop3A_376 = arith.constant 31 : i32
      %parallel_loop3A_377 = arith.index_cast %parallel_loop3A_376 : i32 to index
      %parallel_loop3A_378 = arith.index_cast %parallel_loop3A_13 : i32 to index
      %parallel_loop3A_379 = tpu.vector_load %arg7[%parallel_loop3A_377, %parallel_loop3A_378] {strides = array<i32>} : memref<78x512xf32, #tpu.memory_space<vmem>>, vector<16xf32>,
      tpu.vector_store %arg7[%parallel_loop3A_377, %parallel_loop3A_378], %parallel_loop3A_375 {strides = array<i32>} : memref<78x512xf32, #tpu.memory_space<vmem>>, vector<16xf32>,
      %parallel_loop3A_380 = arith.constant 2 : i32
      %parallel_loop3A_381 = vector.broadcast %parallel_loop3A_380 : i32 to vector<16xi32>
      %parallel_loop3A_382 = arith.addi %parallel_loop3A_363, %parallel_loop3A_381 : vector<16xi32>
      %parallel_loop3A_383 = tpu.vector_load_idx %arg6[%parallel_loop3A_382] : memref<7878xf32, #tpu.memory_space<vmem>>[vector<16xi32>], vector<16xf32>,
      %parallel_loop3A_384 = arith.constant 32 : i32
      %parallel_loop3A_385 = arith.index_cast %parallel_loop3A_384 : i32 to index
      %parallel_loop3A_386 = arith.index_cast %parallel_loop3A_13 : i32 to index
      %parallel_loop3A_387 = tpu.vector_load %arg7[%parallel_loop3A_385, %parallel_loop3A_386] {strides = array<i32>} : memref<78x512xf32, #tpu.memory_space<vmem>>, vector<16xf32>,
      tpu.vector_store %arg7[%parallel_loop3A_385, %parallel_loop3A_386], %parallel_loop3A_383 {strides = array<i32>} : memref<78x512xf32, #tpu.memory_space<vmem>>, vector<16xf32>,
      %parallel_loop3A_388 = arith.constant 11 : i32
      %parallel_loop3A_389 = arith.index_cast %parallel_loop3A_388 : i32 to index
      %parallel_loop3A_390 = arith.index_cast %parallel_loop3A_13 : i32 to index
      %parallel_loop3A_391 = tpu.vector_load %arg5[%parallel_loop3A_389, %parallel_loop3A_390] {strides = array<i32>} : memref<26x512xi32, #tpu.memory_space<vmem>>, vector<16xi32>,
      %parallel_loop3A_392 = arith.constant 3 : i32
      %parallel_loop3A_393 = vector.broadcast %parallel_loop3A_392 : i32 to vector<16xi32>
      %parallel_loop3A_394 = arith.muli %parallel_loop3A_391, %parallel_loop3A_393 : vector<16xi32>
      %parallel_loop3A_395 = arith.constant 3333 : i32
      %parallel_loop3A_396 = vector.broadcast %parallel_loop3A_395 : i32 to vector<16xi32>
      %parallel_loop3A_397 = arith.addi %parallel_loop3A_394, %parallel_loop3A_396 : vector<16xi32>
      %parallel_loop3A_398 = arith.constant 0 : i32
      %parallel_loop3A_399 = vector.broadcast %parallel_loop3A_398 : i32 to vector<16xi32>
      %parallel_loop3A_400 = arith.addi %parallel_loop3A_397, %parallel_loop3A_399 : vector<16xi32>
      %parallel_loop3A_401 = tpu.vector_load_idx %arg6[%parallel_loop3A_400] : memref<7878xf32, #tpu.memory_space<vmem>>[vector<16xi32>], vector<16xf32>,
      %parallel_loop3A_402 = arith.constant 33 : i32
      %parallel_loop3A_403 = arith.index_cast %parallel_loop3A_402 : i32 to index
      %parallel_loop3A_404 = arith.index_cast %parallel_loop3A_13 : i32 to index
      %parallel_loop3A_405 = tpu.vector_load %arg7[%parallel_loop3A_403, %parallel_loop3A_404] {strides = array<i32>} : memref<78x512xf32, #tpu.memory_space<vmem>>, vector<16xf32>,
      tpu.vector_store %arg7[%parallel_loop3A_403, %parallel_loop3A_404], %parallel_loop3A_401 {strides = array<i32>} : memref<78x512xf32, #tpu.memory_space<vmem>>, vector<16xf32>,
      %parallel_loop3A_406 = arith.constant 1 : i32
      %parallel_loop3A_407 = vector.broadcast %parallel_loop3A_406 : i32 to vector<16xi32>
      %parallel_loop3A_408 = arith.addi %parallel_loop3A_397, %parallel_loop3A_407 : vector<16xi32>
      %parallel_loop3A_409 = tpu.vector_load_idx %arg6[%parallel_loop3A_408] : memref<7878xf32, #tpu.memory_space<vmem>>[vector<16xi32>], vector<16xf32>,
      %parallel_loop3A_410 = arith.constant 34 : i32
      %parallel_loop3A_411 = arith.index_cast %parallel_loop3A_410 : i32 to index
      %parallel_loop3A_412 = arith.index_cast %parallel_loop3A_13 : i32 to index
      %parallel_loop3A_413 = tpu.vector_load %arg7[%parallel_loop3A_411, %parallel_loop3A_412] {strides = array<i32>} : memref<78x512xf32, #tpu.memory_space<vmem>>, vector<16xf32>,
      tpu.vector_store %arg7[%parallel_loop3A_411, %parallel_loop3A_412], %parallel_loop3A_409 {strides = array<i32>} : memref<78x512xf32, #tpu.memory_space<vmem>>, vector<16xf32>,
      %parallel_loop3A_414 = arith.constant 2 : i32
      %parallel_loop3A_415 = vector.broadcast %parallel_loop3A_414 : i32 to vector<16xi32>
      %parallel_loop3A_416 = arith.addi %parallel_loop3A_397, %parallel_loop3A_415 : vector<16xi32>
      %parallel_loop3A_417 = tpu.vector_load_idx %arg6[%parallel_loop3A_416] : memref<7878xf32, #tpu.memory_space<vmem>>[vector<16xi32>], vector<16xf32>,
      %parallel_loop3A_418 = arith.constant 35 : i32
      %parallel_loop3A_419 = arith.index_cast %parallel_loop3A_418 : i32 to index
      %parallel_loop3A_420 = arith.index_cast %parallel_loop3A_13 : i32 to index
      %parallel_loop3A_421 = tpu.vector_load %arg7[%parallel_loop3A_419, %parallel_loop3A_420] {strides = array<i32>} : memref<78x512xf32, #tpu.memory_space<vmem>>, vector<16xf32>,
      tpu.vector_store %arg7[%parallel_loop3A_419, %parallel_loop3A_420], %parallel_loop3A_417 {strides = array<i32>} : memref<78x512xf32, #tpu.memory_space<vmem>>, vector<16xf32>,
      %parallel_loop3A_422 = arith.constant 12 : i32
      %parallel_loop3A_423 = arith.index_cast %parallel_loop3A_422 : i32 to index
      %parallel_loop3A_424 = arith.index_cast %parallel_loop3A_13 : i32 to index
      %parallel_loop3A_425 = tpu.vector_load %arg5[%parallel_loop3A_423, %parallel_loop3A_424] {strides = array<i32>} : memref<26x512xi32, #tpu.memory_space<vmem>>, vector<16xi32>,
      %parallel_loop3A_426 = arith.constant 3 : i32
      %parallel_loop3A_427 = vector.broadcast %parallel_loop3A_426 : i32 to vector<16xi32>
      %parallel_loop3A_428 = arith.muli %parallel_loop3A_425, %parallel_loop3A_427 : vector<16xi32>
      %parallel_loop3A_429 = arith.constant 3636 : i32
      %parallel_loop3A_430 = vector.broadcast %parallel_loop3A_429 : i32 to vector<16xi32>
      %parallel_loop3A_431 = arith.addi %parallel_loop3A_428, %parallel_loop3A_430 : vector<16xi32>
      %parallel_loop3A_432 = arith.constant 0 : i32
      %parallel_loop3A_433 = vector.broadcast %parallel_loop3A_432 : i32 to vector<16xi32>
      %parallel_loop3A_434 = arith.addi %parallel_loop3A_431, %parallel_loop3A_433 : vector<16xi32>
      %parallel_loop3A_435 = tpu.vector_load_idx %arg6[%parallel_loop3A_434] : memref<7878xf32, #tpu.memory_space<vmem>>[vector<16xi32>], vector<16xf32>,
      %parallel_loop3A_436 = arith.constant 36 : i32
      %parallel_loop3A_437 = arith.index_cast %parallel_loop3A_436 : i32 to index
      %parallel_loop3A_438 = arith.index_cast %parallel_loop3A_13 : i32 to index
      %parallel_loop3A_439 = tpu.vector_load %arg7[%parallel_loop3A_437, %parallel_loop3A_438] {strides = array<i32>} : memref<78x512xf32, #tpu.memory_space<vmem>>, vector<16xf32>,
      tpu.vector_store %arg7[%parallel_loop3A_437, %parallel_loop3A_438], %parallel_loop3A_435 {strides = array<i32>} : memref<78x512xf32, #tpu.memory_space<vmem>>, vector<16xf32>,
      %parallel_loop3A_440 = arith.constant 1 : i32
      %parallel_loop3A_441 = vector.broadcast %parallel_loop3A_440 : i32 to vector<16xi32>
      %parallel_loop3A_442 = arith.addi %parallel_loop3A_431, %parallel_loop3A_441 : vector<16xi32>
      %parallel_loop3A_443 = tpu.vector_load_idx %arg6[%parallel_loop3A_442] : memref<7878xf32, #tpu.memory_space<vmem>>[vector<16xi32>], vector<16xf32>,
      %parallel_loop3A_444 = arith.constant 37 : i32
      %parallel_loop3A_445 = arith.index_cast %parallel_loop3A_444 : i32 to index
      %parallel_loop3A_446 = arith.index_cast %parallel_loop3A_13 : i32 to index
      %parallel_loop3A_447 = tpu.vector_load %arg7[%parallel_loop3A_445, %parallel_loop3A_446] {strides = array<i32>} : memref<78x512xf32, #tpu.memory_space<vmem>>, vector<16xf32>,
      tpu.vector_store %arg7[%parallel_loop3A_445, %parallel_loop3A_446], %parallel_loop3A_443 {strides = array<i32>} : memref<78x512xf32, #tpu.memory_space<vmem>>, vector<16xf32>,
      %parallel_loop3A_448 = arith.constant 2 : i32
      %parallel_loop3A_449 = vector.broadcast %parallel_loop3A_448 : i32 to vector<16xi32>
      %parallel_loop3A_450 = arith.addi %parallel_loop3A_431, %parallel_loop3A_449 : vector<16xi32>
      %parallel_loop3A_451 = tpu.vector_load_idx %arg6[%parallel_loop3A_450] : memref<7878xf32, #tpu.memory_space<vmem>>[vector<16xi32>], vector<16xf32>,
      %parallel_loop3A_452 = arith.constant 38 : i32
      %parallel_loop3A_453 = arith.index_cast %parallel_loop3A_452 : i32 to index
      %parallel_loop3A_454 = arith.index_cast %parallel_loop3A_13 : i32 to index
      %parallel_loop3A_455 = tpu.vector_load %arg7[%parallel_loop3A_453, %parallel_loop3A_454] {strides = array<i32>} : memref<78x512xf32, #tpu.memory_space<vmem>>, vector<16xf32>,
      tpu.vector_store %arg7[%parallel_loop3A_453, %parallel_loop3A_454], %parallel_loop3A_451 {strides = array<i32>} : memref<78x512xf32, #tpu.memory_space<vmem>>, vector<16xf32>,
      %parallel_loop3A_456 = arith.constant 13 : i32
      %parallel_loop3A_457 = arith.index_cast %parallel_loop3A_456 : i32 to index
      %parallel_loop3A_458 = arith.index_cast %parallel_loop3A_13 : i32 to index
      %parallel_loop3A_459 = tpu.vector_load %arg5[%parallel_loop3A_457, %parallel_loop3A_458] {strides = array<i32>} : memref<26x512xi32, #tpu.memory_space<vmem>>, vector<16xi32>,
      %parallel_loop3A_460 = arith.constant 3 : i32
      %parallel_loop3A_461 = vector.broadcast %parallel_loop3A_460 : i32 to vector<16xi32>
      %parallel_loop3A_462 = arith.muli %parallel_loop3A_459, %parallel_loop3A_461 : vector<16xi32>
      %parallel_loop3A_463 = arith.constant 3939 : i32
      %parallel_loop3A_464 = vector.broadcast %parallel_loop3A_463 : i32 to vector<16xi32>
      %parallel_loop3A_465 = arith.addi %parallel_loop3A_462, %parallel_loop3A_464 : vector<16xi32>
      %parallel_loop3A_466 = arith.constant 0 : i32
      %parallel_loop3A_467 = vector.broadcast %parallel_loop3A_466 : i32 to vector<16xi32>
      %parallel_loop3A_468 = arith.addi %parallel_loop3A_465, %parallel_loop3A_467 : vector<16xi32>
      %parallel_loop3A_469 = tpu.vector_load_idx %arg6[%parallel_loop3A_468] : memref<7878xf32, #tpu.memory_space<vmem>>[vector<16xi32>], vector<16xf32>,
      %parallel_loop3A_470 = arith.constant 39 : i32
      %parallel_loop3A_471 = arith.index_cast %parallel_loop3A_470 : i32 to index
      %parallel_loop3A_472 = arith.index_cast %parallel_loop3A_13 : i32 to index
      %parallel_loop3A_473 = tpu.vector_load %arg7[%parallel_loop3A_471, %parallel_loop3A_472] {strides = array<i32>} : memref<78x512xf32, #tpu.memory_space<vmem>>, vector<16xf32>,
      tpu.vector_store %arg7[%parallel_loop3A_471, %parallel_loop3A_472], %parallel_loop3A_469 {strides = array<i32>} : memref<78x512xf32, #tpu.memory_space<vmem>>, vector<16xf32>,
      %parallel_loop3A_474 = arith.constant 1 : i32
      %parallel_loop3A_475 = vector.broadcast %parallel_loop3A_474 : i32 to vector<16xi32>
      %parallel_loop3A_476 = arith.addi %parallel_loop3A_465, %parallel_loop3A_475 : vector<16xi32>
      %parallel_loop3A_477 = tpu.vector_load_idx %arg6[%parallel_loop3A_476] : memref<7878xf32, #tpu.memory_space<vmem>>[vector<16xi32>], vector<16xf32>,
      %parallel_loop3A_478 = arith.constant 40 : i32
      %parallel_loop3A_479 = arith.index_cast %parallel_loop3A_478 : i32 to index
      %parallel_loop3A_480 = arith.index_cast %parallel_loop3A_13 : i32 to index
      %parallel_loop3A_481 = tpu.vector_load %arg7[%parallel_loop3A_479, %parallel_loop3A_480] {strides = array<i32>} : memref<78x512xf32, #tpu.memory_space<vmem>>, vector<16xf32>,
      tpu.vector_store %arg7[%parallel_loop3A_479, %parallel_loop3A_480], %parallel_loop3A_477 {strides = array<i32>} : memref<78x512xf32, #tpu.memory_space<vmem>>, vector<16xf32>,
      %parallel_loop3A_482 = arith.constant 2 : i32
      %parallel_loop3A_483 = vector.broadcast %parallel_loop3A_482 : i32 to vector<16xi32>
      %parallel_loop3A_484 = arith.addi %parallel_loop3A_465, %parallel_loop3A_483 : vector<16xi32>
      %parallel_loop3A_485 = tpu.vector_load_idx %arg6[%parallel_loop3A_484] : memref<7878xf32, #tpu.memory_space<vmem>>[vector<16xi32>], vector<16xf32>,
      %parallel_loop3A_486 = arith.constant 41 : i32
      %parallel_loop3A_487 = arith.index_cast %parallel_loop3A_486 : i32 to index
      %parallel_loop3A_488 = arith.index_cast %parallel_loop3A_13 : i32 to index
      %parallel_loop3A_489 = tpu.vector_load %arg7[%parallel_loop3A_487, %parallel_loop3A_488] {strides = array<i32>} : memref<78x512xf32, #tpu.memory_space<vmem>>, vector<16xf32>,
      tpu.vector_store %arg7[%parallel_loop3A_487, %parallel_loop3A_488], %parallel_loop3A_485 {strides = array<i32>} : memref<78x512xf32, #tpu.memory_space<vmem>>, vector<16xf32>,
      %parallel_loop3A_490 = arith.constant 14 : i32
      %parallel_loop3A_491 = arith.index_cast %parallel_loop3A_490 : i32 to index
      %parallel_loop3A_492 = arith.index_cast %parallel_loop3A_13 : i32 to index
      %parallel_loop3A_493 = tpu.vector_load %arg5[%parallel_loop3A_491, %parallel_loop3A_492] {strides = array<i32>} : memref<26x512xi32, #tpu.memory_space<vmem>>, vector<16xi32>,
      %parallel_loop3A_494 = arith.constant 3 : i32
      %parallel_loop3A_495 = vector.broadcast %parallel_loop3A_494 : i32 to vector<16xi32>
      %parallel_loop3A_496 = arith.muli %parallel_loop3A_493, %parallel_loop3A_495 : vector<16xi32>
      %parallel_loop3A_497 = arith.constant 4242 : i32
      %parallel_loop3A_498 = vector.broadcast %parallel_loop3A_497 : i32 to vector<16xi32>
      %parallel_loop3A_499 = arith.addi %parallel_loop3A_496, %parallel_loop3A_498 : vector<16xi32>
      %parallel_loop3A_500 = arith.constant 0 : i32
      %parallel_loop3A_501 = vector.broadcast %parallel_loop3A_500 : i32 to vector<16xi32>
      %parallel_loop3A_502 = arith.addi %parallel_loop3A_499, %parallel_loop3A_501 : vector<16xi32>
      %parallel_loop3A_503 = tpu.vector_load_idx %arg6[%parallel_loop3A_502] : memref<7878xf32, #tpu.memory_space<vmem>>[vector<16xi32>], vector<16xf32>,
      %parallel_loop3A_504 = arith.constant 42 : i32
      %parallel_loop3A_505 = arith.index_cast %parallel_loop3A_504 : i32 to index
      %parallel_loop3A_506 = arith.index_cast %parallel_loop3A_13 : i32 to index
      %parallel_loop3A_507 = tpu.vector_load %arg7[%parallel_loop3A_505, %parallel_loop3A_506] {strides = array<i32>} : memref<78x512xf32, #tpu.memory_space<vmem>>, vector<16xf32>,
      tpu.vector_store %arg7[%parallel_loop3A_505, %parallel_loop3A_506], %parallel_loop3A_503 {strides = array<i32>} : memref<78x512xf32, #tpu.memory_space<vmem>>, vector<16xf32>,
      %parallel_loop3A_508 = arith.constant 1 : i32
      %parallel_loop3A_509 = vector.broadcast %parallel_loop3A_508 : i32 to vector<16xi32>
      %parallel_loop3A_510 = arith.addi %parallel_loop3A_499, %parallel_loop3A_509 : vector<16xi32>
      %parallel_loop3A_511 = tpu.vector_load_idx %arg6[%parallel_loop3A_510] : memref<7878xf32, #tpu.memory_space<vmem>>[vector<16xi32>], vector<16xf32>,
      %parallel_loop3A_512 = arith.constant 43 : i32
      %parallel_loop3A_513 = arith.index_cast %parallel_loop3A_512 : i32 to index
      %parallel_loop3A_514 = arith.index_cast %parallel_loop3A_13 : i32 to index
      %parallel_loop3A_515 = tpu.vector_load %arg7[%parallel_loop3A_513, %parallel_loop3A_514] {strides = array<i32>} : memref<78x512xf32, #tpu.memory_space<vmem>>, vector<16xf32>,
      tpu.vector_store %arg7[%parallel_loop3A_513, %parallel_loop3A_514], %parallel_loop3A_511 {strides = array<i32>} : memref<78x512xf32, #tpu.memory_space<vmem>>, vector<16xf32>,
      %parallel_loop3A_516 = arith.constant 2 : i32
      %parallel_loop3A_517 = vector.broadcast %parallel_loop3A_516 : i32 to vector<16xi32>
      %parallel_loop3A_518 = arith.addi %parallel_loop3A_499, %parallel_loop3A_517 : vector<16xi32>
      %parallel_loop3A_519 = tpu.vector_load_idx %arg6[%parallel_loop3A_518] : memref<7878xf32, #tpu.memory_space<vmem>>[vector<16xi32>], vector<16xf32>,
      %parallel_loop3A_520 = arith.constant 44 : i32
      %parallel_loop3A_521 = arith.index_cast %parallel_loop3A_520 : i32 to index
      %parallel_loop3A_522 = arith.index_cast %parallel_loop3A_13 : i32 to index
      %parallel_loop3A_523 = tpu.vector_load %arg7[%parallel_loop3A_521, %parallel_loop3A_522] {strides = array<i32>} : memref<78x512xf32, #tpu.memory_space<vmem>>, vector<16xf32>,
      tpu.vector_store %arg7[%parallel_loop3A_521, %parallel_loop3A_522], %parallel_loop3A_519 {strides = array<i32>} : memref<78x512xf32, #tpu.memory_space<vmem>>, vector<16xf32>,
      %parallel_loop3A_524 = arith.constant 15 : i32
      %parallel_loop3A_525 = arith.index_cast %parallel_loop3A_524 : i32 to index
      %parallel_loop3A_526 = arith.index_cast %parallel_loop3A_13 : i32 to index
      %parallel_loop3A_527 = tpu.vector_load %arg5[%parallel_loop3A_525, %parallel_loop3A_526] {strides = array<i32>} : memref<26x512xi32, #tpu.memory_space<vmem>>, vector<16xi32>,
      %parallel_loop3A_528 = arith.constant 3 : i32
      %parallel_loop3A_529 = vector.broadcast %parallel_loop3A_528 : i32 to vector<16xi32>
      %parallel_loop3A_530 = arith.muli %parallel_loop3A_527, %parallel_loop3A_529 : vector<16xi32>
      %parallel_loop3A_531 = arith.constant 4545 : i32
      %parallel_loop3A_532 = vector.broadcast %parallel_loop3A_531 : i32 to vector<16xi32>
      %parallel_loop3A_533 = arith.addi %parallel_loop3A_530, %parallel_loop3A_532 : vector<16xi32>
      %parallel_loop3A_534 = arith.constant 0 : i32
      %parallel_loop3A_535 = vector.broadcast %parallel_loop3A_534 : i32 to vector<16xi32>
      %parallel_loop3A_536 = arith.addi %parallel_loop3A_533, %parallel_loop3A_535 : vector<16xi32>
      %parallel_loop3A_537 = tpu.vector_load_idx %arg6[%parallel_loop3A_536] : memref<7878xf32, #tpu.memory_space<vmem>>[vector<16xi32>], vector<16xf32>,
      %parallel_loop3A_538 = arith.constant 45 : i32
      %parallel_loop3A_539 = arith.index_cast %parallel_loop3A_538 : i32 to index
      %parallel_loop3A_540 = arith.index_cast %parallel_loop3A_13 : i32 to index
      %parallel_loop3A_541 = tpu.vector_load %arg7[%parallel_loop3A_539, %parallel_loop3A_540] {strides = array<i32>} : memref<78x512xf32, #tpu.memory_space<vmem>>, vector<16xf32>,
      tpu.vector_store %arg7[%parallel_loop3A_539, %parallel_loop3A_540], %parallel_loop3A_537 {strides = array<i32>} : memref<78x512xf32, #tpu.memory_space<vmem>>, vector<16xf32>,
      %parallel_loop3A_542 = arith.constant 1 : i32
      %parallel_loop3A_543 = vector.broadcast %parallel_loop3A_542 : i32 to vector<16xi32>
      %parallel_loop3A_544 = arith.addi %parallel_loop3A_533, %parallel_loop3A_543 : vector<16xi32>
      %parallel_loop3A_545 = tpu.vector_load_idx %arg6[%parallel_loop3A_544] : memref<7878xf32, #tpu.memory_space<vmem>>[vector<16xi32>], vector<16xf32>,
      %parallel_loop3A_546 = arith.constant 46 : i32
      %parallel_loop3A_547 = arith.index_cast %parallel_loop3A_546 : i32 to index
      %parallel_loop3A_548 = arith.index_cast %parallel_loop3A_13 : i32 to index
      %parallel_loop3A_549 = tpu.vector_load %arg7[%parallel_loop3A_547, %parallel_loop3A_548] {strides = array<i32>} : memref<78x512xf32, #tpu.memory_space<vmem>>, vector<16xf32>,
      tpu.vector_store %arg7[%parallel_loop3A_547, %parallel_loop3A_548], %parallel_loop3A_545 {strides = array<i32>} : memref<78x512xf32, #tpu.memory_space<vmem>>, vector<16xf32>,
      %parallel_loop3A_550 = arith.constant 2 : i32
      %parallel_loop3A_551 = vector.broadcast %parallel_loop3A_550 : i32 to vector<16xi32>
      %parallel_loop3A_552 = arith.addi %parallel_loop3A_533, %parallel_loop3A_551 : vector<16xi32>
      %parallel_loop3A_553 = tpu.vector_load_idx %arg6[%parallel_loop3A_552] : memref<7878xf32, #tpu.memory_space<vmem>>[vector<16xi32>], vector<16xf32>,
      %parallel_loop3A_554 = arith.constant 47 : i32
      %parallel_loop3A_555 = arith.index_cast %parallel_loop3A_554 : i32 to index
      %parallel_loop3A_556 = arith.index_cast %parallel_loop3A_13 : i32 to index
      %parallel_loop3A_557 = tpu.vector_load %arg7[%parallel_loop3A_555, %parallel_loop3A_556] {strides = array<i32>} : memref<78x512xf32, #tpu.memory_space<vmem>>, vector<16xf32>,
      tpu.vector_store %arg7[%parallel_loop3A_555, %parallel_loop3A_556], %parallel_loop3A_553 {strides = array<i32>} : memref<78x512xf32, #tpu.memory_space<vmem>>, vector<16xf32>,
      %parallel_loop3A_558 = arith.constant 16 : i32
      %parallel_loop3A_559 = arith.index_cast %parallel_loop3A_558 : i32 to index
      %parallel_loop3A_560 = arith.index_cast %parallel_loop3A_13 : i32 to index
      %parallel_loop3A_561 = tpu.vector_load %arg5[%parallel_loop3A_559, %parallel_loop3A_560] {strides = array<i32>} : memref<26x512xi32, #tpu.memory_space<vmem>>, vector<16xi32>,
      %parallel_loop3A_562 = arith.constant 3 : i32
      %parallel_loop3A_563 = vector.broadcast %parallel_loop3A_562 : i32 to vector<16xi32>
      %parallel_loop3A_564 = arith.muli %parallel_loop3A_561, %parallel_loop3A_563 : vector<16xi32>
      %parallel_loop3A_565 = arith.constant 4848 : i32
      %parallel_loop3A_566 = vector.broadcast %parallel_loop3A_565 : i32 to vector<16xi32>
      %parallel_loop3A_567 = arith.addi %parallel_loop3A_564, %parallel_loop3A_566 : vector<16xi32>
      %parallel_loop3A_568 = arith.constant 0 : i32
      %parallel_loop3A_569 = vector.broadcast %parallel_loop3A_568 : i32 to vector<16xi32>
      %parallel_loop3A_570 = arith.addi %parallel_loop3A_567, %parallel_loop3A_569 : vector<16xi32>
      %parallel_loop3A_571 = tpu.vector_load_idx %arg6[%parallel_loop3A_570] : memref<7878xf32, #tpu.memory_space<vmem>>[vector<16xi32>], vector<16xf32>,
      %parallel_loop3A_572 = arith.constant 48 : i32
      %parallel_loop3A_573 = arith.index_cast %parallel_loop3A_572 : i32 to index
      %parallel_loop3A_574 = arith.index_cast %parallel_loop3A_13 : i32 to index
      %parallel_loop3A_575 = tpu.vector_load %arg7[%parallel_loop3A_573, %parallel_loop3A_574] {strides = array<i32>} : memref<78x512xf32, #tpu.memory_space<vmem>>, vector<16xf32>,
      tpu.vector_store %arg7[%parallel_loop3A_573, %parallel_loop3A_574], %parallel_loop3A_571 {strides = array<i32>} : memref<78x512xf32, #tpu.memory_space<vmem>>, vector<16xf32>,
      %parallel_loop3A_576 = arith.constant 1 : i32
      %parallel_loop3A_577 = vector.broadcast %parallel_loop3A_576 : i32 to vector<16xi32>
      %parallel_loop3A_578 = arith.addi %parallel_loop3A_567, %parallel_loop3A_577 : vector<16xi32>
      %parallel_loop3A_579 = tpu.vector_load_idx %arg6[%parallel_loop3A_578] : memref<7878xf32, #tpu.memory_space<vmem>>[vector<16xi32>], vector<16xf32>,
      %parallel_loop3A_580 = arith.constant 49 : i32
      %parallel_loop3A_581 = arith.index_cast %parallel_loop3A_580 : i32 to index
      %parallel_loop3A_582 = arith.index_cast %parallel_loop3A_13 : i32 to index
      %parallel_loop3A_583 = tpu.vector_load %arg7[%parallel_loop3A_581, %parallel_loop3A_582] {strides = array<i32>} : memref<78x512xf32, #tpu.memory_space<vmem>>, vector<16xf32>,
      tpu.vector_store %arg7[%parallel_loop3A_581, %parallel_loop3A_582], %parallel_loop3A_579 {strides = array<i32>} : memref<78x512xf32, #tpu.memory_space<vmem>>, vector<16xf32>,
      %parallel_loop3A_584 = arith.constant 2 : i32
      %parallel_loop3A_585 = vector.broadcast %parallel_loop3A_584 : i32 to vector<16xi32>
      %parallel_loop3A_586 = arith.addi %parallel_loop3A_567, %parallel_loop3A_585 : vector<16xi32>
      %parallel_loop3A_587 = tpu.vector_load_idx %arg6[%parallel_loop3A_586] : memref<7878xf32, #tpu.memory_space<vmem>>[vector<16xi32>], vector<16xf32>,
      %parallel_loop3A_588 = arith.constant 50 : i32
      %parallel_loop3A_589 = arith.index_cast %parallel_loop3A_588 : i32 to index
      %parallel_loop3A_590 = arith.index_cast %parallel_loop3A_13 : i32 to index
      %parallel_loop3A_591 = tpu.vector_load %arg7[%parallel_loop3A_589, %parallel_loop3A_590] {strides = array<i32>} : memref<78x512xf32, #tpu.memory_space<vmem>>, vector<16xf32>,
      tpu.vector_store %arg7[%parallel_loop3A_589, %parallel_loop3A_590], %parallel_loop3A_587 {strides = array<i32>} : memref<78x512xf32, #tpu.memory_space<vmem>>, vector<16xf32>,
      %parallel_loop3A_592 = arith.constant 17 : i32
      %parallel_loop3A_593 = arith.index_cast %parallel_loop3A_592 : i32 to index
      %parallel_loop3A_594 = arith.index_cast %parallel_loop3A_13 : i32 to index
      %parallel_loop3A_595 = tpu.vector_load %arg5[%parallel_loop3A_593, %parallel_loop3A_594] {strides = array<i32>} : memref<26x512xi32, #tpu.memory_space<vmem>>, vector<16xi32>,
      %parallel_loop3A_596 = arith.constant 3 : i32
      %parallel_loop3A_597 = vector.broadcast %parallel_loop3A_596 : i32 to vector<16xi32>
      %parallel_loop3A_598 = arith.muli %parallel_loop3A_595, %parallel_loop3A_597 : vector<16xi32>
      %parallel_loop3A_599 = arith.constant 5151 : i32
      %parallel_loop3A_600 = vector.broadcast %parallel_loop3A_599 : i32 to vector<16xi32>
      %parallel_loop3A_601 = arith.addi %parallel_loop3A_598, %parallel_loop3A_600 : vector<16xi32>
      %parallel_loop3A_602 = arith.constant 0 : i32
      %parallel_loop3A_603 = vector.broadcast %parallel_loop3A_602 : i32 to vector<16xi32>
      %parallel_loop3A_604 = arith.addi %parallel_loop3A_601, %parallel_loop3A_603 : vector<16xi32>
      %parallel_loop3A_605 = tpu.vector_load_idx %arg6[%parallel_loop3A_604] : memref<7878xf32, #tpu.memory_space<vmem>>[vector<16xi32>], vector<16xf32>,
      %parallel_loop3A_606 = arith.constant 51 : i32
      %parallel_loop3A_607 = arith.index_cast %parallel_loop3A_606 : i32 to index
      %parallel_loop3A_608 = arith.index_cast %parallel_loop3A_13 : i32 to index
      %parallel_loop3A_609 = tpu.vector_load %arg7[%parallel_loop3A_607, %parallel_loop3A_608] {strides = array<i32>} : memref<78x512xf32, #tpu.memory_space<vmem>>, vector<16xf32>,
      tpu.vector_store %arg7[%parallel_loop3A_607, %parallel_loop3A_608], %parallel_loop3A_605 {strides = array<i32>} : memref<78x512xf32, #tpu.memory_space<vmem>>, vector<16xf32>,
      %parallel_loop3A_610 = arith.constant 1 : i32
      %parallel_loop3A_611 = vector.broadcast %parallel_loop3A_610 : i32 to vector<16xi32>
      %parallel_loop3A_612 = arith.addi %parallel_loop3A_601, %parallel_loop3A_611 : vector<16xi32>
      %parallel_loop3A_613 = tpu.vector_load_idx %arg6[%parallel_loop3A_612] : memref<7878xf32, #tpu.memory_space<vmem>>[vector<16xi32>], vector<16xf32>,
      %parallel_loop3A_614 = arith.constant 52 : i32
      %parallel_loop3A_615 = arith.index_cast %parallel_loop3A_614 : i32 to index
      %parallel_loop3A_616 = arith.index_cast %parallel_loop3A_13 : i32 to index
      %parallel_loop3A_617 = tpu.vector_load %arg7[%parallel_loop3A_615, %parallel_loop3A_616] {strides = array<i32>} : memref<78x512xf32, #tpu.memory_space<vmem>>, vector<16xf32>,
      tpu.vector_store %arg7[%parallel_loop3A_615, %parallel_loop3A_616], %parallel_loop3A_613 {strides = array<i32>} : memref<78x512xf32, #tpu.memory_space<vmem>>, vector<16xf32>,
      %parallel_loop3A_618 = arith.constant 2 : i32
      %parallel_loop3A_619 = vector.broadcast %parallel_loop3A_618 : i32 to vector<16xi32>
      %parallel_loop3A_620 = arith.addi %parallel_loop3A_601, %parallel_loop3A_619 : vector<16xi32>
      %parallel_loop3A_621 = tpu.vector_load_idx %arg6[%parallel_loop3A_620] : memref<7878xf32, #tpu.memory_space<vmem>>[vector<16xi32>], vector<16xf32>,
      %parallel_loop3A_622 = arith.constant 53 : i32
      %parallel_loop3A_623 = arith.index_cast %parallel_loop3A_622 : i32 to index
      %parallel_loop3A_624 = arith.index_cast %parallel_loop3A_13 : i32 to index
      %parallel_loop3A_625 = tpu.vector_load %arg7[%parallel_loop3A_623, %parallel_loop3A_624] {strides = array<i32>} : memref<78x512xf32, #tpu.memory_space<vmem>>, vector<16xf32>,
      tpu.vector_store %arg7[%parallel_loop3A_623, %parallel_loop3A_624], %parallel_loop3A_621 {strides = array<i32>} : memref<78x512xf32, #tpu.memory_space<vmem>>, vector<16xf32>,
      %parallel_loop3A_626 = arith.constant 18 : i32
      %parallel_loop3A_627 = arith.index_cast %parallel_loop3A_626 : i32 to index
      %parallel_loop3A_628 = arith.index_cast %parallel_loop3A_13 : i32 to index
      %parallel_loop3A_629 = tpu.vector_load %arg5[%parallel_loop3A_627, %parallel_loop3A_628] {strides = array<i32>} : memref<26x512xi32, #tpu.memory_space<vmem>>, vector<16xi32>,
      %parallel_loop3A_630 = arith.constant 3 : i32
      %parallel_loop3A_631 = vector.broadcast %parallel_loop3A_630 : i32 to vector<16xi32>
      %parallel_loop3A_632 = arith.muli %parallel_loop3A_629, %parallel_loop3A_631 : vector<16xi32>
      %parallel_loop3A_633 = arith.constant 5454 : i32
      %parallel_loop3A_634 = vector.broadcast %parallel_loop3A_633 : i32 to vector<16xi32>
      %parallel_loop3A_635 = arith.addi %parallel_loop3A_632, %parallel_loop3A_634 : vector<16xi32>
      %parallel_loop3A_636 = arith.constant 0 : i32
      %parallel_loop3A_637 = vector.broadcast %parallel_loop3A_636 : i32 to vector<16xi32>
      %parallel_loop3A_638 = arith.addi %parallel_loop3A_635, %parallel_loop3A_637 : vector<16xi32>
      %parallel_loop3A_639 = tpu.vector_load_idx %arg6[%parallel_loop3A_638] : memref<7878xf32, #tpu.memory_space<vmem>>[vector<16xi32>], vector<16xf32>,
      %parallel_loop3A_640 = arith.constant 54 : i32
      %parallel_loop3A_641 = arith.index_cast %parallel_loop3A_640 : i32 to index
      %parallel_loop3A_642 = arith.index_cast %parallel_loop3A_13 : i32 to index
      %parallel_loop3A_643 = tpu.vector_load %arg7[%parallel_loop3A_641, %parallel_loop3A_642] {strides = array<i32>} : memref<78x512xf32, #tpu.memory_space<vmem>>, vector<16xf32>,
      tpu.vector_store %arg7[%parallel_loop3A_641, %parallel_loop3A_642], %parallel_loop3A_639 {strides = array<i32>} : memref<78x512xf32, #tpu.memory_space<vmem>>, vector<16xf32>,
      %parallel_loop3A_644 = arith.constant 1 : i32
      %parallel_loop3A_645 = vector.broadcast %parallel_loop3A_644 : i32 to vector<16xi32>
      %parallel_loop3A_646 = arith.addi %parallel_loop3A_635, %parallel_loop3A_645 : vector<16xi32>
      %parallel_loop3A_647 = tpu.vector_load_idx %arg6[%parallel_loop3A_646] : memref<7878xf32, #tpu.memory_space<vmem>>[vector<16xi32>], vector<16xf32>,
      %parallel_loop3A_648 = arith.constant 55 : i32
      %parallel_loop3A_649 = arith.index_cast %parallel_loop3A_648 : i32 to index
      %parallel_loop3A_650 = arith.index_cast %parallel_loop3A_13 : i32 to index
      %parallel_loop3A_651 = tpu.vector_load %arg7[%parallel_loop3A_649, %parallel_loop3A_650] {strides = array<i32>} : memref<78x512xf32, #tpu.memory_space<vmem>>, vector<16xf32>,
      tpu.vector_store %arg7[%parallel_loop3A_649, %parallel_loop3A_650], %parallel_loop3A_647 {strides = array<i32>} : memref<78x512xf32, #tpu.memory_space<vmem>>, vector<16xf32>,
      %parallel_loop3A_652 = arith.constant 2 : i32
      %parallel_loop3A_653 = vector.broadcast %parallel_loop3A_652 : i32 to vector<16xi32>
      %parallel_loop3A_654 = arith.addi %parallel_loop3A_635, %parallel_loop3A_653 : vector<16xi32>
      %parallel_loop3A_655 = tpu.vector_load_idx %arg6[%parallel_loop3A_654] : memref<7878xf32, #tpu.memory_space<vmem>>[vector<16xi32>], vector<16xf32>,
      %parallel_loop3A_656 = arith.constant 56 : i32
      %parallel_loop3A_657 = arith.index_cast %parallel_loop3A_656 : i32 to index
      %parallel_loop3A_658 = arith.index_cast %parallel_loop3A_13 : i32 to index
      %parallel_loop3A_659 = tpu.vector_load %arg7[%parallel_loop3A_657, %parallel_loop3A_658] {strides = array<i32>} : memref<78x512xf32, #tpu.memory_space<vmem>>, vector<16xf32>,
      tpu.vector_store %arg7[%parallel_loop3A_657, %parallel_loop3A_658], %parallel_loop3A_655 {strides = array<i32>} : memref<78x512xf32, #tpu.memory_space<vmem>>, vector<16xf32>,
      %parallel_loop3A_660 = arith.constant 19 : i32
      %parallel_loop3A_661 = arith.index_cast %parallel_loop3A_660 : i32 to index
      %parallel_loop3A_662 = arith.index_cast %parallel_loop3A_13 : i32 to index
      %parallel_loop3A_663 = tpu.vector_load %arg5[%parallel_loop3A_661, %parallel_loop3A_662] {strides = array<i32>} : memref<26x512xi32, #tpu.memory_space<vmem>>, vector<16xi32>,
      %parallel_loop3A_664 = arith.constant 3 : i32
      %parallel_loop3A_665 = vector.broadcast %parallel_loop3A_664 : i32 to vector<16xi32>
      %parallel_loop3A_666 = arith.muli %parallel_loop3A_663, %parallel_loop3A_665 : vector<16xi32>
      %parallel_loop3A_667 = arith.constant 5757 : i32
      %parallel_loop3A_668 = vector.broadcast %parallel_loop3A_667 : i32 to vector<16xi32>
      %parallel_loop3A_669 = arith.addi %parallel_loop3A_666, %parallel_loop3A_668 : vector<16xi32>
      %parallel_loop3A_670 = arith.constant 0 : i32
      %parallel_loop3A_671 = vector.broadcast %parallel_loop3A_670 : i32 to vector<16xi32>
      %parallel_loop3A_672 = arith.addi %parallel_loop3A_669, %parallel_loop3A_671 : vector<16xi32>
      %parallel_loop3A_673 = tpu.vector_load_idx %arg6[%parallel_loop3A_672] : memref<7878xf32, #tpu.memory_space<vmem>>[vector<16xi32>], vector<16xf32>,
      %parallel_loop3A_674 = arith.constant 57 : i32
      %parallel_loop3A_675 = arith.index_cast %parallel_loop3A_674 : i32 to index
      %parallel_loop3A_676 = arith.index_cast %parallel_loop3A_13 : i32 to index
      %parallel_loop3A_677 = tpu.vector_load %arg7[%parallel_loop3A_675, %parallel_loop3A_676] {strides = array<i32>} : memref<78x512xf32, #tpu.memory_space<vmem>>, vector<16xf32>,
      tpu.vector_store %arg7[%parallel_loop3A_675, %parallel_loop3A_676], %parallel_loop3A_673 {strides = array<i32>} : memref<78x512xf32, #tpu.memory_space<vmem>>, vector<16xf32>,
      %parallel_loop3A_678 = arith.constant 1 : i32
      %parallel_loop3A_679 = vector.broadcast %parallel_loop3A_678 : i32 to vector<16xi32>
      %parallel_loop3A_680 = arith.addi %parallel_loop3A_669, %parallel_loop3A_679 : vector<16xi32>
      %parallel_loop3A_681 = tpu.vector_load_idx %arg6[%parallel_loop3A_680] : memref<7878xf32, #tpu.memory_space<vmem>>[vector<16xi32>], vector<16xf32>,
      %parallel_loop3A_682 = arith.constant 58 : i32
      %parallel_loop3A_683 = arith.index_cast %parallel_loop3A_682 : i32 to index
      %parallel_loop3A_684 = arith.index_cast %parallel_loop3A_13 : i32 to index
      %parallel_loop3A_685 = tpu.vector_load %arg7[%parallel_loop3A_683, %parallel_loop3A_684] {strides = array<i32>} : memref<78x512xf32, #tpu.memory_space<vmem>>, vector<16xf32>,
      tpu.vector_store %arg7[%parallel_loop3A_683, %parallel_loop3A_684], %parallel_loop3A_681 {strides = array<i32>} : memref<78x512xf32, #tpu.memory_space<vmem>>, vector<16xf32>,
      %parallel_loop3A_686 = arith.constant 2 : i32
      %parallel_loop3A_687 = vector.broadcast %parallel_loop3A_686 : i32 to vector<16xi32>
      %parallel_loop3A_688 = arith.addi %parallel_loop3A_669, %parallel_loop3A_687 : vector<16xi32>
      %parallel_loop3A_689 = tpu.vector_load_idx %arg6[%parallel_loop3A_688] : memref<7878xf32, #tpu.memory_space<vmem>>[vector<16xi32>], vector<16xf32>,
      %parallel_loop3A_690 = arith.constant 59 : i32
      %parallel_loop3A_691 = arith.index_cast %parallel_loop3A_690 : i32 to index
      %parallel_loop3A_692 = arith.index_cast %parallel_loop3A_13 : i32 to index
      %parallel_loop3A_693 = tpu.vector_load %arg7[%parallel_loop3A_691, %parallel_loop3A_692] {strides = array<i32>} : memref<78x512xf32, #tpu.memory_space<vmem>>, vector<16xf32>,
      tpu.vector_store %arg7[%parallel_loop3A_691, %parallel_loop3A_692], %parallel_loop3A_689 {strides = array<i32>} : memref<78x512xf32, #tpu.memory_space<vmem>>, vector<16xf32>,
      %parallel_loop3A_694 = arith.constant 20 : i32
      %parallel_loop3A_695 = arith.index_cast %parallel_loop3A_694 : i32 to index
      %parallel_loop3A_696 = arith.index_cast %parallel_loop3A_13 : i32 to index
      %parallel_loop3A_697 = tpu.vector_load %arg5[%parallel_loop3A_695, %parallel_loop3A_696] {strides = array<i32>} : memref<26x512xi32, #tpu.memory_space<vmem>>, vector<16xi32>,
      %parallel_loop3A_698 = arith.constant 3 : i32
      %parallel_loop3A_699 = vector.broadcast %parallel_loop3A_698 : i32 to vector<16xi32>
      %parallel_loop3A_700 = arith.muli %parallel_loop3A_697, %parallel_loop3A_699 : vector<16xi32>
      %parallel_loop3A_701 = arith.constant 6060 : i32
      %parallel_loop3A_702 = vector.broadcast %parallel_loop3A_701 : i32 to vector<16xi32>
      %parallel_loop3A_703 = arith.addi %parallel_loop3A_700, %parallel_loop3A_702 : vector<16xi32>
      %parallel_loop3A_704 = arith.constant 0 : i32
      %parallel_loop3A_705 = vector.broadcast %parallel_loop3A_704 : i32 to vector<16xi32>
      %parallel_loop3A_706 = arith.addi %parallel_loop3A_703, %parallel_loop3A_705 : vector<16xi32>
      %parallel_loop3A_707 = tpu.vector_load_idx %arg6[%parallel_loop3A_706] : memref<7878xf32, #tpu.memory_space<vmem>>[vector<16xi32>], vector<16xf32>,
      %parallel_loop3A_708 = arith.constant 60 : i32
      %parallel_loop3A_709 = arith.index_cast %parallel_loop3A_708 : i32 to index
      %parallel_loop3A_710 = arith.index_cast %parallel_loop3A_13 : i32 to index
      %parallel_loop3A_711 = tpu.vector_load %arg7[%parallel_loop3A_709, %parallel_loop3A_710] {strides = array<i32>} : memref<78x512xf32, #tpu.memory_space<vmem>>, vector<16xf32>,
      tpu.vector_store %arg7[%parallel_loop3A_709, %parallel_loop3A_710], %parallel_loop3A_707 {strides = array<i32>} : memref<78x512xf32, #tpu.memory_space<vmem>>, vector<16xf32>,
      %parallel_loop3A_712 = arith.constant 1 : i32
      %parallel_loop3A_713 = vector.broadcast %parallel_loop3A_712 : i32 to vector<16xi32>
      %parallel_loop3A_714 = arith.addi %parallel_loop3A_703, %parallel_loop3A_713 : vector<16xi32>
      %parallel_loop3A_715 = tpu.vector_load_idx %arg6[%parallel_loop3A_714] : memref<7878xf32, #tpu.memory_space<vmem>>[vector<16xi32>], vector<16xf32>,
      %parallel_loop3A_716 = arith.constant 61 : i32
      %parallel_loop3A_717 = arith.index_cast %parallel_loop3A_716 : i32 to index
      %parallel_loop3A_718 = arith.index_cast %parallel_loop3A_13 : i32 to index
      %parallel_loop3A_719 = tpu.vector_load %arg7[%parallel_loop3A_717, %parallel_loop3A_718] {strides = array<i32>} : memref<78x512xf32, #tpu.memory_space<vmem>>, vector<16xf32>,
      tpu.vector_store %arg7[%parallel_loop3A_717, %parallel_loop3A_718], %parallel_loop3A_715 {strides = array<i32>} : memref<78x512xf32, #tpu.memory_space<vmem>>, vector<16xf32>,
      %parallel_loop3A_720 = arith.constant 2 : i32
      %parallel_loop3A_721 = vector.broadcast %parallel_loop3A_720 : i32 to vector<16xi32>
      %parallel_loop3A_722 = arith.addi %parallel_loop3A_703, %parallel_loop3A_721 : vector<16xi32>
      %parallel_loop3A_723 = tpu.vector_load_idx %arg6[%parallel_loop3A_722] : memref<7878xf32, #tpu.memory_space<vmem>>[vector<16xi32>], vector<16xf32>,
      %parallel_loop3A_724 = arith.constant 62 : i32
      %parallel_loop3A_725 = arith.index_cast %parallel_loop3A_724 : i32 to index
      %parallel_loop3A_726 = arith.index_cast %parallel_loop3A_13 : i32 to index
      %parallel_loop3A_727 = tpu.vector_load %arg7[%parallel_loop3A_725, %parallel_loop3A_726] {strides = array<i32>} : memref<78x512xf32, #tpu.memory_space<vmem>>, vector<16xf32>,
      tpu.vector_store %arg7[%parallel_loop3A_725, %parallel_loop3A_726], %parallel_loop3A_723 {strides = array<i32>} : memref<78x512xf32, #tpu.memory_space<vmem>>, vector<16xf32>,
      %parallel_loop3A_728 = arith.constant 21 : i32
      %parallel_loop3A_729 = arith.index_cast %parallel_loop3A_728 : i32 to index
      %parallel_loop3A_730 = arith.index_cast %parallel_loop3A_13 : i32 to index
      %parallel_loop3A_731 = tpu.vector_load %arg5[%parallel_loop3A_729, %parallel_loop3A_730] {strides = array<i32>} : memref<26x512xi32, #tpu.memory_space<vmem>>, vector<16xi32>,
      %parallel_loop3A_732 = arith.constant 3 : i32
      %parallel_loop3A_733 = vector.broadcast %parallel_loop3A_732 : i32 to vector<16xi32>
      %parallel_loop3A_734 = arith.muli %parallel_loop3A_731, %parallel_loop3A_733 : vector<16xi32>
      %parallel_loop3A_735 = arith.constant 6363 : i32
      %parallel_loop3A_736 = vector.broadcast %parallel_loop3A_735 : i32 to vector<16xi32>
      %parallel_loop3A_737 = arith.addi %parallel_loop3A_734, %parallel_loop3A_736 : vector<16xi32>
      %parallel_loop3A_738 = arith.constant 0 : i32
      %parallel_loop3A_739 = vector.broadcast %parallel_loop3A_738 : i32 to vector<16xi32>
      %parallel_loop3A_740 = arith.addi %parallel_loop3A_737, %parallel_loop3A_739 : vector<16xi32>
      %parallel_loop3A_741 = tpu.vector_load_idx %arg6[%parallel_loop3A_740] : memref<7878xf32, #tpu.memory_space<vmem>>[vector<16xi32>], vector<16xf32>,
      %parallel_loop3A_742 = arith.constant 63 : i32
      %parallel_loop3A_743 = arith.index_cast %parallel_loop3A_742 : i32 to index
      %parallel_loop3A_744 = arith.index_cast %parallel_loop3A_13 : i32 to index
      %parallel_loop3A_745 = tpu.vector_load %arg7[%parallel_loop3A_743, %parallel_loop3A_744] {strides = array<i32>} : memref<78x512xf32, #tpu.memory_space<vmem>>, vector<16xf32>,
      tpu.vector_store %arg7[%parallel_loop3A_743, %parallel_loop3A_744], %parallel_loop3A_741 {strides = array<i32>} : memref<78x512xf32, #tpu.memory_space<vmem>>, vector<16xf32>,
      %parallel_loop3A_746 = arith.constant 1 : i32
      %parallel_loop3A_747 = vector.broadcast %parallel_loop3A_746 : i32 to vector<16xi32>
      %parallel_loop3A_748 = arith.addi %parallel_loop3A_737, %parallel_loop3A_747 : vector<16xi32>
      %parallel_loop3A_749 = tpu.vector_load_idx %arg6[%parallel_loop3A_748] : memref<7878xf32, #tpu.memory_space<vmem>>[vector<16xi32>], vector<16xf32>,
      %parallel_loop3A_750 = arith.constant 64 : i32
      %parallel_loop3A_751 = arith.index_cast %parallel_loop3A_750 : i32 to index
      %parallel_loop3A_752 = arith.index_cast %parallel_loop3A_13 : i32 to index
      %parallel_loop3A_753 = tpu.vector_load %arg7[%parallel_loop3A_751, %parallel_loop3A_752] {strides = array<i32>} : memref<78x512xf32, #tpu.memory_space<vmem>>, vector<16xf32>,
      tpu.vector_store %arg7[%parallel_loop3A_751, %parallel_loop3A_752], %parallel_loop3A_749 {strides = array<i32>} : memref<78x512xf32, #tpu.memory_space<vmem>>, vector<16xf32>,
      %parallel_loop3A_754 = arith.constant 2 : i32
      %parallel_loop3A_755 = vector.broadcast %parallel_loop3A_754 : i32 to vector<16xi32>
      %parallel_loop3A_756 = arith.addi %parallel_loop3A_737, %parallel_loop3A_755 : vector<16xi32>
      %parallel_loop3A_757 = tpu.vector_load_idx %arg6[%parallel_loop3A_756] : memref<7878xf32, #tpu.memory_space<vmem>>[vector<16xi32>], vector<16xf32>,
      %parallel_loop3A_758 = arith.constant 65 : i32
      %parallel_loop3A_759 = arith.index_cast %parallel_loop3A_758 : i32 to index
      %parallel_loop3A_760 = arith.index_cast %parallel_loop3A_13 : i32 to index
      %parallel_loop3A_761 = tpu.vector_load %arg7[%parallel_loop3A_759, %parallel_loop3A_760] {strides = array<i32>} : memref<78x512xf32, #tpu.memory_space<vmem>>, vector<16xf32>,
      tpu.vector_store %arg7[%parallel_loop3A_759, %parallel_loop3A_760], %parallel_loop3A_757 {strides = array<i32>} : memref<78x512xf32, #tpu.memory_space<vmem>>, vector<16xf32>,
      %parallel_loop3A_762 = arith.constant 22 : i32
      %parallel_loop3A_763 = arith.index_cast %parallel_loop3A_762 : i32 to index
      %parallel_loop3A_764 = arith.index_cast %parallel_loop3A_13 : i32 to index
      %parallel_loop3A_765 = tpu.vector_load %arg5[%parallel_loop3A_763, %parallel_loop3A_764] {strides = array<i32>} : memref<26x512xi32, #tpu.memory_space<vmem>>, vector<16xi32>,
      %parallel_loop3A_766 = arith.constant 3 : i32
      %parallel_loop3A_767 = vector.broadcast %parallel_loop3A_766 : i32 to vector<16xi32>
      %parallel_loop3A_768 = arith.muli %parallel_loop3A_765, %parallel_loop3A_767 : vector<16xi32>
      %parallel_loop3A_769 = arith.constant 6666 : i32
      %parallel_loop3A_770 = vector.broadcast %parallel_loop3A_769 : i32 to vector<16xi32>
      %parallel_loop3A_771 = arith.addi %parallel_loop3A_768, %parallel_loop3A_770 : vector<16xi32>
      %parallel_loop3A_772 = arith.constant 0 : i32
      %parallel_loop3A_773 = vector.broadcast %parallel_loop3A_772 : i32 to vector<16xi32>
      %parallel_loop3A_774 = arith.addi %parallel_loop3A_771, %parallel_loop3A_773 : vector<16xi32>
      %parallel_loop3A_775 = tpu.vector_load_idx %arg6[%parallel_loop3A_774] : memref<7878xf32, #tpu.memory_space<vmem>>[vector<16xi32>], vector<16xf32>,
      %parallel_loop3A_776 = arith.constant 66 : i32
      %parallel_loop3A_777 = arith.index_cast %parallel_loop3A_776 : i32 to index
      %parallel_loop3A_778 = arith.index_cast %parallel_loop3A_13 : i32 to index
      %parallel_loop3A_779 = tpu.vector_load %arg7[%parallel_loop3A_777, %parallel_loop3A_778] {strides = array<i32>} : memref<78x512xf32, #tpu.memory_space<vmem>>, vector<16xf32>,
      tpu.vector_store %arg7[%parallel_loop3A_777, %parallel_loop3A_778], %parallel_loop3A_775 {strides = array<i32>} : memref<78x512xf32, #tpu.memory_space<vmem>>, vector<16xf32>,
      %parallel_loop3A_780 = arith.constant 1 : i32
      %parallel_loop3A_781 = vector.broadcast %parallel_loop3A_780 : i32 to vector<16xi32>
      %parallel_loop3A_782 = arith.addi %parallel_loop3A_771, %parallel_loop3A_781 : vector<16xi32>
      %parallel_loop3A_783 = tpu.vector_load_idx %arg6[%parallel_loop3A_782] : memref<7878xf32, #tpu.memory_space<vmem>>[vector<16xi32>], vector<16xf32>,
      %parallel_loop3A_784 = arith.constant 67 : i32
      %parallel_loop3A_785 = arith.index_cast %parallel_loop3A_784 : i32 to index
      %parallel_loop3A_786 = arith.index_cast %parallel_loop3A_13 : i32 to index
      %parallel_loop3A_787 = tpu.vector_load %arg7[%parallel_loop3A_785, %parallel_loop3A_786] {strides = array<i32>} : memref<78x512xf32, #tpu.memory_space<vmem>>, vector<16xf32>,
      tpu.vector_store %arg7[%parallel_loop3A_785, %parallel_loop3A_786], %parallel_loop3A_783 {strides = array<i32>} : memref<78x512xf32, #tpu.memory_space<vmem>>, vector<16xf32>,
      %parallel_loop3A_788 = arith.constant 2 : i32
      %parallel_loop3A_789 = vector.broadcast %parallel_loop3A_788 : i32 to vector<16xi32>
      %parallel_loop3A_790 = arith.addi %parallel_loop3A_771, %parallel_loop3A_789 : vector<16xi32>
      %parallel_loop3A_791 = tpu.vector_load_idx %arg6[%parallel_loop3A_790] : memref<7878xf32, #tpu.memory_space<vmem>>[vector<16xi32>], vector<16xf32>,
      %parallel_loop3A_792 = arith.constant 68 : i32
      %parallel_loop3A_793 = arith.index_cast %parallel_loop3A_792 : i32 to index
      %parallel_loop3A_794 = arith.index_cast %parallel_loop3A_13 : i32 to index
      %parallel_loop3A_795 = tpu.vector_load %arg7[%parallel_loop3A_793, %parallel_loop3A_794] {strides = array<i32>} : memref<78x512xf32, #tpu.memory_space<vmem>>, vector<16xf32>,
      tpu.vector_store %arg7[%parallel_loop3A_793, %parallel_loop3A_794], %parallel_loop3A_791 {strides = array<i32>} : memref<78x512xf32, #tpu.memory_space<vmem>>, vector<16xf32>,
      %parallel_loop3A_796 = arith.constant 23 : i32
      %parallel_loop3A_797 = arith.index_cast %parallel_loop3A_796 : i32 to index
      %parallel_loop3A_798 = arith.index_cast %parallel_loop3A_13 : i32 to index
      %parallel_loop3A_799 = tpu.vector_load %arg5[%parallel_loop3A_797, %parallel_loop3A_798] {strides = array<i32>} : memref<26x512xi32, #tpu.memory_space<vmem>>, vector<16xi32>,
      %parallel_loop3A_800 = arith.constant 3 : i32
      %parallel_loop3A_801 = vector.broadcast %parallel_loop3A_800 : i32 to vector<16xi32>
      %parallel_loop3A_802 = arith.muli %parallel_loop3A_799, %parallel_loop3A_801 : vector<16xi32>
      %parallel_loop3A_803 = arith.constant 6969 : i32
      %parallel_loop3A_804 = vector.broadcast %parallel_loop3A_803 : i32 to vector<16xi32>
      %parallel_loop3A_805 = arith.addi %parallel_loop3A_802, %parallel_loop3A_804 : vector<16xi32>
      %parallel_loop3A_806 = arith.constant 0 : i32
      %parallel_loop3A_807 = vector.broadcast %parallel_loop3A_806 : i32 to vector<16xi32>
      %parallel_loop3A_808 = arith.addi %parallel_loop3A_805, %parallel_loop3A_807 : vector<16xi32>
      %parallel_loop3A_809 = tpu.vector_load_idx %arg6[%parallel_loop3A_808] : memref<7878xf32, #tpu.memory_space<vmem>>[vector<16xi32>], vector<16xf32>,
      %parallel_loop3A_810 = arith.constant 69 : i32
      %parallel_loop3A_811 = arith.index_cast %parallel_loop3A_810 : i32 to index
      %parallel_loop3A_812 = arith.index_cast %parallel_loop3A_13 : i32 to index
      %parallel_loop3A_813 = tpu.vector_load %arg7[%parallel_loop3A_811, %parallel_loop3A_812] {strides = array<i32>} : memref<78x512xf32, #tpu.memory_space<vmem>>, vector<16xf32>,
      tpu.vector_store %arg7[%parallel_loop3A_811, %parallel_loop3A_812], %parallel_loop3A_809 {strides = array<i32>} : memref<78x512xf32, #tpu.memory_space<vmem>>, vector<16xf32>,
      %parallel_loop3A_814 = arith.constant 1 : i32
      %parallel_loop3A_815 = vector.broadcast %parallel_loop3A_814 : i32 to vector<16xi32>
      %parallel_loop3A_816 = arith.addi %parallel_loop3A_805, %parallel_loop3A_815 : vector<16xi32>
      %parallel_loop3A_817 = tpu.vector_load_idx %arg6[%parallel_loop3A_816] : memref<7878xf32, #tpu.memory_space<vmem>>[vector<16xi32>], vector<16xf32>,
      %parallel_loop3A_818 = arith.constant 70 : i32
      %parallel_loop3A_819 = arith.index_cast %parallel_loop3A_818 : i32 to index
      %parallel_loop3A_820 = arith.index_cast %parallel_loop3A_13 : i32 to index
      %parallel_loop3A_821 = tpu.vector_load %arg7[%parallel_loop3A_819, %parallel_loop3A_820] {strides = array<i32>} : memref<78x512xf32, #tpu.memory_space<vmem>>, vector<16xf32>,
      tpu.vector_store %arg7[%parallel_loop3A_819, %parallel_loop3A_820], %parallel_loop3A_817 {strides = array<i32>} : memref<78x512xf32, #tpu.memory_space<vmem>>, vector<16xf32>,
      %parallel_loop3A_822 = arith.constant 2 : i32
      %parallel_loop3A_823 = vector.broadcast %parallel_loop3A_822 : i32 to vector<16xi32>
      %parallel_loop3A_824 = arith.addi %parallel_loop3A_805, %parallel_loop3A_823 : vector<16xi32>
      %parallel_loop3A_825 = tpu.vector_load_idx %arg6[%parallel_loop3A_824] : memref<7878xf32, #tpu.memory_space<vmem>>[vector<16xi32>], vector<16xf32>,
      %parallel_loop3A_826 = arith.constant 71 : i32
      %parallel_loop3A_827 = arith.index_cast %parallel_loop3A_826 : i32 to index
      %parallel_loop3A_828 = arith.index_cast %parallel_loop3A_13 : i32 to index
      %parallel_loop3A_829 = tpu.vector_load %arg7[%parallel_loop3A_827, %parallel_loop3A_828] {strides = array<i32>} : memref<78x512xf32, #tpu.memory_space<vmem>>, vector<16xf32>,
      tpu.vector_store %arg7[%parallel_loop3A_827, %parallel_loop3A_828], %parallel_loop3A_825 {strides = array<i32>} : memref<78x512xf32, #tpu.memory_space<vmem>>, vector<16xf32>,
      %parallel_loop3A_830 = arith.constant 24 : i32
      %parallel_loop3A_831 = arith.index_cast %parallel_loop3A_830 : i32 to index
      %parallel_loop3A_832 = arith.index_cast %parallel_loop3A_13 : i32 to index
      %parallel_loop3A_833 = tpu.vector_load %arg5[%parallel_loop3A_831, %parallel_loop3A_832] {strides = array<i32>} : memref<26x512xi32, #tpu.memory_space<vmem>>, vector<16xi32>,
      %parallel_loop3A_834 = arith.constant 3 : i32
      %parallel_loop3A_835 = vector.broadcast %parallel_loop3A_834 : i32 to vector<16xi32>
      %parallel_loop3A_836 = arith.muli %parallel_loop3A_833, %parallel_loop3A_835 : vector<16xi32>
      %parallel_loop3A_837 = arith.constant 7272 : i32
      %parallel_loop3A_838 = vector.broadcast %parallel_loop3A_837 : i32 to vector<16xi32>
      %parallel_loop3A_839 = arith.addi %parallel_loop3A_836, %parallel_loop3A_838 : vector<16xi32>
      %parallel_loop3A_840 = arith.constant 0 : i32
      %parallel_loop3A_841 = vector.broadcast %parallel_loop3A_840 : i32 to vector<16xi32>
      %parallel_loop3A_842 = arith.addi %parallel_loop3A_839, %parallel_loop3A_841 : vector<16xi32>
      %parallel_loop3A_843 = tpu.vector_load_idx %arg6[%parallel_loop3A_842] : memref<7878xf32, #tpu.memory_space<vmem>>[vector<16xi32>], vector<16xf32>,
      %parallel_loop3A_844 = arith.constant 72 : i32
      %parallel_loop3A_845 = arith.index_cast %parallel_loop3A_844 : i32 to index
      %parallel_loop3A_846 = arith.index_cast %parallel_loop3A_13 : i32 to index
      %parallel_loop3A_847 = tpu.vector_load %arg7[%parallel_loop3A_845, %parallel_loop3A_846] {strides = array<i32>} : memref<78x512xf32, #tpu.memory_space<vmem>>, vector<16xf32>,
      tpu.vector_store %arg7[%parallel_loop3A_845, %parallel_loop3A_846], %parallel_loop3A_843 {strides = array<i32>} : memref<78x512xf32, #tpu.memory_space<vmem>>, vector<16xf32>,
      %parallel_loop3A_848 = arith.constant 1 : i32
      %parallel_loop3A_849 = vector.broadcast %parallel_loop3A_848 : i32 to vector<16xi32>
      %parallel_loop3A_850 = arith.addi %parallel_loop3A_839, %parallel_loop3A_849 : vector<16xi32>
      %parallel_loop3A_851 = tpu.vector_load_idx %arg6[%parallel_loop3A_850] : memref<7878xf32, #tpu.memory_space<vmem>>[vector<16xi32>], vector<16xf32>,
      %parallel_loop3A_852 = arith.constant 73 : i32
      %parallel_loop3A_853 = arith.index_cast %parallel_loop3A_852 : i32 to index
      %parallel_loop3A_854 = arith.index_cast %parallel_loop3A_13 : i32 to index
      %parallel_loop3A_855 = tpu.vector_load %arg7[%parallel_loop3A_853, %parallel_loop3A_854] {strides = array<i32>} : memref<78x512xf32, #tpu.memory_space<vmem>>, vector<16xf32>,
      tpu.vector_store %arg7[%parallel_loop3A_853, %parallel_loop3A_854], %parallel_loop3A_851 {strides = array<i32>} : memref<78x512xf32, #tpu.memory_space<vmem>>, vector<16xf32>,
      %parallel_loop3A_856 = arith.constant 2 : i32
      %parallel_loop3A_857 = vector.broadcast %parallel_loop3A_856 : i32 to vector<16xi32>
      %parallel_loop3A_858 = arith.addi %parallel_loop3A_839, %parallel_loop3A_857 : vector<16xi32>
      %parallel_loop3A_859 = tpu.vector_load_idx %arg6[%parallel_loop3A_858] : memref<7878xf32, #tpu.memory_space<vmem>>[vector<16xi32>], vector<16xf32>,
      %parallel_loop3A_860 = arith.constant 74 : i32
      %parallel_loop3A_861 = arith.index_cast %parallel_loop3A_860 : i32 to index
      %parallel_loop3A_862 = arith.index_cast %parallel_loop3A_13 : i32 to index
      %parallel_loop3A_863 = tpu.vector_load %arg7[%parallel_loop3A_861, %parallel_loop3A_862] {strides = array<i32>} : memref<78x512xf32, #tpu.memory_space<vmem>>, vector<16xf32>,
      tpu.vector_store %arg7[%parallel_loop3A_861, %parallel_loop3A_862], %parallel_loop3A_859 {strides = array<i32>} : memref<78x512xf32, #tpu.memory_space<vmem>>, vector<16xf32>,
      %parallel_loop3A_864 = arith.constant 25 : i32
      %parallel_loop3A_865 = arith.index_cast %parallel_loop3A_864 : i32 to index
      %parallel_loop3A_866 = arith.index_cast %parallel_loop3A_13 : i32 to index
      %parallel_loop3A_867 = tpu.vector_load %arg5[%parallel_loop3A_865, %parallel_loop3A_866] {strides = array<i32>} : memref<26x512xi32, #tpu.memory_space<vmem>>, vector<16xi32>,
      %parallel_loop3A_868 = arith.constant 3 : i32
      %parallel_loop3A_869 = vector.broadcast %parallel_loop3A_868 : i32 to vector<16xi32>
      %parallel_loop3A_870 = arith.muli %parallel_loop3A_867, %parallel_loop3A_869 : vector<16xi32>
      %parallel_loop3A_871 = arith.constant 7575 : i32
      %parallel_loop3A_872 = vector.broadcast %parallel_loop3A_871 : i32 to vector<16xi32>
      %parallel_loop3A_873 = arith.addi %parallel_loop3A_870, %parallel_loop3A_872 : vector<16xi32>
      %parallel_loop3A_874 = arith.constant 0 : i32
      %parallel_loop3A_875 = vector.broadcast %parallel_loop3A_874 : i32 to vector<16xi32>
      %parallel_loop3A_876 = arith.addi %parallel_loop3A_873, %parallel_loop3A_875 : vector<16xi32>
      %parallel_loop3A_877 = tpu.vector_load_idx %arg6[%parallel_loop3A_876] : memref<7878xf32, #tpu.memory_space<vmem>>[vector<16xi32>], vector<16xf32>,
      %parallel_loop3A_878 = arith.constant 75 : i32
      %parallel_loop3A_879 = arith.index_cast %parallel_loop3A_878 : i32 to index
      %parallel_loop3A_880 = arith.index_cast %parallel_loop3A_13 : i32 to index
      %parallel_loop3A_881 = tpu.vector_load %arg7[%parallel_loop3A_879, %parallel_loop3A_880] {strides = array<i32>} : memref<78x512xf32, #tpu.memory_space<vmem>>, vector<16xf32>,
      tpu.vector_store %arg7[%parallel_loop3A_879, %parallel_loop3A_880], %parallel_loop3A_877 {strides = array<i32>} : memref<78x512xf32, #tpu.memory_space<vmem>>, vector<16xf32>,
      %parallel_loop3A_882 = arith.constant 1 : i32
      %parallel_loop3A_883 = vector.broadcast %parallel_loop3A_882 : i32 to vector<16xi32>
      %parallel_loop3A_884 = arith.addi %parallel_loop3A_873, %parallel_loop3A_883 : vector<16xi32>
      %parallel_loop3A_885 = tpu.vector_load_idx %arg6[%parallel_loop3A_884] : memref<7878xf32, #tpu.memory_space<vmem>>[vector<16xi32>], vector<16xf32>,
      %parallel_loop3A_886 = arith.constant 76 : i32
      %parallel_loop3A_887 = arith.index_cast %parallel_loop3A_886 : i32 to index
      %parallel_loop3A_888 = arith.index_cast %parallel_loop3A_13 : i32 to index
      %parallel_loop3A_889 = tpu.vector_load %arg7[%parallel_loop3A_887, %parallel_loop3A_888] {strides = array<i32>} : memref<78x512xf32, #tpu.memory_space<vmem>>, vector<16xf32>,
      tpu.vector_store %arg7[%parallel_loop3A_887, %parallel_loop3A_888], %parallel_loop3A_885 {strides = array<i32>} : memref<78x512xf32, #tpu.memory_space<vmem>>, vector<16xf32>,
      %parallel_loop3A_890 = arith.constant 2 : i32
      %parallel_loop3A_891 = vector.broadcast %parallel_loop3A_890 : i32 to vector<16xi32>
      %parallel_loop3A_892 = arith.addi %parallel_loop3A_873, %parallel_loop3A_891 : vector<16xi32>
      %parallel_loop3A_893 = tpu.vector_load_idx %arg6[%parallel_loop3A_892] : memref<7878xf32, #tpu.memory_space<vmem>>[vector<16xi32>], vector<16xf32>,
      %parallel_loop3A_894 = arith.constant 77 : i32
      %parallel_loop3A_895 = arith.index_cast %parallel_loop3A_894 : i32 to index
      %parallel_loop3A_896 = arith.index_cast %parallel_loop3A_13 : i32 to index
      %parallel_loop3A_897 = tpu.vector_load %arg7[%parallel_loop3A_895, %parallel_loop3A_896] {strides = array<i32>} : memref<78x512xf32, #tpu.memory_space<vmem>>, vector<16xf32>,
      tpu.vector_store %arg7[%parallel_loop3A_895, %parallel_loop3A_896], %parallel_loop3A_893 {strides = array<i32>} : memref<78x512xf32, #tpu.memory_space<vmem>>, vector<16xf32>,
    } {sc.loop_unroll_factor = 1 : i64, sc.parallel_access}
    "tpu.region"() ({
      %run_scoped3A = tpu.sem_alloc : memref<!tpu.dma_semaphore, #tpu.memory_space<semaphore_mem>>
      %dma_start3A_11 = arith.constant 0 : i32
      %dma_start3A_12 = tpu.memref_slice %arg4[%dma_start3A_11, %mul3A_2] : memref<78x16384xf32, #tpu.memory_space<hbm>> -> memref<78x512xf32, #tpu.memory_space<hbm>>
      %dma_start3A_13 = arith.constant 0 : i32
      %dma_start3A_14 = tpu.memref_slice %arg4[%dma_start3A_13, %mul3A_2] : memref<78x16384xf32, #tpu.memory_space<hbm>> -> memref<78x512xf32, #tpu.memory_space<hbm>>
      tpu.enqueue_dma source(%arg7 : memref<78x512xf32, #tpu.memory_space<vmem>>) target(%dma_start3A_14 : memref<78x512xf32, #tpu.memory_space<hbm>>) target_semaphore(%run_scoped3A : memref<!tpu.dma_semaphore, #tpu.memory_space<semaphore_mem>>)
      %dma_wait3A_15 = arith.constant 0 : i32
      %dma_wait3A_16 = tpu.memref_slice %arg4[%dma_wait3A_15, %mul3A_2] : memref<78x16384xf32, #tpu.memory_space<hbm>> -> memref<78x512xf32, #tpu.memory_space<hbm>>
      %dma_wait3A_17 = arith.constant 0 : i32
      %dma_wait3A_18 = tpu.memref_slice %arg4[%dma_wait3A_17, %mul3A_2] : memref<78x16384xf32, #tpu.memory_space<hbm>> -> memref<78x512xf32, #tpu.memory_space<hbm>>
      tpu.wait_dma2 semaphore(%run_scoped3A : memref<!tpu.dma_semaphore, #tpu.memory_space<semaphore_mem>>) src(%arg7 : memref<78x512xf32, #tpu.memory_space<vmem>>) dst(%dma_wait3A_18 : memref<78x512xf32, #tpu.memory_space<hbm>>)
      tpu.yield
    }) : () -> ()
    return
  }
}

</mosaic_0001>

<sc_bundles>
// kernel: kernel.3.cloned.1.call-start
scs
__scs_entry_jumppad:
0x0: {  	(pc) =	sbr.rel $0x88, $3  }
0x1: {  	(tag) =	ssettag $0x0;
	lr =	simm.s32 $0x1  }
0x2: {  	[smem:$0x3F9F] =	sst lr;
	_ =	strace $0xD0000000  }
0x3: {  	_ = 	snop  }
0x4: {  	_ = 	snop  }
0x5: {  	_ = 	snop  }
0x6: {  	_ = 	snop  }
0x7: {  	_ = 	snop  }
__scs_overlays_trampoline_lowered:
0x8: {  	[smem:$0x3FAE] =	sst s0  }
0x9: {  	[smem:$0x3FAF] =	sst s1  }
0xa: {  	[smem:$0x3FB0] =	sst s2  }
0xb: {  	[smem:$0x3FB1] =	sst s3  }
0xc: {  	[smem:$0x3FB2] =	sst s4  }
0xd: {  	[smem:$0x3FB3] =	sst s5  }
0xe: {  	[smem:$0x3FB4] =	sst s6  }
0xf: {  	[smem:$0x3FB5] =	sst s7  }
0x10: {  	[smem:$0x3FB6] =	sst s8  }
0x11: {  	[smem:$0x3FB7] =	sst s9;
	s0 =	simm.s32 @!p0 $0x0  }
0x12: {  	s1 =	sld [smem:$0x3F9D];
	s0 =	simm.s32 @p0 $0x1  }
0x13: {  	[smem:$0x3FB8] =	sst s0;
	s0 =	simm.s32 @!p1 $0x0  }
0x14: {  	s2 =	sld [smem:$0x3F9C];
	s0 =	simm.s32 @p1 $0x1  }
0x15: {  	[smem:$0x3FB9] =	sst s0;
	s0 =	simm.s32 @!p2 $0x0  }
0x16: {  	s3 =	sld [smem:$0x3FDB];
	s0 =	simm.s32 @p2 $0x1  }
0x17: {  	s4 =	simm.s32 $0x1BF5;
	[smem:$0x3FBB] =	sst s0  }
0x18: {  	s0 =	sld [smem:$0x3F9E];
	_ =	swait.ge [sflag:s4], $0x0  }
0x19: {  	s7 =	sld [smem:$0x3F9F]  }
0x1a: {  	s8 =	sadd.s32 $0xFFFFE003, lr  }
0x1b: {  	s9 =	sadd.s32 $0xFFFFFEF7, lr;
	s5 =	simm.s32 $0xFFFFFFFF;
	p2 =	slt.u32 s8, $0xFFFFF086  }
0x1c: {  	p1 =	slt.u32 s9, $0xF7A;
	s5 =	simm.s32 @!p2 $0x0  }
0x1d: {  	s5 =	simm.s32 @p1 $0x1;
	p0 =	seq.s32 s7, s2  }
0x1e: {  	s7 =	smul.u32 @!p0 $0xF7A, s2;
	p2 =	seq.s32 @!p0 s5, $0x0  }
0x1f: {  	s9 =	smul.u32 $0xF7A, s1;
	s8 =	simm.s32 @!p0 $0x1BF5;
	p2 =	por !p2, p0  }
0x20: {  	[sflag:s8] =	ssyncset.s32 @!p0 $0xFFFFF086;
	s6 =	sadd.s32 @!p0 s3, s7;
	s7 =	simm.s32 @!p0 $0x108  }
0x21: {  	s3 =	sadd.s32 s3, s9;
	s6 =	sadd.s32 @!p0 $0x88, s6;
	s7 =	simm.s32 @p2 $0x1082  }
0x22: {  	[simem:s7], [sflag:s8] =	dma.local @!p0 [hbm:s6], $0xF7A  }
0x23: {  	s9 =	sor.u32 $0xD0000000, s2;
	s6 =	simm.s32 $0x108;
	_ =	swait.ge @!p0 [sflag:s8], $0x0  }
0x24: {  	s3 =	sadd.s32 $0x88, s3;
	s6 =	simm.s32 @!p1 $0x1082;
	[sflag:s4] =	ssyncset.s32 $0xFFFFF086  }
0x25: {  	[simem:s6], [sflag:s4] =	dma.local [hbm:s3], $0xF7A  }
0x26: {  	[smem:$0x3F9F] =	sst s1;
	(tag) =	ssettag s2;
	_ =	strace s9  }
0x27: {  	s1 =	sld [smem:$0x3FAF]  }
0x28: {  	s2 =	sld [smem:$0x3FB0]  }
0x29: {  	s4 =	sld [smem:$0x3FB2]  }
0x2a: {  	p0 =	seq.s32 s5, $0x0;
	s5 =	sld [smem:$0x3FB3]  }
0x2b: {  	s6 =	sld [smem:$0x3FB4]  }
0x2c: {  	s7 =	sld [smem:$0x3FB5]  }
0x2d: {  	s3 =	simm.s32 $0x108;
	s8 =	sld [smem:$0x3FB6]  }
0x2e: {  	s3 =	simm.s32 @!p0 $0x1082;
	s9 =	sld [smem:$0x3FB7]  }
0x2f: {  	lr =	sadd.s32 s0, s3;
	s0 =	sld [smem:$0x3FAE]  }
0x30: {  	s3 =	sld [smem:$0x3FB1]  }
0x31: {  	[smem:$0x3FBA] =	sst s10  }
0x32: {  	s10 =	sld [smem:$0x3FB8];
	_ =	sdelay $0x3  }
0x33: {  	p0 =	seq.s32 s10, $0x1;
	s10 =	sld [smem:$0x3FBA];
	_ =	sdelay $0x3  }
0x34: {  	[smem:$0x3FBA] =	sst s10  }
0x35: {  	s10 =	sld [smem:$0x3FB9];
	_ =	sdelay $0x3  }
0x36: {  	p1 =	seq.s32 s10, $0x1;
	s10 =	sld [smem:$0x3FBA];
	_ =	sdelay $0x3  }
0x37: {  	[smem:$0x3FBA] =	sst s10  }
0x38: {  	s10 =	sld [smem:$0x3FBB]  }
0x39: {  	_ = 	snop;
	(pc) =	sbr.ind lr, $3  }
0x3a: {  	_ = 	snop  }
0x3b: {  	_ = 	snop  }
0x3c: {  	p2 =	seq.s32 s10, $0x1;
	s10 =	sld [smem:$0x3FBA]  }
0x3d: {  	_ =	shalt  }
0x3e: {  	_ =	shalt  }
0x3f: {  	_ =	shalt  }
0x40: {  	_ =	shalt  }
0x41: {  	_ =	shalt  }
0x42: {  	_ =	shalt  }
0x43: {  	_ =	shalt  }
0x44: {  	_ =	shalt  }
0x45: {  	_ =	shalt  }
0x46: {  	_ =	shalt  }
0x47: {  	_ =	shalt  }
0x48: {  	_ =	shalt  }
0x49: {  	_ =	shalt  }
0x4a: {  	_ =	shalt  }
0x4b: {  	_ =	shalt  }
0x4c: {  	_ =	shalt  }
0x4d: {  	_ =	shalt  }
0x4e: {  	_ =	shalt  }
0x4f: {  	_ =	shalt  }
0x50: {  	_ =	shalt  }
0x51: {  	_ =	shalt  }
0x52: {  	_ =	shalt  }
0x53: {  	_ =	shalt  }
0x54: {  	_ =	shalt  }
0x55: {  	_ =	shalt  }
0x56: {  	_ =	shalt  }
0x57: {  	_ =	shalt  }
0x58: {  	_ =	shalt  }
0x59: {  	_ =	shalt  }
0x5a: {  	_ =	shalt  }
0x5b: {  	_ =	shalt  }
0x5c: {  	_ =	shalt  }
0x5d: {  	_ =	shalt  }
0x5e: {  	_ =	shalt  }
0x5f: {  	_ =	shalt  }
0x60: {  	_ =	shalt  }
0x61: {  	_ =	shalt  }
0x62: {  	_ =	shalt  }
0x63: {  	_ =	shalt  }
0x64: {  	_ =	shalt  }
0x65: {  	_ =	shalt  }
0x66: {  	_ =	shalt  }
0x67: {  	_ =	shalt  }
0x68: {  	_ =	shalt  }
0x69: {  	_ =	shalt  }
0x6a: {  	_ =	shalt  }
0x6b: {  	_ =	shalt  }
0x6c: {  	_ =	shalt  }
0x6d: {  	_ =	shalt  }
0x6e: {  	_ =	shalt  }
0x6f: {  	_ =	shalt  }
0x70: {  	_ =	shalt  }
0x71: {  	_ =	shalt  }
0x72: {  	_ =	shalt  }
0x73: {  	_ =	shalt  }
0x74: {  	_ =	shalt  }
0x75: {  	_ =	shalt  }
0x76: {  	_ =	shalt  }
0x77: {  	_ =	shalt  }
0x78: {  	_ =	shalt  }
0x79: {  	_ =	shalt  }
0x7a: {  	_ =	shalt  }
0x7b: {  	_ =	shalt  }
0x7c: {  	_ =	shalt  }
0x7d: {  	_ =	shalt  }
0x7e: {  	_ =	shalt  }
0x7f: {  	_ =	shalt  }
0x80: {  	_ =	shalt  }
0x81: {  	_ =	shalt  }
0x82: {  	_ =	shalt  }
0x83: {  	_ =	shalt  }
0x84: {  	_ =	shalt  }
0x85: {  	_ =	shalt  }
0x86: {  	_ =	shalt  }
0x87: {  	_ =	shalt  }
.Lfunc_end0:
.L_simem_size_0:
called_computation_lowered:
.L_overlay_start_0:
0x88: {  	s2 =	sld [smem:$0x3FD9]  }
0x89: {  	s3 =	sld [smem:$0x3FFE];
	_ =	sdelay $0x1  }
0x8a: {  	s1 =	srdreg.scid  }
0x8b: {  	s0 =	sand.u32 $0x1, s1  }
0x8c: {  	s17 =	sshll.u32 s0, $0xA;
	s2 =	sadd.s32 s3, s2  }
0x8d: {  	s2 =	sadd.s32 s2, s17  }
0x8e: {  	[smem:$0x3FC6] =	sst s2  }
0x8f: {  	_ = 	snop  }
0x90: {  	s2 =	sld [smem:$0x3FC9]  }
0x91: {  	s18 =	sld [smem:$0x3FD0];
	(tm) =	ssettm $0x1  }
0x92: {  	s4 =	sld [smem:$0x3FFB];
	_ =	sdelay $0x3  }
0x93: {  	_ =	strace s4  }
0x94: {  	s4 =	sld [smem:$0x3FFC];
	_ =	sdelay $0x3  }
0x95: {  	_ =	strace s4  }
0x96: {  	s4 =	sld [smem:$0x3FFD];
	_ =	sdelay $0x3  }
0x97: {  	_ =	strace s4  }
0x98: {  	_ =	strace $0x8FFFFFFF  }
0x99: {  	s19 =	sld [smem:$0x3FDB];
	_ =	sdelay $0x1  }
0x9a: {  	s5 =	simm.s32 $_scs_section_size  }
0x9b: {  	s6 =	simm.s32 $_size__tile_overlayer_lowered;
	s7 =	simm.s32 $_tile_overlayer_lowered  }
0x9c: {  	s22 =	simm.s32 $0x1BFF;
	s21 =	sshll.u32 s7, $0x1;
	s4 =	sadd.s32 s5, s19  }
0x9d: {  	s8 =	simm.s32 $0x0;
	s20 =	sshll.u32 s6, $0x1;
	s6 =	sadd.s32 s21, s4  }
0x9e: {  	[timem:s8], [sflag:s22] =	dma.local [hbm:s6], s20  }
0x9f: {  	_ =	swait.ge [sflag:s22], s20  }
0xa0: {  	s5 =	ssub.s32 $0x0, s20;
	[sflag:s22] =	ssyncset.done $0x0  }
0xa1: {  	[sflag:s22] =	ssyncadd.s32 s5;
	_ =	sdelay $0x1  }
0xa2: {  	s23 =	simm.s32 $0x1B8B  }
0xa3: {  	_ =	swait.ge [sflag:s23], $0x1  }
0xa4: {  	[sflag:s23] =	ssyncset.done $0x0  }
0xa5: {  	s25 =	simm.s32 $0x1B8E;
	s24 =	sld [smem:$0x3FFE];
	[sflag:s23] =	ssyncadd.s32 $0xFFFFFFFF  }
0xa6: {  	s26 =	simm.s32 $execute0_lowered;
	[smem:$0x3FD2] =	sst s25  }
0xa7: {  	s6 =	sshll.u32 s26, $0x1;
	_ =	strace $0x80000046;
	[dreg:$0x1] =	wrdreg $0xFFFFFFFF  }
0xa8: {  	s28 =	simm.s32 $_size_execute0_lowered;
	s4 =	sadd.s32 s4, s6;
	[dreg:$0x0] =	wrdreg $0x0  }
0xa9: {  	s6 =	sshll.u32 s28, $0x1;
	[dreg:$0x2] =	wrdreg s4  }
0xaa: {  	[dreg:$0x3] =	wrdreg s6  }
0xab: {  	[dreg:$0x4] =	wrdreg $0xC0  }
0xac: {  	_ =	task [dreg:s8], $0x5FFFF  }
0xad: {  	[dreg:$0x1] =	wrdreg $0xFFFFFFFF  }
0xae: {  	[dreg:$0x0] =	wrdreg $0x60  }
0xaf: {  	[dreg:$0x2] =	wrdreg s2  }
0xb0: {  	[dreg:$0x3] =	wrdreg s24  }
0xb1: {  	[dreg:$0x4] =	wrdreg s18  }
0xb2: {  	[dreg:$0x5] =	wrdreg $0x9  }
0xb3: {  	_ =	task.clear_ibuf [dreg:s8], $0x6FFFF;
	_ =	strace $0x90000046  }
0xb4: {  	s29 =	simm.s32 $0x9;
	_ =	strace $0x80000048  }
0xb5: {  	_ =	swait.ge [sflag:s29], $0x1  }
0xb6: {  	[sflag:s29] =	ssyncadd.s32 $0xFFFFFFFF  }
0xb7: {  	_ =	strace $0x90000048  }
0xb8: {  	_ =	sfence  }
0xb9: {  	s30 =	sld [smem:$0x0];
	_ =	sdelay $0x2  }
0xba: {  	s31 =	sshll.u32 s1, $0xD;
	s1 =	sshrl.u32 s1, $0x2  }
0xbb: {  	s3 =	sand.u32 $0x4000, s31;
	s1 =	sadd.s32 s1, s30  }
0xbc: {  	s0 =	sor.u32 s3, s0;
	s1 =	sshll.u32 s1, $0x11  }
0xbd: {  	s0 =	sor.u32 s1, s0  }
0xbe: {  	s0 =	sadd.s32 $0x8F2B, s0  }
0xbf: {  	[sflag:s0] =	ssyncadd.remote.s32 $0x1  }
0xc0: {  	_ =	sfence.sel $0xFFFF  }
0xc1: {  	[dreg:$0x0] =	wrdreg $0xFFFFFFFF;
	(pc) =	sbr.abs _section_cstart, $3  }
0xc2: {  	[dreg:$0x1] =	wrdreg $0xFFFFFFFF  }
0xc3: {  	_ =	task.clear_ibuf [dreg:s8], $0x2FFFF;
	_ =	strace $0x9FFFFFFF  }
0xc4: {  	(tm) =	ssettm $0x7FFFFFFF  }
0xc5: {  	_ =	shalt  }
tec
execute0_lowered:
.L_overlay_start_1:
0x0: {  	(tag) =	ssettag $0x1  }
0x1: {  	s0 =	rddreg [dreg:$0x0]  }
0x2: {  	s1 =	rddreg [dreg:$0x1]  }
0x3: {  	s2 =	rddreg [dreg:$0x2];
	s4 =	simm.s32 $0x0  }
0x4: {  	s3 =	srdreg.scid;
	s5 =	stileid.u32;
	s9 =	simm.s32 $0x4000  }
0x5: {  	s13 =	simm.s32 $0x0;
	[smem:$0x7FF] =	sst s4;
	s3 =	sand.u32 $0x1, s3  }
0x6: {  	s5 =	sshll.u32 s5, $0xA;
	s28 =	ssub.s32 $0x2, s3;
	s3 =	sshll.u32 s3, $0x9  }
0x7: {  	s1 =	sadd.s32 $0x400, s1;
	_ =	strace $0x80000047;
	s3 =	sor.u32 s3, s5  }
0x8: {  	[dreg:$0x4] =	wrdreg s1;
	s6 =	sshrl.u32 s28, $0x1;
	s0 =	sadd.s32 s0, s3  }
0x9: {  	s29 =	ssub.s32 s28, s6;
	s30 =	sadd.s32 s2, s3;
	[dreg:$0x5] =	wrdreg s0  }
0xa: {  	s4 =	simm.s32 $0x2;
	[dreg:$0x6] =	wrdreg s30;
	s31 =	smax.u32 s29, $0x1  }
0xb: {  	s1 =	simm.s32 $0x1000;
	s3 =	simm.s32 $0x20000;
	[dreg:$0x7] =	wrdreg s31  }
.LBB2_1:
0xc: {  	s2 =	simm.s32 $0x0;
	s0 =	rddreg [dreg:$0x5]  }
0xd: {  	[tilespmem:s2], [sflag:$0x1] =	stream.strided.gather [hbm4b:s0+s1], $0x4000, s3, s1, $0x38;
	[tilespmem:$0xFF00] =	vst v63  }
0xe: {  	s14 =	rddreg [dreg:$0x4]  }
0xf: {  	[tilespmem:s9], [sflag:$0x2] =	stream.linear.gather [hbm4b:s14+s2], $0x1F00, $0x38;
	[tilespmem:$0xFF00] =	vst v63  }
0x10: {  	_ =	swait.ge [sflag:s4], $0x1F00  }
0x11: {  	[sflag:s4] =	ssyncset.done $0x0  }
0x12: {  	s15 =	simm.s32 $0x1;
	[sflag:s4] =	ssyncadd.s32 $0xFFFFE100  }
0x13: {  	_ =	swait.ge [sflag:s15], $0x4000  }
0x14: {  	s16 =	sand.u32 $0x70, s2;
	s17 =	sand.u32 $0xC00, s2;
	[sflag:s15] =	ssyncset.done $0x0  }
0x15: {  	s14 =	sor.u32 s16, s17;
	[sflag:s15] =	ssyncadd.s32 $0xFFFFC000  }
0x16: {  	v0 =	vld [tilespmem:s14+$0x0];
	_ =	sdelay $0x4  }
0x17: {  	v0 =	vmul.u32 $0x3, v0;
	_ =	sdelay $0x5  }
0x18: {  	v1 =	vld.idx.msk [tilespmem:v0+s9+$0x0], $0xffff  }
0x19: {  	v2 =	vadd.s32 $0x1, v0;
	_ =	sdelay $0x3  }
0x1a: {  	[tilespmem:s14+$0x5F00] =	vst v1  }
0x1b: {  	v1 =	vld.idx.msk [tilespmem:v2+s9+$0x0], $0xffff  }
0x1c: {  	v2 =	vld [tilespmem:s14+$0x80]  }
0x1d: {  	v0 =	vadd.s32 $0x2, v0;
	_ =	sdelay $0x3  }
0x1e: {  	[tilespmem:s14+$0x5F80] =	vst v1;
	v1 =	vmul.u32 $0x3, v2  }
0x1f: {  	v0 =	vld.idx.msk [tilespmem:v0+s9+$0x0], $0xffff  }
0x20: {  	v2 =	vadd.s32 $0x12F, v1;
	_ =	sdelay $0x3  }
0x21: {  	[tilespmem:s14+$0x6000] =	vst v0  }
0x22: {  	v0 =	vld.idx.msk [tilespmem:v2+s9+$0x0], $0xffff  }
0x23: {  	v2 =	vadd.s32 $0x130, v1  }
0x24: {  	s18 =	sand.u32 $0xFFFFFC00, s2  }
0x25: {  	s19 =	sadd.s32 $0x0, s18  }
0x26: {  	s0 =	sor.u32 $0x180, s19  }
0x27: {  	[tilespmem:s0+$0x5F00] =	vst v0  }
0x28: {  	v0 =	vld.idx.msk [tilespmem:v2+s9+$0x0], $0xffff  }
0x29: {  	v2 =	vld [tilespmem:s14+$0x100]  }
0x2a: {  	v1 =	vadd.s32 $0x131, v1;
	_ =	sdelay $0x3  }
0x2b: {  	[tilespmem:s14+$0x6100] =	vst v0;
	v0 =	vmul.u32 $0x3, v2  }
0x2c: {  	v1 =	vld.idx.msk [tilespmem:v1+s9+$0x0], $0xffff  }
0x2d: {  	v2 =	vadd.s32 $0x25E, v0;
	_ =	sdelay $0x3  }
0x2e: {  	[tilespmem:s14+$0x6180] =	vst v1  }
0x2f: {  	v1 =	vld.idx.msk [tilespmem:v2+s9+$0x0], $0xffff  }
0x30: {  	v2 =	vadd.s32 $0x25F, v0;
	_ =	sdelay $0x3  }
0x31: {  	[tilespmem:s14+$0x6200] =	vst v1  }
0x32: {  	v1 =	vld.idx.msk [tilespmem:v2+s9+$0x0], $0xffff  }
0x33: {  	v0 =	vadd.s32 $0x260, v0;
	_ =	sdelay $0x1  }
0x34: {  	s5 =	sor.u32 s2, s2  }
0x35: {  	s20 =	sor.u32 $0x380, s5  }
0x36: {  	[tilespmem:s20+$0x5F00] =	vst v1  }
0x37: {  	v0 =	vld.idx.msk [tilespmem:v0+s9+$0x0], $0xffff;
	_ =	sdelay $0x4  }
0x38: {  	[tilespmem:s14+$0x6F00] =	vst v0  }
0x39: {  	v0 =	vld [tilespmem:s0+$0x0];
	_ =	sdelay $0x4  }
0x3a: {  	v0 =	vmul.u32 $0x3, v0;
	_ =	sdelay $0x1  }
0x3b: {  	v1 =	vadd.s32 $0x38D, v0;
	_ =	sdelay $0x4  }
0x3c: {  	v1 =	vld.idx.msk [tilespmem:v1+s9+$0x0], $0xffff  }
0x3d: {  	v2 =	vadd.s32 $0x38E, v0;
	_ =	sdelay $0x3  }
0x3e: {  	[tilespmem:s14+$0x6F80] =	vst v1  }
0x3f: {  	v1 =	vld.idx.msk [tilespmem:v2+s9+$0x0], $0xffff  }
0x40: {  	v0 =	vadd.s32 $0x38F, v0;
	_ =	sdelay $0x3  }
0x41: {  	s21 =	simm.s32 $0x10;
	s6 =	simm.s32 $0x80;
	[tilespmem:s14+$0x7000] =	vst v1  }
0x42: {  	s22 =	sand.u32 $0x70, s21;
	s23 =	sand.u32 $0xC00, s6;
	v0 =	vld.idx.msk [tilespmem:v0+s9+$0x0], $0xffff  }
0x43: {  	s15 =	sor.u32 s22, s23  }
0x44: {  	v1 =	vld [tilespmem:s15+$0x0];
	_ =	sdelay $0x1  }
0x45: {  	s7 =	sor.u32 $0x1180, s19  }
0x46: {  	[tilespmem:s7+$0x5F00] =	vst v0  }
0x47: {  	v0 =	vld [tilespmem:s14+$0x200]  }
0x48: {  	v1 =	vmul.u32 $0x3, v1;
	_ =	sdelay $0x3  }
0x49: {  	v0 =	vmul.u32 $0x3, v0;
	_ =	sdelay $0x1  }
0x4a: {  	v3 =	vld.idx.msk [tilespmem:v1+s9+$0x0], $0xffff;
	v2 =	vadd.s32 $0x4BC, v0  }
0x4b: {  	v4 =	vadd.s32 $0x1, v1;
	_ =	sdelay $0x2  }
0x4c: {  	v5 =	vld [tilespmem:s15+$0x80]  }
0x4d: {  	[tilespmem:s15+$0x5F00] =	vst v3;
	v2 =	vld.idx.msk [tilespmem:v2+s9+$0x0], $0xffff  }
0x4e: {  	v3 =	vld.idx.msk [tilespmem:v4+s9+$0x0], $0xffff;
	v4 =	vadd.s32 $0x4BD, v0  }
0x4f: {  	v1 =	vadd.s32 $0x2, v1;
	_ =	sdelay $0x2  }
0x50: {  	v6 =	vld [tilespmem:s14+$0x280];
	[tilespmem:s14+$0x7100] =	vst v2  }
0x51: {  	[tilespmem:s15+$0x5F80] =	vst v3;
	v3 =	vmul.u32 $0x3, v5;
	v2 =	vld.idx.msk [tilespmem:v4+s9+$0x0], $0xffff  }
0x52: {  	v0 =	vadd.s32 $0x4BE, v0;
	v1 =	vld.idx.msk [tilespmem:v1+s9+$0x0], $0xffff  }
0x53: {  	v4 =	vadd.s32 $0x12F, v3;
	_ =	sdelay $0x2  }
0x54: {  	v5 =	vmul.u32 $0x3, v6;
	[tilespmem:s14+$0x7180] =	vst v2  }
0x55: {  	[tilespmem:s15+$0x6000] =	vst v1;
	v0 =	vld.idx.msk [tilespmem:v0+s9+$0x0], $0xffff  }
0x56: {  	v1 =	vld.idx.msk [tilespmem:v4+s9+$0x0], $0xffff;
	v2 =	vadd.s32 $0x5EB, v5  }
0x57: {  	v4 =	vadd.s32 $0x130, v3  }
0x58: {  	s24 =	sand.u32 $0xFFFFFC00, s6  }
0x59: {  	s0 =	sadd.s32 $0x10, s24  }
0x5a: {  	s8 =	sor.u32 $0x180, s0;
	[tilespmem:s14+$0x7200] =	vst v0  }
0x5b: {  	[tilespmem:s8+$0x5F00] =	vst v1;
	v0 =	vld.idx.msk [tilespmem:v2+s9+$0x0], $0xffff  }
0x5c: {  	v1 =	vld.idx.msk [tilespmem:v4+s9+$0x0], $0xffff;
	v2 =	vadd.s32 $0x5EC, v5  }
0x5d: {  	v4 =	vld [tilespmem:s15+$0x100]  }
0x5e: {  	v3 =	vadd.s32 $0x131, v3  }
0x5f: {  	s3 =	sor.u32 $0x1380, s5  }
0x60: {  	[tilespmem:s3+$0x5F00] =	vst v0  }
0x61: {  	v0 =	vld.idx.msk [tilespmem:v2+s9+$0x0], $0xffff  }
0x62: {  	[tilespmem:s15+$0x6100] =	vst v1;
	v1 =	vld [tilespmem:s14+$0x300];
	v2 =	vmul.u32 $0x3, v4  }
0x63: {  	v3 =	vld.idx.msk [tilespmem:v3+s9+$0x0], $0xffff;
	v4 =	vadd.s32 $0x5ED, v5  }
0x64: {  	v5 =	vadd.s32 $0x25E, v2;
	_ =	sdelay $0x2  }
0x65: {  	[tilespmem:s14+$0x7F00] =	vst v0;
	v0 =	vmul.u32 $0x3, v1  }
0x66: {  	[tilespmem:s15+$0x6180] =	vst v3;
	v1 =	vld.idx.msk [tilespmem:v4+s9+$0x0], $0xffff  }
0x67: {  	v3 =	vld.idx.msk [tilespmem:v5+s9+$0x0], $0xffff;
	v4 =	vadd.s32 $0x71A, v0  }
0x68: {  	v5 =	vadd.s32 $0x25F, v2;
	_ =	sdelay $0x2  }
0x69: {  	[tilespmem:s14+$0x7F80] =	vst v1  }
0x6a: {  	v1 =	vld.idx.msk [tilespmem:v4+s9+$0x0], $0xffff;
	[tilespmem:s15+$0x6200] =	vst v3  }
0x6b: {  	v4 =	vadd.s32 $0x71B, v0;
	v3 =	vld.idx.msk [tilespmem:v5+s9+$0x0], $0xffff  }
0x6c: {  	v2 =	vadd.s32 $0x260, v2;
	_ =	sdelay $0x1  }
0x6d: {  	s18 =	sor.u32 s21, s6  }
0x6e: {  	s2 =	sor.u32 $0x380, s18;
	[tilespmem:s14+$0x8000] =	vst v1  }
0x6f: {  	v1 =	vld.idx.msk [tilespmem:v4+s9+$0x0], $0xffff;
	[tilespmem:s2+$0x5F00] =	vst v3  }
0x70: {  	v0 =	vadd.s32 $0x71C, v0;
	v2 =	vld.idx.msk [tilespmem:v2+s9+$0x0], $0xffff;
	_ =	sdelay $0x2  }
0x71: {  	s1 =	sor.u32 $0x2180, s19  }
0x72: {  	[tilespmem:s1+$0x5F00] =	vst v1  }
0x73: {  	v0 =	vld.idx.msk [tilespmem:v0+s9+$0x0], $0xffff;
	[tilespmem:s15+$0x6F00] =	vst v2  }
0x74: {  	v1 =	vld [tilespmem:s8+$0x0];
	_ =	sdelay $0x3  }
0x75: {  	[tilespmem:s14+$0x8100] =	vst v0  }
0x76: {  	v0 =	vmul.u32 $0x3, v1;
	v1 =	vld [tilespmem:s20+$0x0];
	_ =	sdelay $0x1  }
0x77: {  	v2 =	vadd.s32 $0x38D, v0;
	_ =	sdelay $0x2  }
0x78: {  	v1 =	vmul.u32 $0x3, v1;
	_ =	sdelay $0x1  }
0x79: {  	v2 =	vld.idx.msk [tilespmem:v2+s9+$0x0], $0xffff;
	v3 =	vadd.s32 $0x849, v1  }
0x7a: {  	v4 =	vadd.s32 $0x38E, v0;
	_ =	sdelay $0x3  }
0x7b: {  	v3 =	vld.idx.msk [tilespmem:v3+s9+$0x0], $0xffff;
	[tilespmem:s15+$0x6F80] =	vst v2  }
0x7c: {  	v2 =	vld.idx.msk [tilespmem:v4+s9+$0x0], $0xffff;
	v4 =	vadd.s32 $0x84A, v1;
	_ =	sdelay $0x1  }
0x7d: {  	v0 =	vadd.s32 $0x38F, v0  }
0x7e: {  	s25 =	simm.s32 $0x20;
	s11 =	simm.s32 $0x100  }
0x7f: {  	s26 =	sand.u32 $0x70, s25;
	s31 =	sand.u32 $0xC00, s11;
	[tilespmem:s14+$0x8180] =	vst v3  }
0x80: {  	s16 =	sor.u32 s26, s31;
	v3 =	vld.idx.msk [tilespmem:v4+s9+$0x0], $0xffff  }
0x81: {  	[tilespmem:s15+$0x7000] =	vst v2;
	v2 =	vld [tilespmem:s16+$0x0]  }
0x82: {  	v1 =	vadd.s32 $0x84B, v1;
	v0 =	vld.idx.msk [tilespmem:v0+s9+$0x0], $0xffff;
	_ =	sdelay $0x3  }
0x83: {  	s4 =	sor.u32 $0x1180, s0;
	[tilespmem:s14+$0x8200] =	vst v3;
	v2 =	vmul.u32 $0x3, v2  }
0x84: {  	v1 =	vld.idx.msk [tilespmem:v1+s9+$0x0], $0xffff;
	[tilespmem:s4+$0x5F00] =	vst v0  }
0x85: {  	v0 =	vld [tilespmem:s15+$0x200];
	_ =	sdelay $0x2  }
0x86: {  	s31 =	sor.u32 $0x2380, s5  }
0x87: {  	[tilespmem:s31+$0x5F00] =	vst v1;
	v4 =	vld.idx.msk [tilespmem:v2+s9+$0x0], $0xffff  }
0x88: {  	v0 =	vmul.u32 $0x3, v0;
	v1 =	vld [tilespmem:s14+$0x1000]  }
0x89: {  	v5 =	vadd.s32 $0x1, v2  }
0x8a: {  	v6 =	vld [tilespmem:s15+$0x280];
	v3 =	vadd.s32 $0x4BC, v0  }
0x8b: {  	v7 =	vld [tilespmem:s14+$0x1080]  }
0x8c: {  	v8 =	vld [tilespmem:s14+$0x1100]  }
0x8d: {  	[tilespmem:s16+$0x5F00] =	vst v4;
	v4 =	vld [tilespmem:s14+$0x1200];
	v1 =	vmul.u32 $0x3, v1  }
0x8e: {  	v5 =	vld.idx.msk [tilespmem:v5+s9+$0x0], $0xffff  }
0x8f: {  	v3 =	vld.idx.msk [tilespmem:v3+s9+$0x0], $0xffff;
	v9 =	vadd.s32 $0x978, v1  }
0x90: {  	v10 =	vadd.s32 $0x4BD, v0;
	v11 =	vld [tilespmem:s16+$0x80]  }
0x91: {  	v2 =	vadd.s32 $0x2, v2;
	_ =	sdelay $0x2  }
0x92: {  	[tilespmem:s15+$0x7100] =	vst v3;
	v3 =	vld.idx.msk [tilespmem:v9+s9+$0x0], $0xffff  }
0x93: {  	[tilespmem:s16+$0x5F80] =	vst v5;
	v5 =	vmul.u32 $0x3, v11;
	v9 =	vld.idx.msk [tilespmem:v10+s9+$0x0], $0xffff;
	v10 =	vadd.s32 $0x979, v1  }
0x94: {  	v0 =	vadd.s32 $0x4BE, v0;
	v2 =	vld.idx.msk [tilespmem:v2+s9+$0x0], $0xffff  }
0x95: {  	v11 =	vadd.s32 $0x12F, v5;
	_ =	sdelay $0x1  }
0x96: {  	[tilespmem:s14+$0x8F00] =	vst v3  }
0x97: {  	v3 =	vmul.u32 $0x3, v6;
	v6 =	vld.idx.msk [tilespmem:v10+s9+$0x0], $0xffff;
	[tilespmem:s15+$0x7180] =	vst v9  }
0x98: {  	v1 =	vadd.s32 $0x97A, v1;
	[tilespmem:s16+$0x6000] =	vst v2;
	v0 =	vld.idx.msk [tilespmem:v0+s9+$0x0], $0xffff  }
0x99: {  	v2 =	vld.idx.msk [tilespmem:v11+s9+$0x0], $0xffff;
	v9 =	vadd.s32 $0x5EB, v3  }
0x9a: {  	v10 =	vadd.s32 $0x130, v5  }
0x9b: {  	s8 =	sand.u32 $0xFFFFFC00, s11  }
0x9c: {  	s10 =	sadd.s32 $0x20, s8;
	[tilespmem:s14+$0x8F80] =	vst v6;
	v6 =	vmul.u32 $0x3, v7  }
0x9d: {  	s17 =	sor.u32 $0x180, s10;
	v1 =	vld.idx.msk [tilespmem:v1+s9+$0x0], $0xffff;
	[tilespmem:s15+$0x7200] =	vst v0  }
0x9e: {  	[tilespmem:s17+$0x5F00] =	vst v2;
	v0 =	vld.idx.msk [tilespmem:v9+s9+$0x0], $0xffff;
	v7 =	vadd.s32 $0xAA7, v6  }
0x9f: {  	v2 =	vld.idx.msk [tilespmem:v10+s9+$0x0], $0xffff;
	v9 =	vadd.s32 $0x5EC, v3  }
0xa0: {  	v10 =	vld [tilespmem:s16+$0x100]  }
0xa1: {  	v5 =	vadd.s32 $0x131, v5  }
0xa2: {  	s12 =	sor.u32 $0x1380, s18;
	[tilespmem:s14+$0x9000] =	vst v1  }
0xa3: {  	v1 =	vld.idx.msk [tilespmem:v7+s9+$0x0], $0xffff;
	[tilespmem:s12+$0x5F00] =	vst v0  }
0xa4: {  	v0 =	vld.idx.msk [tilespmem:v9+s9+$0x0], $0xffff  }
0xa5: {  	v7 =	vadd.s32 $0xAA8, v6;
	[tilespmem:s16+$0x6100] =	vst v2;
	v2 =	vld [tilespmem:s15+$0x300];
	v9 =	vmul.u32 $0x3, v10  }
0xa6: {  	v3 =	vadd.s32 $0x5ED, v3;
	v5 =	vld.idx.msk [tilespmem:v5+s9+$0x0], $0xffff  }
0xa7: {  	v10 =	vadd.s32 $0x25E, v9;
	_ =	sdelay $0x1  }
0xa8: {  	[tilespmem:s14+$0x9080] =	vst v1  }
0xa9: {  	v1 =	vld.idx.msk [tilespmem:v7+s9+$0x0], $0xffff;
	[tilespmem:s15+$0x7F00] =	vst v0;
	v0 =	vmul.u32 $0x3, v2  }
0xaa: {  	[tilespmem:s16+$0x6180] =	vst v5;
	v2 =	vld.idx.msk [tilespmem:v3+s9+$0x0], $0xffff;
	v3 =	vadd.s32 $0xAA9, v6  }
0xab: {  	v5 =	vld.idx.msk [tilespmem:v10+s9+$0x0], $0xffff;
	v6 =	vadd.s32 $0x71A, v0  }
0xac: {  	v7 =	vadd.s32 $0x25F, v9;
	_ =	sdelay $0x1  }
0xad: {  	v8 =	vmul.u32 $0x3, v8;
	[tilespmem:s14+$0x9100] =	vst v1  }
0xae: {  	v1 =	vld.idx.msk [tilespmem:v3+s9+$0x0], $0xffff;
	[tilespmem:s15+$0x7F80] =	vst v2  }
0xaf: {  	v3 =	vadd.s32 $0xBD6, v8;
	v2 =	vld.idx.msk [tilespmem:v6+s9+$0x0], $0xffff;
	[tilespmem:s16+$0x6200] =	vst v5  }
0xb0: {  	v6 =	vadd.s32 $0x71B, v0;
	v5 =	vld.idx.msk [tilespmem:v7+s9+$0x0], $0xffff  }
0xb1: {  	v7 =	vadd.s32 $0x260, v9;
	_ =	sdelay $0x1  }
0xb2: {  	s5 =	sor.u32 s25, s11;
	[tilespmem:s14+$0x9180] =	vst v1  }
0xb3: {  	s19 =	sor.u32 $0x380, s5;
	v1 =	vld.idx.msk [tilespmem:v3+s9+$0x0], $0xffff;
	[tilespmem:s15+$0x8000] =	vst v2  }
0xb4: {  	v3 =	vadd.s32 $0xBD7, v8;
	v2 =	vld.idx.msk [tilespmem:v6+s9+$0x0], $0xffff;
	[tilespmem:s19+$0x5F00] =	vst v5  }
0xb5: {  	v0 =	vadd.s32 $0x71C, v0;
	v5 =	vld.idx.msk [tilespmem:v7+s9+$0x0], $0xffff;
	_ =	sdelay $0x2  }
0xb6: {  	s0 =	sor.u32 $0x2180, s0;
	[tilespmem:s14+$0x9200] =	vst v1  }
0xb7: {  	v1 =	vld.idx.msk [tilespmem:v3+s9+$0x0], $0xffff;
	[tilespmem:s0+$0x5F00] =	vst v2  }
0xb8: {  	v2 =	vadd.s32 $0xBD8, v8;
	v0 =	vld.idx.msk [tilespmem:v0+s9+$0x0], $0xffff;
	[tilespmem:s16+$0x6F00] =	vst v5  }
0xb9: {  	v3 =	vld [tilespmem:s17+$0x0];
	_ =	sdelay $0x2  }
0xba: {  	[tilespmem:s14+$0x9280] =	vst v1  }
0xbb: {  	v1 =	vld.idx.msk [tilespmem:v2+s9+$0x0], $0xffff;
	[tilespmem:s15+$0x8100] =	vst v0  }
0xbc: {  	v0 =	vmul.u32 $0x3, v3;
	v2 =	vld [tilespmem:s2+$0x0];
	_ =	sdelay $0x1  }
0xbd: {  	v3 =	vadd.s32 $0x38D, v0;
	_ =	sdelay $0x1  }
0xbe: {  	[tilespmem:s14+$0x9F00] =	vst v1  }
0xbf: {  	v1 =	vmul.u32 $0x3, v2;
	v2 =	vld [tilespmem:s7+$0x0];
	_ =	sdelay $0x1  }
0xc0: {  	v3 =	vld.idx.msk [tilespmem:v3+s9+$0x0], $0xffff;
	v8 =	vadd.s32 $0x849, v1  }
0xc1: {  	v10 =	vadd.s32 $0x38E, v0;
	_ =	sdelay $0x1  }
0xc2: {  	v11 =	vmul.u32 $0x3, v2;
	_ =	sdelay $0x1  }
0xc3: {  	v8 =	vld.idx.msk [tilespmem:v8+s9+$0x0], $0xffff;
	v12 =	vadd.s32 $0xD05, v11;
	[tilespmem:s16+$0x6F80] =	vst v3  }
0xc4: {  	v15 =	vadd.s32 $0x84A, v1;
	v10 =	vld.idx.msk [tilespmem:v10+s9+$0x0], $0xffff  }
0xc5: {  	v16 =	vadd.s32 $0x38F, v0;
	_ =	sdelay $0x2  }
0xc6: {  	v12 =	vld.idx.msk [tilespmem:v12+s9+$0x0], $0xffff;
	[tilespmem:s15+$0x8180] =	vst v8  }
0xc7: {  	v8 =	vld.idx.msk [tilespmem:v15+s9+$0x0], $0xffff;
	[tilespmem:s16+$0x7000] =	vst v10;
	v10 =	vadd.s32 $0xD06, v11  }
0xc8: {  	s22 =	simm.s32 $0x180;
	s20 =	simm.s32 $0x30;
	v15 =	vld.idx.msk [tilespmem:v16+s9+$0x0], $0xffff;
	v16 =	vadd.s32 $0x84B, v1  }
0xc9: {  	s24 =	sand.u32 $0xC00, s22;
	s23 =	sand.u32 $0x70, s20  }
0xca: {  	s17 =	sor.u32 s23, s24  }
0xcb: {  	v17 =	vld [tilespmem:s17+$0x0];
	[tilespmem:s14+$0x9F80] =	vst v12  }
0xcc: {  	s21 =	sor.u32 $0x1180, s10;
	[tilespmem:s15+$0x8200] =	vst v8;
	v8 =	vld.idx.msk [tilespmem:v10+s9+$0x0], $0xffff  }
0xcd: {  	v11 =	vadd.s32 $0xD07, v11;
	v10 =	vld.idx.msk [tilespmem:v16+s9+$0x0], $0xffff;
	[tilespmem:s21+$0x5F00] =	vst v15  }
0xce: {  	v12 =	vld [tilespmem:s16+$0x200];
	_ =	sdelay $0x1  }
0xcf: {  	v15 =	vmul.u32 $0x3, v17  }
0xd0: {  	s18 =	sor.u32 $0x2380, s18;
	[tilespmem:s14+$0xA000] =	vst v8  }
0xd1: {  	v4 =	vmul.u32 $0x3, v4;
	[tilespmem:s18+$0x5F00] =	vst v10;
	v8 =	vld.idx.msk [tilespmem:v11+s9+$0x0], $0xffff  }
0xd2: {  	v10 =	vmul.u32 $0x3, v12;
	v11 =	vld [tilespmem:s15+$0x1000]  }
0xd3: {  	v12 =	vadd.s32 $0xE34, v4  }
0xd4: {  	v16 =	vadd.s32 $0x4BC, v10  }
0xd5: {  	v17 =	vld.idx.msk [tilespmem:v15+s9+$0x0], $0xffff  }
0xd6: {  	v18 =	vadd.s32 $0x1, v15  }
0xd7: {  	[tilespmem:s14+$0xA080] =	vst v8;
	v11 =	vmul.u32 $0x3, v11  }
0xd8: {  	v8 =	vld.idx.msk [tilespmem:v12+s9+$0x0], $0xffff  }
0xd9: {  	v12 =	vld.idx.msk [tilespmem:v16+s9+$0x0], $0xffff;
	v16 =	vadd.s32 $0x978, v11  }
0xda: {  	v21 =	vld [tilespmem:s17+$0x80];
	[tilespmem:s17+$0x5F00] =	vst v17;
	v17 =	vadd.s32 $0xE35, v4  }
0xdb: {  	v20 =	vadd.s32 $0x4BD, v10;
	v18 =	vld.idx.msk [tilespmem:v18+s9+$0x0], $0xffff  }
0xdc: {  	v7 =	vld [tilespmem:s14+$0x1280];
	v15 =	vadd.s32 $0x2, v15  }
0xdd: {  	v19 =	vld [tilespmem:s16+$0x280]  }
0xde: {  	[tilespmem:s14+$0xA100] =	vst v8;
	v8 =	vld.idx.msk [tilespmem:v16+s9+$0x0], $0xffff  }
0xdf: {  	[tilespmem:s16+$0x7100] =	vst v12;
	v12 =	vld.idx.msk [tilespmem:v17+s9+$0x0], $0xffff;
	v17 =	vadd.s32 $0x979, v11  }
0xe0: {  	v4 =	vadd.s32 $0xE36, v4;
	[tilespmem:s17+$0x5F80] =	vst v18;
	v18 =	vmul.u32 $0x3, v21;
	v20 =	vld.idx.msk [tilespmem:v20+s9+$0x0], $0xffff  }
0xe1: {  	v10 =	vadd.s32 $0x4BE, v10;
	v15 =	vld.idx.msk [tilespmem:v15+s9+$0x0], $0xffff  }
0xe2: {  	v21 =	vadd.s32 $0x12F, v18  }
0xe3: {  	v22 =	vld [tilespmem:s15+$0x1080];
	[tilespmem:s15+$0x8F00] =	vst v8  }
0xe4: {  	v7 =	vmul.u32 $0x3, v7;
	[tilespmem:s14+$0xA180] =	vst v12;
	v8 =	vld.idx.msk [tilespmem:v17+s9+$0x0], $0xffff  }
0xe5: {  	v11 =	vadd.s32 $0x97A, v11;
	v12 =	vmul.u32 $0x3, v19;
	[tilespmem:s16+$0x7180] =	vst v20;
	v4 =	vld.idx.msk [tilespmem:v4+s9+$0x0], $0xffff  }
0xe6: {  	[tilespmem:s17+$0x6000] =	vst v15;
	v15 =	vadd.s32 $0xF63, v7;
	v10 =	vld.idx.msk [tilespmem:v10+s9+$0x0], $0xffff  }
0xe7: {  	v17 =	vld.idx.msk [tilespmem:v21+s9+$0x0], $0xffff;
	v19 =	vadd.s32 $0x5EB, v12  }
0xe8: {  	v20 =	vadd.s32 $0x130, v18  }
0xe9: {  	s25 =	sand.u32 $0xFFFFFC00, s22;
	[tilespmem:s15+$0x8F80] =	vst v8;
	v8 =	vmul.u32 $0x3, v22  }
0xea: {  	s24 =	sadd.s32 $0x30, s25;
	[tilespmem:s14+$0xA200] =	vst v4;
	v11 =	vld.idx.msk [tilespmem:v11+s9+$0x0], $0xffff  }
0xeb: {  	s26 =	sor.u32 $0x180, s24;
	[tilespmem:s16+$0x7200] =	vst v10;
	v4 =	vld.idx.msk [tilespmem:v15+s9+$0x0], $0xffff;
	v10 =	vadd.s32 $0xAA7, v8  }
0xec: {  	[tilespmem:s26+$0x5F00] =	vst v17;
	v17 =	vadd.s32 $0xF64, v7;
	v15 =	vld.idx.msk [tilespmem:v19+s9+$0x0], $0xffff  }
0xed: {  	v19 =	vld.idx.msk [tilespmem:v20+s9+$0x0], $0xffff;
	v20 =	vadd.s32 $0x5EC, v12  }
0xee: {  	v21 =	vld [tilespmem:s17+$0x100]  }
0xef: {  	v5 =	vld [tilespmem:s14+$0x1300];
	v18 =	vadd.s32 $0x131, v18;
	[tilespmem:s15+$0x9000] =	vst v11  }
0xf0: {  	s7 =	sor.u32 $0x1380, s5;
	[tilespmem:s14+$0xA280] =	vst v4;
	v10 =	vld.idx.msk [tilespmem:v10+s9+$0x0], $0xffff  }
0xf1: {  	[tilespmem:s7+$0x5F00] =	vst v15;
	v4 =	vld.idx.msk [tilespmem:v17+s9+$0x0], $0xffff  }
0xf2: {  	v15 =	vadd.s32 $0xAA8, v8;
	v11 =	vld.idx.msk [tilespmem:v20+s9+$0x0], $0xffff  }
0xf3: {  	v7 =	vadd.s32 $0xF65, v7;
	[tilespmem:s17+$0x6100] =	vst v19;
	v19 =	vmul.u32 $0x3, v21;
	v17 =	vld [tilespmem:s16+$0x300]  }
0xf4: {  	v12 =	vadd.s32 $0x5ED, v12;
	v18 =	vld.idx.msk [tilespmem:v18+s9+$0x0], $0xffff  }
0xf5: {  	v20 =	vadd.s32 $0x25E, v19  }
0xf6: {  	v23 =	vld [tilespmem:s15+$0x1100];
	[tilespmem:s15+$0x9080] =	vst v10  }
0xf7: {  	[tilespmem:s14+$0xAF00] =	vst v4;
	v4 =	vmul.u32 $0x3, v5;
	v10 =	vld.idx.msk [tilespmem:v15+s9+$0x0], $0xffff  }
0xf8: {  	v8 =	vadd.s32 $0xAA9, v8;
	[tilespmem:s16+$0x7F00] =	vst v11;
	v5 =	vmul.u32 $0x3, v17;
	v7 =	vld.idx.msk [tilespmem:v7+s9+$0x0], $0xffff  }
0xf9: {  	[tilespmem:s17+$0x6180] =	vst v18;
	v11 =	vld.idx.msk [tilespmem:v12+s9+$0x0], $0xffff;
	v12 =	vadd.s32 $0x1092, v4  }
0xfa: {  	v15 =	vld.idx.msk [tilespmem:v20+s9+$0x0], $0xffff;
	v17 =	vadd.s32 $0x71A, v5  }
0xfb: {  	v18 =	vadd.s32 $0x25F, v19  }
0xfc: {  	v20 =	vmul.u32 $0x3, v23;
	[tilespmem:s15+$0x9100] =	vst v10  }
0xfd: {  	[tilespmem:s14+$0xAF80] =	vst v7;
	v8 =	vld.idx.msk [tilespmem:v8+s9+$0x0], $0xffff  }
0xfe: {  	v10 =	vadd.s32 $0xBD6, v20;
	[tilespmem:s16+$0x7F80] =	vst v11;
	v7 =	vld.idx.msk [tilespmem:v12+s9+$0x0], $0xffff  }
0xff: {  	[tilespmem:s17+$0x6200] =	vst v15;
	v12 =	vadd.s32 $0x1093, v4;
	v11 =	vld.idx.msk [tilespmem:v17+s9+$0x0], $0xffff  }
0x100: {  	v15 =	vld.idx.msk [tilespmem:v18+s9+$0x0], $0xffff;
	v17 =	vadd.s32 $0x71B, v5  }
0x101: {  	v18 =	vadd.s32 $0x260, v19  }
0x102: {  	[tilespmem:s15+$0x9180] =	vst v8  }
0x103: {  	s23 =	sor.u32 s20, s22;
	[tilespmem:s14+$0xB000] =	vst v7;
	v8 =	vld.idx.msk [tilespmem:v10+s9+$0x0], $0xffff  }
0x104: {  	s28 =	sor.u32 $0x380, s23;
	[tilespmem:s16+$0x8000] =	vst v11;
	v7 =	vld.idx.msk [tilespmem:v12+s9+$0x0], $0xffff  }
0x105: {  	v10 =	vadd.s32 $0xBD7, v20;
	[tilespmem:s28+$0x5F00] =	vst v15;
	v11 =	vld.idx.msk [tilespmem:v17+s9+$0x0], $0xffff  }
0x106: {  	v5 =	vadd.s32 $0x71C, v5;
	v12 =	vld.idx.msk [tilespmem:v18+s9+$0x0], $0xffff;
	_ =	sdelay $0x1  }
0x107: {  	v4 =	vadd.s32 $0x1094, v4;
	[tilespmem:s15+$0x9200] =	vst v8  }
0x108: {  	s22 =	sor.u32 $0x2180, s10;
	[tilespmem:s14+$0xB080] =	vst v7  }
0x109: {  	v8 =	vld.idx.msk [tilespmem:v10+s9+$0x0], $0xffff;
	[tilespmem:s22+$0x5F00] =	vst v11  }
0x10a: {  	v7 =	vadd.s32 $0xBD8, v20;
	[tilespmem:s17+$0x6F00] =	vst v12;
	v5 =	vld.idx.msk [tilespmem:v5+s9+$0x0], $0xffff  }
0x10b: {  	v10 =	vld [tilespmem:s26+$0x0]  }
0x10c: {  	v4 =	vld.idx.msk [tilespmem:v4+s9+$0x0], $0xffff;
	_ =	sdelay $0x1  }
0x10d: {  	[tilespmem:s15+$0x9280] =	vst v8  }
0x10e: {  	v7 =	vld.idx.msk [tilespmem:v7+s9+$0x0], $0xffff;
	[tilespmem:s16+$0x8100] =	vst v5  }
0x10f: {  	v8 =	vmul.u32 $0x3, v10;
	v5 =	vld [tilespmem:s19+$0x0]  }
0x110: {  	v14 =	vld [tilespmem:s14+$0x2000];
	[tilespmem:s14+$0xB100] =	vst v4  }
0x111: {  	v4 =	vld [tilespmem:s3+$0x0];
	v10 =	vadd.s32 $0x38D, v8  }
0x112: {  	v13 =	vld [tilespmem:s14+$0x2080]  }
0x113: {  	v9 =	vld [tilespmem:s14+$0x2200];
	[tilespmem:s15+$0x9F00] =	vst v7  }
0x114: {  	v19 =	vmul.u32 $0x3, v5;
	v5 =	vld [tilespmem:s4+$0x0]  }
0x115: {  	v6 =	vld [tilespmem:s14+$0x2100]  }
0x116: {  	v20 =	vmul.u32 $0x3, v4;
	v7 =	vld.idx.msk [tilespmem:v10+s9+$0x0], $0xffff;
	v10 =	vadd.s32 $0x849, v19  }
0x117: {  	v0 =	vld [tilespmem:s14+$0x3000];
	v21 =	vadd.s32 $0x38E, v8  }
0x118: {  	v2 =	vld [tilespmem:s14+$0x2300];
	v22 =	vadd.s32 $0x11C1, v20  }
0x119: {  	v3 =	vld [tilespmem:s14+$0x2280];
	v23 =	vmul.u32 $0x3, v5  }
0x11a: {  	v1 =	vld [tilespmem:s14+$0x3080]  }
0x11b: {  	[tilespmem:s17+$0x6F80] =	vst v7;
	v10 =	vld.idx.msk [tilespmem:v10+s9+$0x0], $0xffff;
	v24 =	vadd.s32 $0xD05, v23  }
0x11c: {  	v25 =	vadd.s32 $0x84A, v19;
	v21 =	vld.idx.msk [tilespmem:v21+s9+$0x0], $0xffff  }
0x11d: {  	v26 =	vadd.s32 $0x38F, v8;
	v22 =	vld.idx.msk [tilespmem:v22+s9+$0x0], $0xffff  }
0x11e: {  	v16 =	vld [tilespmem:s15+$0x1200];
	v27 =	vadd.s32 $0x11C2, v20  }
0x11f: {  	v15 =	vld [tilespmem:s15+$0x2000]  }
0x120: {  	v24 =	vld.idx.msk [tilespmem:v24+s9+$0x0], $0xffff;
	[tilespmem:s16+$0x8180] =	vst v10  }
0x121: {  	[tilespmem:s17+$0x7000] =	vst v21;
	v21 =	vadd.s32 $0xD06, v23;
	v25 =	vld.idx.msk [tilespmem:v25+s9+$0x0], $0xffff  }
0x122: {  	s11 =	simm.s32 $0x200;
	s10 =	simm.s32 $0x40;
	v19 =	vadd.s32 $0x84B, v19;
	[tilespmem:s14+$0xB180] =	vst v22;
	v22 =	vld.idx.msk [tilespmem:v26+s9+$0x0], $0xffff  }
0x123: {  	s25 =	sand.u32 $0xC00, s11;
	s20 =	sand.u32 $0x70, s10;
	v26 =	vld.idx.msk [tilespmem:v27+s9+$0x0], $0xffff  }
0x124: {  	v18 =	vld [tilespmem:s15+$0x1280];
	s19 =	sor.u32 s20, s25;
	v20 =	vadd.s32 $0x11C3, v20  }
0x125: {  	[tilespmem:s15+$0x9F80] =	vst v24;
	v24 =	vld [tilespmem:s19+$0x0]  }
0x126: {  	s8 =	sor.u32 $0x1180, s24;
	[tilespmem:s16+$0x8200] =	vst v25;
	v21 =	vld.idx.msk [tilespmem:v21+s9+$0x0], $0xffff  }
0x127: {  	[tilespmem:s8+$0x5F00] =	vst v22;
	v22 =	vadd.s32 $0xD07, v23;
	v19 =	vld.idx.msk [tilespmem:v19+s9+$0x0], $0xffff  }
0x128: {  	v14 =	vmul.u32 $0x3, v14;
	[tilespmem:s14+$0xB200] =	vst v26;
	v23 =	vld [tilespmem:s17+$0x200]  }
0x129: {  	v20 =	vld.idx.msk [tilespmem:v20+s9+$0x0], $0xffff  }
0x12a: {  	v17 =	vld [tilespmem:s15+$0x1300];
	v25 =	vadd.s32 $0x12F0, v14;
	v24 =	vmul.u32 $0x3, v24  }
0x12b: {  	v12 =	vld [tilespmem:s15+$0x2080];
	s20 =	sor.u32 $0x2380, s5;
	[tilespmem:s15+$0xA000] =	vst v21  }
0x12c: {  	v21 =	vmul.u32 $0x3, v16;
	[tilespmem:s20+$0x5F00] =	vst v19;
	v16 =	vld.idx.msk [tilespmem:v22+s9+$0x0], $0xffff  }
0x12d: {  	v19 =	vmul.u32 $0x3, v23;
	v22 =	vld [tilespmem:s16+$0x1000]  }
0x12e: {  	v11 =	vld [tilespmem:s15+$0x2100];
	[tilespmem:s14+$0xB280] =	vst v20;
	v20 =	vadd.s32 $0xE34, v21  }
0x12f: {  	v25 =	vld.idx.msk [tilespmem:v25+s9+$0x0], $0xffff;
	v26 =	vadd.s32 $0x4BC, v19  }
0x130: {  	v28 =	vadd.s32 $0x12F1, v14;
	v27 =	vld.idx.msk [tilespmem:v24+s9+$0x0], $0xffff  }
0x131: {  	v8 =	vld [tilespmem:s15+$0x3000];
	v30 =	vadd.s32 $0x1, v24  }
0x132: {  	v33 =	vld [tilespmem:s19+$0x80];
	[tilespmem:s15+$0xA080] =	vst v16;
	v22 =	vmul.u32 $0x3, v22  }
0x133: {  	v20 =	vld.idx.msk [tilespmem:v20+s9+$0x0], $0xffff  }
0x134: {  	[tilespmem:s14+$0xBF00] =	vst v25;
	v26 =	vld.idx.msk [tilespmem:v26+s9+$0x0], $0xffff;
	v32 =	vadd.s32 $0x978, v22  }
0x135: {  	v25 =	vadd.s32 $0xE35, v21;
	[tilespmem:s19+$0x5F00] =	vst v27;
	v27 =	vld.idx.msk [tilespmem:v28+s9+$0x0], $0xffff  }
0x136: {  	v28 =	vld.idx.msk [tilespmem:v30+s9+$0x0], $0xffff;
	v30 =	vadd.s32 $0x4BD, v19  }
0x137: {  	v4 =	vld [tilespmem:s15+$0x2200];
	v14 =	vadd.s32 $0x12F2, v14  }
0x138: {  	v23 =	vld [tilespmem:s17+$0x280];
	v24 =	vadd.s32 $0x2, v24  }
0x139: {  	[tilespmem:s15+$0xA100] =	vst v20;
	v20 =	vld.idx.msk [tilespmem:v32+s9+$0x0], $0xffff  }
0x13a: {  	[tilespmem:s17+$0x7100] =	vst v26;
	v25 =	vld.idx.msk [tilespmem:v25+s9+$0x0], $0xffff;
	v26 =	vadd.s32 $0x979, v22  }
0x13b: {  	v13 =	vmul.u32 $0x3, v13;
	v21 =	vadd.s32 $0xE36, v21;
	[tilespmem:s14+$0xBF80] =	vst v27;
	v30 =	vld.idx.msk [tilespmem:v30+s9+$0x0], $0xffff  }
0x13c: {  	v19 =	vadd.s32 $0x4BE, v19;
	v27 =	vmul.u32 $0x3, v33;
	[tilespmem:s19+$0x5F80] =	vst v28;
	v14 =	vld.idx.msk [tilespmem:v14+s9+$0x0], $0xffff  }
0x13d: {  	v28 =	vadd.s32 $0x141F, v13;
	v24 =	vld.idx.msk [tilespmem:v24+s9+$0x0], $0xffff  }
0x13e: {  	v29 =	vld [tilespmem:s16+$0x1080];
	v37 =	vadd.s32 $0x12F, v27;
	[tilespmem:s16+$0x8F00] =	vst v20  }
0x13f: {  	v18 =	vmul.u32 $0x3, v18;
	[tilespmem:s15+$0xA180] =	vst v25;
	v20 =	vld.idx.msk [tilespmem:v26+s9+$0x0], $0xffff  }
0x140: {  	v23 =	vmul.u32 $0x3, v23;
	v22 =	vadd.s32 $0x97A, v22;
	v21 =	vld.idx.msk [tilespmem:v21+s9+$0x0], $0xffff;
	[tilespmem:s17+$0x7180] =	vst v30  }
0x141: {  	[tilespmem:s14+$0xC000] =	vst v14;
	v14 =	vadd.s32 $0xF63, v18;
	v19 =	vld.idx.msk [tilespmem:v19+s9+$0x0], $0xffff  }
0x142: {  	v25 =	vadd.s32 $0x5EB, v23;
	[tilespmem:s19+$0x6000] =	vst v24;
	v24 =	vld.idx.msk [tilespmem:v28+s9+$0x0], $0xffff  }
0x143: {  	v28 =	vadd.s32 $0x1420, v13;
	v26 =	vld.idx.msk [tilespmem:v37+s9+$0x0], $0xffff  }
0x144: {  	v5 =	vld [tilespmem:s15+$0x2280];
	v30 =	vadd.s32 $0x130, v27;
	[tilespmem:s16+$0x8F80] =	vst v20;
	v20 =	vmul.u32 $0x3, v29  }
0x145: {  	s26 =	sand.u32 $0xFFFFFC00, s11;
	[tilespmem:s15+$0xA200] =	vst v21;
	v22 =	vld.idx.msk [tilespmem:v22+s9+$0x0], $0xffff  }
0x146: {  	s26 =	sadd.s32 $0x40, s26;
	v14 =	vld.idx.msk [tilespmem:v14+s9+$0x0], $0xffff;
	[tilespmem:s17+$0x7200] =	vst v19;
	v19 =	vadd.s32 $0xAA7, v20  }
0x147: {  	s2 =	sor.u32 $0x180, s26;
	[tilespmem:s14+$0xC080] =	vst v24;
	v24 =	vadd.s32 $0xF64, v18;
	v21 =	vld.idx.msk [tilespmem:v25+s9+$0x0], $0xffff  }
0x148: {  	[tilespmem:s2+$0x5F00] =	vst v26;
	v25 =	vld.idx.msk [tilespmem:v28+s9+$0x0], $0xffff;
	v26 =	vadd.s32 $0x5EC, v23  }
0x149: {  	v28 =	vld.idx.msk [tilespmem:v30+s9+$0x0], $0xffff  }
0x14a: {  	v29 =	vld [tilespmem:s19+$0x100];
	[tilespmem:s16+$0x9000] =	vst v22  }
0x14b: {  	s25 =	sor.u32 $0x1380, s23;
	v22 =	vadd.s32 $0x131, v27;
	[tilespmem:s15+$0xA280] =	vst v14;
	v19 =	vld.idx.msk [tilespmem:v19+s9+$0x0], $0xffff  }
0x14c: {  	v13 =	vadd.s32 $0x1421, v13;
	v14 =	vld.idx.msk [tilespmem:v24+s9+$0x0], $0xffff;
	[tilespmem:s25+$0x5F00] =	vst v21  }
0x14d: {  	v24 =	vadd.s32 $0xAA8, v20;
	v21 =	vld.idx.msk [tilespmem:v26+s9+$0x0], $0xffff  }
0x14e: {  	v18 =	vadd.s32 $0xF65, v18;
	v26 =	vld [tilespmem:s17+$0x300]  }
0x14f: {  	v31 =	vld [tilespmem:s16+$0x1100];
	v23 =	vadd.s32 $0x5ED, v23;
	[tilespmem:s19+$0x6100] =	vst v28;
	v27 =	vmul.u32 $0x3, v29  }
0x150: {  	v6 =	vmul.u32 $0x3, v6;
	[tilespmem:s14+$0xC100] =	vst v25;
	v22 =	vld.idx.msk [tilespmem:v22+s9+$0x0], $0xffff  }
0x151: {  	v13 =	vld.idx.msk [tilespmem:v13+s9+$0x0], $0xffff;
	v25 =	vadd.s32 $0x25E, v27;
	[tilespmem:s16+$0x9080] =	vst v19  }
0x152: {  	v17 =	vmul.u32 $0x3, v17;
	[tilespmem:s15+$0xAF00] =	vst v14;
	v14 =	vadd.s32 $0x154E, v6;
	v19 =	vld.idx.msk [tilespmem:v24+s9+$0x0], $0xffff  }
0x153: {  	v20 =	vadd.s32 $0xAA9, v20;
	v18 =	vld.idx.msk [tilespmem:v18+s9+$0x0], $0xffff;
	[tilespmem:s17+$0x7F00] =	vst v21;
	v21 =	vmul.u32 $0x3, v26  }
0x154: {  	v24 =	vadd.s32 $0x1092, v17;
	v23 =	vld.idx.msk [tilespmem:v23+s9+$0x0], $0xffff  }
0x155: {  	v7 =	vld [tilespmem:s15+$0x2300];
	[tilespmem:s19+$0x6180] =	vst v22;
	v22 =	vadd.s32 $0x71A, v21  }
0x156: {  	[tilespmem:s14+$0xC180] =	vst v13;
	v25 =	vld.idx.msk [tilespmem:v25+s9+$0x0], $0xffff  }
0x157: {  	v13 =	vmul.u32 $0x3, v31;
	v26 =	vadd.s32 $0x25F, v27;
	v14 =	vld.idx.msk [tilespmem:v14+s9+$0x0], $0xffff;
	[tilespmem:s16+$0x9100] =	vst v19  }
0x158: {  	[tilespmem:s15+$0xAF80] =	vst v18;
	v18 =	vadd.s32 $0x154F, v6;
	v19 =	vld.idx.msk [tilespmem:v20+s9+$0x0], $0xffff  }
0x159: {  	v20 =	vld.idx.msk [tilespmem:v24+s9+$0x0], $0xffff;
	[tilespmem:s17+$0x7F80] =	vst v23;
	v23 =	vadd.s32 $0xBD6, v13  }
0x15a: {  	v24 =	vadd.s32 $0x1093, v17;
	v22 =	vld.idx.msk [tilespmem:v22+s9+$0x0], $0xffff  }
0x15b: {  	v10 =	vld [tilespmem:s15+$0x3080];
	[tilespmem:s19+$0x6200] =	vst v25;
	v25 =	vadd.s32 $0x71B, v21  }
0x15c: {  	[tilespmem:s14+$0xC200] =	vst v14;
	v26 =	vld.idx.msk [tilespmem:v26+s9+$0x0], $0xffff  }
0x15d: {  	v14 =	vld.idx.msk [tilespmem:v18+s9+$0x0], $0xffff;
	v18 =	vadd.s32 $0x260, v27;
	[tilespmem:s16+$0x9180] =	vst v19  }
0x15e: {  	v6 =	vadd.s32 $0x1550, v6;
	[tilespmem:s15+$0xB000] =	vst v20;
	v19 =	vld.idx.msk [tilespmem:v23+s9+$0x0], $0xffff  }
0x15f: {  	s29 =	sor.u32 s10, s11;
	v20 =	vld.idx.msk [tilespmem:v24+s9+$0x0], $0xffff;
	[tilespmem:s17+$0x8000] =	vst v22;
	v22 =	vadd.s32 $0xBD7, v13  }
0x160: {  	s4 =	sor.u32 $0x380, s29;
	v17 =	vadd.s32 $0x1094, v17;
	v23 =	vld.idx.msk [tilespmem:v25+s9+$0x0], $0xffff  }
0x161: {  	v16 =	vld [tilespmem:s16+$0x1200];
	v21 =	vadd.s32 $0x71C, v21;
	[tilespmem:s4+$0x5F00] =	vst v26  }
0x162: {  	[tilespmem:s14+$0xC280] =	vst v14;
	v18 =	vld.idx.msk [tilespmem:v18+s9+$0x0], $0xffff  }
0x163: {  	v6 =	vld.idx.msk [tilespmem:v6+s9+$0x0], $0xffff;
	[tilespmem:s16+$0x9200] =	vst v19  }
0x164: {  	s24 =	sor.u32 $0x2180, s24;
	[tilespmem:s15+$0xB080] =	vst v20;
	v14 =	vld.idx.msk [tilespmem:v22+s9+$0x0], $0xffff  }
0x165: {  	v13 =	vadd.s32 $0xBD8, v13;
	v17 =	vld.idx.msk [tilespmem:v17+s9+$0x0], $0xffff;
	[tilespmem:s24+$0x5F00] =	vst v23  }
0x166: {  	v20 =	vld.idx.msk [tilespmem:v21+s9+$0x0], $0xffff  }
0x167: {  	v19 =	vld [tilespmem:s16+$0x1280];
	[tilespmem:s19+$0x6F00] =	vst v18  }
0x168: {  	[tilespmem:s14+$0xCF00] =	vst v6;
	v18 =	vld [tilespmem:s2+$0x0]  }
0x169: {  	v6 =	vld [tilespmem:s1+$0x0];
	[tilespmem:s16+$0x9280] =	vst v14  }
0x16a: {  	[tilespmem:s15+$0xB100] =	vst v17;
	v21 =	vld.idx.msk [tilespmem:v13+s9+$0x0], $0xffff  }
0x16b: {  	[tilespmem:s17+$0x8100] =	vst v20;
	v20 =	vld [tilespmem:s12+$0x0]  }
0x16c: {  	v22 =	vld [tilespmem:s28+$0x0]  }
0x16d: {  	v17 =	vld [tilespmem:s16+$0x1300]  }
0x16e: {  	v14 =	vld [tilespmem:s16+$0x2000];
	v23 =	vmul.u32 $0x3, v18  }
0x16f: {  	v13 =	vld [tilespmem:s16+$0x2080];
	v24 =	vmul.u32 $0x3, v6  }
0x170: {  	v6 =	vld [tilespmem:s16+$0x2100];
	v25 =	vadd.s32 $0x38D, v23;
	[tilespmem:s16+$0x9F00] =	vst v21  }
0x171: {  	s5 =	simm.s32 $0x50;
	s12 =	simm.s32 $0x280;
	v21 =	vadd.s32 $0x167D, v24;
	v26 =	vmul.u32 $0x3, v20;
	v27 =	vmul.u32 $0x3, v22;
	v22 =	vld [tilespmem:s21+$0x0]  }
0x172: {  	s2 =	sand.u32 $0x70, s5;
	s6 =	sand.u32 $0xC00, s12;
	v18 =	vld [tilespmem:s16+$0x2200]  }
0x173: {  	v20 =	vld [tilespmem:s16+$0x2280];
	s21 =	sor.u32 s2, s6;
	v28 =	vadd.s32 $0x11C1, v26  }
0x174: {  	v46 =	vld [tilespmem:s21+$0x80];
	v29 =	vadd.s32 $0x849, v27  }
0x175: {  	v25 =	vld.idx.msk [tilespmem:v25+s9+$0x0], $0xffff  }
0x176: {  	v30 =	vadd.s32 $0x38E, v23;
	v31 =	vld.idx.msk [tilespmem:v21+s9+$0x0], $0xffff;
	v38 =	vmul.u32 $0x3, v22  }
0x177: {  	v39 =	vadd.s32 $0x167E, v24;
	v21 =	vld [tilespmem:s16+$0x2300]  }
0x178: {  	v28 =	vld.idx.msk [tilespmem:v28+s9+$0x0], $0xffff;
	v34 =	vadd.s32 $0xD05, v38  }
0x179: {  	v35 =	vadd.s32 $0x11C2, v26;
	v29 =	vld.idx.msk [tilespmem:v29+s9+$0x0], $0xffff  }
0x17a: {  	v22 =	vld [tilespmem:s16+$0x3000];
	[tilespmem:s19+$0x6F80] =	vst v25;
	v25 =	vadd.s32 $0x84A, v27  }
0x17b: {  	[tilespmem:s14+$0xCF80] =	vst v31;
	v30 =	vld.idx.msk [tilespmem:v30+s9+$0x0], $0xffff  }
0x17c: {  	v23 =	vadd.s32 $0x38F, v23;
	v31 =	vld.idx.msk [tilespmem:v39+s9+$0x0], $0xffff  }
0x17d: {  	[tilespmem:s15+$0xB180] =	vst v28;
	v40 =	vld.idx.msk [tilespmem:v34+s9+$0x0], $0xffff  }
0x17e: {  	v24 =	vadd.s32 $0x167F, v24;
	[tilespmem:s17+$0x8180] =	vst v29;
	v28 =	vld.idx.msk [tilespmem:v35+s9+$0x0], $0xffff  }
0x17f: {  	v29 =	vadd.s32 $0xD06, v38;
	v25 =	vld.idx.msk [tilespmem:v25+s9+$0x0], $0xffff  }
0x180: {  	v27 =	vadd.s32 $0x84B, v27;
	[tilespmem:s19+$0x7000] =	vst v30;
	v30 =	vld [tilespmem:s21+$0x0]  }
0x181: {  	v26 =	vadd.s32 $0x11C3, v26;
	[tilespmem:s14+$0xD000] =	vst v31;
	v41 =	vld.idx.msk [tilespmem:v23+s9+$0x0], $0xffff  }
0x182: {  	v9 =	vmul.u32 $0x3, v9;
	v23 =	vld [tilespmem:s16+$0x3080];
	[tilespmem:s16+$0x9F80] =	vst v40  }
0x183: {  	v24 =	vld.idx.msk [tilespmem:v24+s9+$0x0], $0xffff;
	[tilespmem:s15+$0xB200] =	vst v28  }
0x184: {  	[tilespmem:s17+$0x8200] =	vst v25;
	v25 =	vadd.s32 $0x17AC, v9;
	v28 =	vld.idx.msk [tilespmem:v29+s9+$0x0], $0xffff  }
0x185: {  	s30 =	sor.u32 $0x1180, s26;
	v27 =	vld.idx.msk [tilespmem:v27+s9+$0x0], $0xffff;
	v29 =	vmul.u32 $0x3, v30;
	v30 =	vadd.s32 $0xD07, v38  }
0x186: {  	v26 =	vld.idx.msk [tilespmem:v26+s9+$0x0], $0xffff;
	[tilespmem:s30+$0x5F00] =	vst v41  }
0x187: {  	v15 =	vmul.u32 $0x3, v15;
	v31 =	vld [tilespmem:s19+$0x200]  }
0x188: {  	[tilespmem:s14+$0xD080] =	vst v24;
	v42 =	vld [tilespmem:s19+$0x280]  }
0x189: {  	s23 =	sor.u32 $0x2380, s23;
	v24 =	vadd.s32 $0x12F0, v15;
	v25 =	vld.idx.msk [tilespmem:v25+s9+$0x0], $0xffff;
	[tilespmem:s16+$0xA000] =	vst v28  }
0x18a: {  	[tilespmem:s23+$0x5F00] =	vst v27;
	v30 =	vld.idx.msk [tilespmem:v30+s9+$0x0], $0xffff  }
0x18b: {  	v27 =	vld [tilespmem:s17+$0x1000]  }
0x18c: {  	v43 =	vld.idx.msk [tilespmem:v29+s9+$0x0], $0xffff  }
0x18d: {  	[tilespmem:s15+$0xB280] =	vst v26;
	v26 =	vld [tilespmem:s17+$0x1080]  }
0x18e: {  	v16 =	vmul.u32 $0x3, v16;
	v44 =	vadd.s32 $0x1, v29;
	v24 =	vld.idx.msk [tilespmem:v24+s9+$0x0], $0xffff  }
0x18f: {  	v28 =	vadd.s32 $0x17AD, v9;
	v58 =	vld [tilespmem:s17+$0x2200];
	v31 =	vmul.u32 $0x3, v31  }
0x190: {  	v45 =	vadd.s32 $0xE34, v16;
	v59 =	vld [tilespmem:s17+$0x2280]  }
0x191: {  	v41 =	vld [tilespmem:s17+$0x2300];
	v36 =	vadd.s32 $0x4BC, v31;
	[tilespmem:s14+$0xD100] =	vst v25;
	v27 =	vmul.u32 $0x3, v27  }
0x192: {  	v37 =	vadd.s32 $0x12F1, v15;
	v25 =	vld [tilespmem:s17+$0x1100];
	[tilespmem:s21+$0x5F00] =	vst v43  }
0x193: {  	[tilespmem:s16+$0xA080] =	vst v30;
	v33 =	vld.idx.msk [tilespmem:v44+s9+$0x0], $0xffff;
	v30 =	vadd.s32 $0x978, v27  }
0x194: {  	v29 =	vadd.s32 $0x2, v29;
	v28 =	vld.idx.msk [tilespmem:v28+s9+$0x0], $0xffff  }
0x195: {  	v9 =	vadd.s32 $0x17AE, v9;
	v35 =	vld.idx.msk [tilespmem:v45+s9+$0x0], $0xffff  }
0x196: {  	v38 =	vadd.s32 $0xE35, v16;
	[tilespmem:s15+$0xBF00] =	vst v24;
	v36 =	vld.idx.msk [tilespmem:v36+s9+$0x0], $0xffff  }
0x197: {  	v39 =	vadd.s32 $0x4BD, v31;
	v37 =	vld.idx.msk [tilespmem:v37+s9+$0x0], $0xffff  }
0x198: {  	v47 =	vmul.u32 $0x3, v46;
	v15 =	vadd.s32 $0x12F2, v15;
	[tilespmem:s21+$0x5F80] =	vst v33;
	v30 =	vld.idx.msk [tilespmem:v30+s9+$0x0], $0xffff  }
0x199: {  	v3 =	vmul.u32 $0x3, v3;
	v48 =	vadd.s32 $0x979, v27;
	[tilespmem:s14+$0xD180] =	vst v28;
	v29 =	vld.idx.msk [tilespmem:v29+s9+$0x0], $0xffff  }
0x19a: {  	v49 =	vadd.s32 $0x12F, v47;
	[tilespmem:s16+$0xA100] =	vst v35;
	v9 =	vld.idx.msk [tilespmem:v9+s9+$0x0], $0xffff  }
0x19b: {  	v51 =	vadd.s32 $0x18DB, v3;
	v35 =	vld.idx.msk [tilespmem:v38+s9+$0x0], $0xffff;
	[tilespmem:s19+$0x7100] =	vst v36  }
0x19c: {  	v12 =	vmul.u32 $0x3, v12;
	v16 =	vadd.s32 $0xE36, v16;
	[tilespmem:s15+$0xBF80] =	vst v37;
	v50 =	vld.idx.msk [tilespmem:v39+s9+$0x0], $0xffff  }
0x19d: {  	v28 =	vadd.s32 $0x4BE, v31;
	v15 =	vld.idx.msk [tilespmem:v15+s9+$0x0], $0xffff;
	[tilespmem:s17+$0x8F00] =	vst v30  }
0x19e: {  	v31 =	vadd.s32 $0x141F, v12;
	[tilespmem:s21+$0x6000] =	vst v29;
	v30 =	vld.idx.msk [tilespmem:v48+s9+$0x0], $0xffff  }
0x19f: {  	v27 =	vadd.s32 $0x97A, v27;
	[tilespmem:s14+$0xD200] =	vst v9;
	v29 =	vld.idx.msk [tilespmem:v49+s9+$0x0], $0xffff  }
0x1a0: {  	v19 =	vmul.u32 $0x3, v19;
	v52 =	vadd.s32 $0x130, v47;
	[tilespmem:s16+$0xA180] =	vst v35;
	v34 =	vld.idx.msk [tilespmem:v51+s9+$0x0], $0xffff  }
0x1a1: {  	s10 =	sand.u32 $0xFFFFFC00, s12;
	v32 =	vmul.u32 $0x3, v42;
	v16 =	vld.idx.msk [tilespmem:v16+s9+$0x0], $0xffff;
	[tilespmem:s19+$0x7180] =	vst v50  }
0x1a2: {  	s1 =	sadd.s32 $0x50, s10;
	[tilespmem:s15+$0xC000] =	vst v15;
	v15 =	vadd.s32 $0xF63, v19;
	v28 =	vld.idx.msk [tilespmem:v28+s9+$0x0], $0xffff  }
0x1a3: {  	s11 =	sor.u32 $0x180, s1;
	v9 =	vadd.s32 $0x5EB, v32;
	v31 =	vld.idx.msk [tilespmem:v31+s9+$0x0], $0xffff;
	[tilespmem:s17+$0x8F80] =	vst v30  }
0x1a4: {  	v26 =	vmul.u32 $0x3, v26;
	v30 =	vadd.s32 $0x1420, v12;
	[tilespmem:s11+$0x5F00] =	vst v29;
	v27 =	vld.idx.msk [tilespmem:v27+s9+$0x0], $0xffff  }
0x1a5: {  	v29 =	vadd.s32 $0x18DC, v3;
	v35 =	vld.idx.msk [tilespmem:v52+s9+$0x0], $0xffff  }
0x1a6: {  	[tilespmem:s16+$0xA200] =	vst v16;
	v16 =	vadd.s32 $0xAA7, v26;
	v53 =	vld [tilespmem:s21+$0x100]  }
0x1a7: {  	v15 =	vld.idx.msk [tilespmem:v15+s9+$0x0], $0xffff;
	[tilespmem:s19+$0x7200] =	vst v28;
	v28 =	vadd.s32 $0x131, v47  }
0x1a8: {  	[tilespmem:s15+$0xC080] =	vst v31;
	v31 =	vadd.s32 $0xF64, v19;
	v9 =	vld.idx.msk [tilespmem:v9+s9+$0x0], $0xffff  }
0x1a9: {  	v54 =	vadd.s32 $0x5EC, v32;
	[tilespmem:s14+$0xD280] =	vst v34;
	v30 =	vld.idx.msk [tilespmem:v30+s9+$0x0], $0xffff  }
0x1aa: {  	v29 =	vld.idx.msk [tilespmem:v29+s9+$0x0], $0xffff;
	[tilespmem:s17+$0x9000] =	vst v27  }
0x1ab: {  	v12 =	vadd.s32 $0x1421, v12;
	[tilespmem:s21+$0x6100] =	vst v35;
	v27 =	vmul.u32 $0x3, v53;
	v16 =	vld.idx.msk [tilespmem:v16+s9+$0x0], $0xffff  }
0x1ac: {  	s28 =	sor.u32 $0x1380, s29;
	v3 =	vadd.s32 $0x18DD, v3;
	[tilespmem:s16+$0xA280] =	vst v15;
	v15 =	vld.idx.msk [tilespmem:v28+s9+$0x0], $0xffff  }
0x1ad: {  	[tilespmem:s28+$0x5F00] =	vst v9;
	v9 =	vld.idx.msk [tilespmem:v31+s9+$0x0], $0xffff;
	v28 =	vadd.s32 $0x25E, v27  }
0x1ae: {  	v19 =	vadd.s32 $0xF65, v19;
	v31 =	vld.idx.msk [tilespmem:v54+s9+$0x0], $0xffff  }
0x1af: {  	v11 =	vmul.u32 $0x3, v11;
	v55 =	vadd.s32 $0xAA8, v26;
	[tilespmem:s15+$0xC100] =	vst v30;
	v30 =	vld [tilespmem:s19+$0x300]  }
0x1b0: {  	v2 =	vmul.u32 $0x3, v2;
	v32 =	vadd.s32 $0x5ED, v32;
	[tilespmem:s14+$0xDF00] =	vst v29;
	v12 =	vld.idx.msk [tilespmem:v12+s9+$0x0], $0xffff  }
0x1b1: {  	v29 =	vadd.s32 $0x154E, v11;
	v3 =	vld.idx.msk [tilespmem:v3+s9+$0x0], $0xffff;
	[tilespmem:s21+$0x6180] =	vst v15  }
0x1b2: {  	v15 =	vadd.s32 $0x1A0A, v2;
	[tilespmem:s16+$0xAF00] =	vst v9;
	v9 =	vmul.u32 $0x3, v17;
	v17 =	vld.idx.msk [tilespmem:v28+s9+$0x0], $0xffff  }
0x1b3: {  	[tilespmem:s17+$0x9080] =	vst v16;
	v16 =	vld.idx.msk [tilespmem:v19+s9+$0x0], $0xffff;
	v19 =	vadd.s32 $0x25F, v27  }
0x1b4: {  	v28 =	vld.idx.msk [tilespmem:v55+s9+$0x0], $0xffff;
	[tilespmem:s19+$0x7F00] =	vst v31;
	v30 =	vmul.u32 $0x3, v30;
	v31 =	vadd.s32 $0x1092, v9  }
0x1b5: {  	v26 =	vadd.s32 $0xAA9, v26;
	v32 =	vld.idx.msk [tilespmem:v32+s9+$0x0], $0xffff;
	[tilespmem:s15+$0xC180] =	vst v12  }
0x1b6: {  	[tilespmem:s14+$0xDF80] =	vst v3;
	v12 =	vadd.s32 $0x71A, v30;
	v29 =	vld.idx.msk [tilespmem:v29+s9+$0x0], $0xffff  }
0x1b7: {  	v3 =	vld.idx.msk [tilespmem:v15+s9+$0x0], $0xffff;
	v15 =	vadd.s32 $0x154F, v11;
	[tilespmem:s21+$0x6200] =	vst v17  }
0x1b8: {  	[tilespmem:s16+$0xAF80] =	vst v16;
	v16 =	vadd.s32 $0x1A0B, v2;
	v17 =	vld.idx.msk [tilespmem:v19+s9+$0x0], $0xffff  }
0x1b9: {  	v27 =	vadd.s32 $0x260, v27;
	[tilespmem:s17+$0x9100] =	vst v28;
	v19 =	vmul.u32 $0x3, v25;
	v25 =	vld.idx.msk [tilespmem:v31+s9+$0x0], $0xffff  }
0x1ba: {  	v28 =	vadd.s32 $0x1093, v9;
	v26 =	vld.idx.msk [tilespmem:v26+s9+$0x0], $0xffff;
	[tilespmem:s19+$0x7F80] =	vst v32  }
0x1bb: {  	s3 =	sor.u32 s5, s12;
	v31 =	vadd.s32 $0xBD6, v19;
	v12 =	vld.idx.msk [tilespmem:v12+s9+$0x0], $0xffff;
	[tilespmem:s15+$0xC200] =	vst v29  }
0x1bc: {  	s12 =	sor.u32 $0x380, s3;
	v29 =	vadd.s32 $0x71B, v30;
	[tilespmem:s14+$0xE000] =	vst v3;
	v15 =	vld.idx.msk [tilespmem:v15+s9+$0x0], $0xffff  }
0x1bd: {  	v11 =	vadd.s32 $0x1550, v11;
	v3 =	vld.idx.msk [tilespmem:v16+s9+$0x0], $0xffff;
	[tilespmem:s12+$0x5F00] =	vst v17  }
0x1be: {  	v2 =	vadd.s32 $0x1A0C, v2;
	[tilespmem:s16+$0xB000] =	vst v25;
	v16 =	vld.idx.msk [tilespmem:v27+s9+$0x0], $0xffff  }
0x1bf: {  	[tilespmem:s17+$0x9180] =	vst v26;
	v17 =	vld.idx.msk [tilespmem:v28+s9+$0x0], $0xffff  }
0x1c0: {  	v9 =	vadd.s32 $0x1094, v9;
	v25 =	vld.idx.msk [tilespmem:v31+s9+$0x0], $0xffff;
	[tilespmem:s19+$0x8000] =	vst v12  }
0x1c1: {  	v26 =	vadd.s32 $0xBD7, v19;
	v12 =	vld.idx.msk [tilespmem:v29+s9+$0x0], $0xffff;
	[tilespmem:s15+$0xC280] =	vst v15  }
0x1c2: {  	v15 =	vadd.s32 $0x71C, v30;
	v11 =	vld.idx.msk [tilespmem:v11+s9+$0x0], $0xffff;
	[tilespmem:s14+$0xE080] =	vst v3  }
0x1c3: {  	v2 =	vld.idx.msk [tilespmem:v2+s9+$0x0], $0xffff;
	[tilespmem:s21+$0x6F00] =	vst v16  }
0x1c4: {  	v3 =	vld [tilespmem:s11+$0x0];
	[tilespmem:s16+$0xB080] =	vst v17  }
0x1c5: {  	s26 =	sor.u32 $0x2180, s26;
	[tilespmem:s17+$0x9200] =	vst v25;
	v9 =	vld.idx.msk [tilespmem:v9+s9+$0x0], $0xffff  }
0x1c6: {  	v16 =	vld.idx.msk [tilespmem:v26+s9+$0x0], $0xffff;
	[tilespmem:s26+$0x5F00] =	vst v12  }
0x1c7: {  	v12 =	vld.idx.msk [tilespmem:v15+s9+$0x0], $0xffff;
	v15 =	vadd.s32 $0xBD8, v19  }
0x1c8: {  	v24 =	vld [tilespmem:s17+$0x1200];
	[tilespmem:s15+$0xCF00] =	vst v11  }
0x1c9: {  	v11 =	vld [tilespmem:s0+$0x0];
	[tilespmem:s14+$0xE100] =	vst v2  }
0x1ca: {  	v2 =	vld [tilespmem:s31+$0x0];
	v26 =	vmul.u32 $0x3, v3;
	[tilespmem:s16+$0xB100] =	vst v9  }
0x1cb: {  	[tilespmem:s17+$0x9280] =	vst v16;
	v9 =	vld [tilespmem:s7+$0x0]  }
0x1cc: {  	v3 =	vadd.s32 $0x38D, v26;
	v15 =	vld.idx.msk [tilespmem:v15+s9+$0x0], $0xffff;
	[tilespmem:s19+$0x8100] =	vst v12  }
0x1cd: {  	v12 =	vld [tilespmem:s4+$0x0]  }
0x1ce: {  	v27 =	vld [tilespmem:s17+$0x2000];
	v30 =	vmul.u32 $0x3, v11  }
0x1cf: {  	v28 =	vld [tilespmem:s17+$0x1280];
	v16 =	vmul.u32 $0x3, v2  }
0x1d0: {  	v29 =	vld [tilespmem:s17+$0x2080];
	v2 =	vadd.s32 $0x167D, v30;
	v56 =	vmul.u32 $0x3, v9  }
0x1d1: {  	v11 =	vadd.s32 $0x1B39, v16;
	[tilespmem:s17+$0x9F00] =	vst v15;
	v15 =	vld.idx.msk [tilespmem:v3+s9+$0x0], $0xffff  }
0x1d2: {  	v57 =	vmul.u32 $0x3, v12;
	v9 =	vld [tilespmem:s8+$0x0];
	v12 =	vadd.s32 $0x11C1, v56  }
0x1d3: {  	v25 =	vld [tilespmem:s17+$0x1300];
	v31 =	vadd.s32 $0x38E, v26  }
0x1d4: {  	v19 =	vld [tilespmem:s17+$0x2100];
	v17 =	vadd.s32 $0x849, v57  }
0x1d5: {  	v2 =	vld.idx.msk [tilespmem:v2+s9+$0x0], $0xffff  }
0x1d6: {  	v7 =	vmul.u32 $0x3, v7;
	v62 =	vadd.s32 $0x167E, v30;
	v60 =	vld.idx.msk [tilespmem:v11+s9+$0x0], $0xffff  }
0x1d7: {  	v33 =	vmul.u32 $0x3, v27;
	v46 =	vadd.s32 $0x1B3A, v16;
	[tilespmem:s21+$0x6F80] =	vst v15;
	v42 =	vmul.u32 $0x3, v9;
	v61 =	vld.idx.msk [tilespmem:v12+s9+$0x0], $0xffff  }
0x1d8: {  	v47 =	vadd.s32 $0x38F, v26;
	v32 =	vadd.s32 $0x167F, v30;
	v43 =	vadd.s32 $0x11C2, v56;
	v44 =	vld.idx.msk [tilespmem:v31+s9+$0x0], $0xffff  }
0x1d9: {  	v3 =	vmul.u32 $0x3, v0;
	v0 =	vmul.u32 $0x3, v1;
	v63 =	vld.idx.msk [tilespmem:v17+s9+$0x0], $0xffff;
	v40 =	vadd.s32 $0xD05, v42  }
0x1da: {  	v1 =	vmul.u32 $0x3, v10;
	v10 =	vmul.u32 $0x3, v20;
	v17 =	vmul.u32 $0x3, v14;
	v14 =	vld [tilespmem:s17+$0x3000];
	[tilespmem:s15+$0xCF80] =	vst v2  }
0x1db: {  	v36 =	vadd.s32 $0x11C3, v56;
	v45 =	vadd.s32 $0x84A, v57;
	v30 =	vadd.s32 $0x84B, v57;
	v31 =	vld.idx.msk [tilespmem:v62+s9+$0x0], $0xffff;
	[tilespmem:s14+$0xE180] =	vst v60  }
0x1dc: {  	v11 =	vmul.u32 $0x3, v4;
	v4 =	vmul.u32 $0x3, v8;
	v8 =	vmul.u32 $0x3, v21;
	v21 =	vld.idx.msk [tilespmem:v46+s9+$0x0], $0xffff;
	[tilespmem:s16+$0xB180] =	vst v61  }
0x1dd: {  	v15 =	vmul.u32 $0x3, v13;
	v13 =	vmul.u32 $0x3, v41;
	v9 =	vmul.u32 $0x3, v5;
	v39 =	vld.idx.msk [tilespmem:v43+s9+$0x0], $0xffff  }
0x1de: {  	v12 =	vmul.u32 $0x3, v18;
	v5 =	vmul.u32 $0x3, v22;
	v22 =	vmul.u32 $0x3, v24;
	[tilespmem:s21+$0x7000] =	vst v44;
	v26 =	vld.idx.msk [tilespmem:v40+s9+$0x0], $0xffff  }
0x1df: {  	v24 =	vmul.u32 $0x3, v29;
	v18 =	vmul.u32 $0x3, v59;
	v2 =	vmul.u32 $0x3, v23;
	v34 =	vld.idx.msk [tilespmem:v47+s9+$0x0], $0xffff;
	[tilespmem:s19+$0x8180] =	vst v63  }
0x1e0: {  	s2 =	simm.s32 $0x60;
	s0 =	simm.s32 $0x300;
	v23 =	vmul.u32 $0x3, v58;
	v27 =	vadd.s32 $0xD06, v42;
	v14 =	vmul.u32 $0x3, v14;
	v29 =	vld.idx.msk [tilespmem:v45+s9+$0x0], $0xffff  }
.LBB2_2:
0x1e1: {  	s4 =	sand.u32 $0x70, s2  }
0x1e2: {  	s6 =	sand.u32 $0xC00, s0;
	v20 =	vld [tilespmem:s17+$0x3080];
	[tilespmem:s15+$0xD000] =	vst v31;
	s5 =	smov.u32 s2;
	s7 =	sadd.s32 $0x10, s2  }
0x1e3: {  	p0 =	sne.s32 s2, $0x1F0;
	s31 =	sor.u32 s4, s6;
	[tilespmem:s17+$0x9F80] =	vst v26;
	v26 =	vld.idx.msk [tilespmem:v32+s9+$0x0], $0xffff  }
0x1e4: {  	v31 =	vld [tilespmem:s31+$0x0];
	[tilespmem:s16+$0xB200] =	vst v39  }
0x1e5: {  	[tilespmem:s19+$0x8200] =	vst v29;
	v27 =	vld.idx.msk [tilespmem:v27+s9+$0x0], $0xffff;
	v29 =	vadd.s32 $0x17AC, v11  }
0x1e6: {  	s8 =	sor.u32 $0x1180, s1;
	v30 =	vld.idx.msk [tilespmem:v30+s9+$0x0], $0xffff;
	[tilespmem:s14+$0xE200] =	vst v21;
	v21 =	vadd.s32 $0x1B3B, v16  }
0x1e7: {  	v32 =	vadd.s32 $0xD07, v42;
	[tilespmem:s8+$0x5F00] =	vst v34;
	v16 =	vmul.u32 $0x3, v20;
	v20 =	vld.idx.msk [tilespmem:v36+s9+$0x0], $0xffff  }
0x1e8: {  	v34 =	vld [tilespmem:s21+$0x200]  }
0x1e9: {  	v31 =	vmul.u32 $0x3, v31;
	v35 =	vld [tilespmem:s21+$0x280];
	[tilespmem:s15+$0xD080] =	vst v26  }
0x1ea: {  	v26 =	vadd.s32 $0x12F0, v17;
	v29 =	vld.idx.msk [tilespmem:v29+s9+$0x0], $0xffff  }
0x1eb: {  	s4 =	sor.u32 $0x2380, s29;
	s29 =	smov.u32 s3;
	[tilespmem:s17+$0xA000] =	vst v27;
	v27 =	vld.idx.msk [tilespmem:v21+s9+$0x0], $0xffff  }
0x1ec: {  	[tilespmem:s4+$0x5F00] =	vst v30;
	v30 =	vld.idx.msk [tilespmem:v32+s9+$0x0], $0xffff  }
0x1ed: {  	v32 =	vmul.u32 $0x3, v34;
	v34 =	vld [tilespmem:s19+$0x1000];
	[tilespmem:s16+$0xB280] =	vst v20;
	v20 =	vadd.s32 $0x17AD, v11  }
0x1ee: {  	v36 =	vadd.s32 $0xE34, v22;
	v21 =	vmul.u32 $0x3, v35;
	v35 =	vld [tilespmem:s19+$0x1080]  }
0x1ef: {  	v37 =	vadd.s32 $0x4BC, v32;
	v26 =	vld.idx.msk [tilespmem:v26+s9+$0x0], $0xffff  }
0x1f0: {  	v38 =	vld.idx.msk [tilespmem:v31+s9+$0x0], $0xffff;
	[tilespmem:s15+$0xD100] =	vst v29;
	v29 =	vadd.s32 $0x1C68, v3  }
0x1f1: {  	v41 =	vadd.s32 $0x12F1, v17;
	v39 =	vadd.s32 $0x1, v31;
	v40 =	vld [tilespmem:s19+$0x1100];
	[tilespmem:s14+$0xE280] =	vst v27  }
0x1f2: {  	v27 =	vmul.u32 $0x3, v34;
	[tilespmem:s17+$0xA080] =	vst v30;
	v30 =	vld.idx.msk [tilespmem:v20+s9+$0x0], $0xffff  }
0x1f3: {  	v34 =	vld.idx.msk [tilespmem:v36+s9+$0x0], $0xffff  }
0x1f4: {  	v36 =	vld.idx.msk [tilespmem:v37+s9+$0x0], $0xffff  }
0x1f5: {  	v37 =	vadd.s32 $0x978, v27;
	[tilespmem:s16+$0xBF00] =	vst v26;
	v26 =	vld.idx.msk [tilespmem:v29+s9+$0x0], $0xffff  }
0x1f6: {  	v29 =	vadd.s32 $0xE35, v22;
	[tilespmem:s31+$0x5F00] =	vst v38;
	v20 =	vmul.u32 $0x3, v40;
	v38 =	vld.idx.msk [tilespmem:v41+s9+$0x0], $0xffff  }
0x1f7: {  	v40 =	vadd.s32 $0x4BD, v32;
	v39 =	vld.idx.msk [tilespmem:v39+s9+$0x0], $0xffff  }
0x1f8: {  	v42 =	vadd.s32 $0x12F2, v17;
	v17 =	vmov v33;
	v41 =	vld [tilespmem:s19+$0x1200];
	[tilespmem:s15+$0xD180] =	vst v30  }
0x1f9: {  	v30 =	vadd.s32 $0x2, v31;
	v31 =	vld [tilespmem:s31+$0x80];
	[tilespmem:s17+$0xA100] =	vst v34  }
0x1fa: {  	v34 =	vadd.s32 $0x17AE, v11;
	v11 =	vmov v12;
	v12 =	vmov v23;
	[tilespmem:s21+$0x7100] =	vst v36;
	v33 =	vld.idx.msk [tilespmem:v37+s9+$0x0], $0xffff  }
0x1fb: {  	v23 =	vld.idx.msk [tilespmem:v29+s9+$0x0], $0xffff;
	[tilespmem:s14+$0xEF00] =	vst v26;
	v26 =	vadd.s32 $0x1C69, v3  }
0x1fc: {  	v36 =	vadd.s32 $0x979, v27;
	v29 =	vld.idx.msk [tilespmem:v40+s9+$0x0], $0xffff;
	[tilespmem:s16+$0xBF80] =	vst v38  }
0x1fd: {  	v37 =	vadd.s32 $0xE36, v22;
	[tilespmem:s31+$0x5F80] =	vst v39;
	v22 =	vmul.u32 $0x3, v41;
	v38 =	vld.idx.msk [tilespmem:v42+s9+$0x0], $0xffff  }
0x1fe: {  	v32 =	vadd.s32 $0x4BE, v32;
	v30 =	vld.idx.msk [tilespmem:v30+s9+$0x0], $0xffff;
	v31 =	vmul.u32 $0x3, v31  }
0x1ff: {  	v39 =	vadd.s32 $0x141F, v15;
	v34 =	vld.idx.msk [tilespmem:v34+s9+$0x0], $0xffff  }
0x200: {  	v40 =	vadd.s32 $0x12F, v31;
	[tilespmem:s19+$0x8F00] =	vst v33;
	v26 =	vld.idx.msk [tilespmem:v26+s9+$0x0], $0xffff  }
0x201: {  	v33 =	vld.idx.msk [tilespmem:v36+s9+$0x0], $0xffff;
	[tilespmem:s17+$0xA180] =	vst v23;
	v23 =	vadd.s32 $0x18DB, v9  }
0x202: {  	v28 =	vmul.u32 $0x3, v28;
	v36 =	vadd.s32 $0x1C6A, v3;
	v3 =	vmovc v4;
	v4 =	vmovc v5;
	v5 =	vmov v14;
	[tilespmem:s21+$0x7180] =	vst v29;
	v29 =	vld.idx.msk [tilespmem:v37+s9+$0x0], $0xffff  }
0x203: {  	v27 =	vadd.s32 $0x97A, v27;
	v14 =	vld.idx.msk [tilespmem:v32+s9+$0x0], $0xffff;
	[tilespmem:s16+$0xC000] =	vst v38  }
0x204: {  	[tilespmem:s31+$0x6000] =	vst v30;
	v30 =	vadd.s32 $0xF63, v28;
	v32 =	vld.idx.msk [tilespmem:v39+s9+$0x0], $0xffff  }
0x205: {  	v38 =	vadd.s32 $0x5EB, v21;
	v37 =	vld.idx.msk [tilespmem:v40+s9+$0x0], $0xffff;
	[tilespmem:s15+$0xD200] =	vst v34  }
0x206: {  	v34 =	vadd.s32 $0x1420, v15;
	v23 =	vld.idx.msk [tilespmem:v23+s9+$0x0], $0xffff;
	[tilespmem:s14+$0xEF80] =	vst v26  }
0x207: {  	v26 =	vadd.s32 $0x130, v31;
	[tilespmem:s19+$0x8F80] =	vst v33;
	v33 =	vld.idx.msk [tilespmem:v36+s9+$0x0], $0xffff  }
0x208: {  	s2 =	sand.u32 $0xFFFFFC00, s0;
	v35 =	vmul.u32 $0x3, v35;
	v27 =	vld.idx.msk [tilespmem:v27+s9+$0x0], $0xffff;
	[tilespmem:s17+$0xA200] =	vst v29;
	v29 =	vadd.s32 $0x18DC, v9  }
0x209: {  	s2 =	sadd.s32 s2, s5;
	[tilespmem:s21+$0x7200] =	vst v14;
	v14 =	vld.idx.msk [tilespmem:v30+s9+$0x0], $0xffff  }
0x20a: {  	s11 =	sor.u32 $0x180, s2;
	v36 =	vadd.s32 $0xAA7, v35;
	v30 =	vld.idx.msk [tilespmem:v38+s9+$0x0], $0xffff;
	[tilespmem:s16+$0xC080] =	vst v32  }
0x20b: {  	v32 =	vadd.s32 $0xF64, v28;
	[tilespmem:s11+$0x5F00] =	vst v37;
	v34 =	vld.idx.msk [tilespmem:v34+s9+$0x0], $0xffff  }
0x20c: {  	v37 =	vadd.s32 $0x5EC, v21;
	v26 =	vld.idx.msk [tilespmem:v26+s9+$0x0], $0xffff;
	[tilespmem:s15+$0xD280] =	vst v23  }
0x20d: {  	v23 =	vld.idx.msk [tilespmem:v29+s9+$0x0], $0xffff;
	[tilespmem:s14+$0xF000] =	vst v33  }
0x20e: {  	v29 =	vadd.s32 $0x131, v31;
	v31 =	vld [tilespmem:s31+$0x100];
	[tilespmem:s19+$0x9000] =	vst v27  }
0x20f: {  	s6 =	sor.u32 $0x1380, s29;
	v27 =	vld.idx.msk [tilespmem:v36+s9+$0x0], $0xffff;
	[tilespmem:s17+$0xA280] =	vst v14;
	v14 =	vadd.s32 $0x1421, v15;
	v15 =	vmov v24  }
0x210: {  	[tilespmem:s6+$0x5F00] =	vst v30;
	v24 =	vld.idx.msk [tilespmem:v32+s9+$0x0], $0xffff;
	v30 =	vadd.s32 $0x18DD, v9;
	v9 =	vmov v10;
	v10 =	vmov v18  }
0x211: {  	v32 =	vadd.s32 $0xAA8, v35;
	v18 =	vld.idx.msk [tilespmem:v37+s9+$0x0], $0xffff;
	[tilespmem:s16+$0xC100] =	vst v34  }
0x212: {  	v28 =	vadd.s32 $0xF65, v28;
	[tilespmem:s31+$0x6100] =	vst v26;
	v26 =	vld [tilespmem:s21+$0x300]  }
0x213: {  	v21 =	vadd.s32 $0x5ED, v21;
	v29 =	vld.idx.msk [tilespmem:v29+s9+$0x0], $0xffff;
	v31 =	vmul.u32 $0x3, v31;
	[tilespmem:s15+$0xDF00] =	vst v23  }
0x214: {  	v33 =	vadd.s32 $0x1D97, v0;
	v23 =	vmul.u32 $0x3, v6;
	v6 =	vmov v19;
	v14 =	vld.idx.msk [tilespmem:v14+s9+$0x0], $0xffff  }
0x215: {  	v19 =	vadd.s32 $0x25E, v31;
	[tilespmem:s19+$0x9080] =	vst v27;
	v27 =	vld.idx.msk [tilespmem:v30+s9+$0x0], $0xffff  }
0x216: {  	v30 =	vld.idx.msk [tilespmem:v32+s9+$0x0], $0xffff;
	[tilespmem:s17+$0xAF00] =	vst v24;
	v24 =	vadd.s32 $0x154E, v23  }
0x217: {  	v25 =	vmul.u32 $0x3, v25;
	[tilespmem:s21+$0x7F00] =	vst v18;
	v18 =	vmul.u32 $0x3, v26;
	v26 =	vld.idx.msk [tilespmem:v28+s9+$0x0], $0xffff;
	v28 =	vadd.s32 $0x1A0A, v7  }
0x218: {  	v32 =	vadd.s32 $0xAA9, v35;
	v21 =	vld.idx.msk [tilespmem:v21+s9+$0x0], $0xffff  }
0x219: {  	[tilespmem:s31+$0x6180] =	vst v29;
	v29 =	vadd.s32 $0x1092, v25;
	v33 =	vld.idx.msk [tilespmem:v33+s9+$0x0], $0xffff  }
0x21a: {  	v34 =	vadd.s32 $0x71A, v18;
	v19 =	vld.idx.msk [tilespmem:v19+s9+$0x0], $0xffff;
	[tilespmem:s16+$0xC180] =	vst v14  }
0x21b: {  	v14 =	vld.idx.msk [tilespmem:v24+s9+$0x0], $0xffff;
	[tilespmem:s15+$0xDF80] =	vst v27;
	v24 =	vadd.s32 $0x1D98, v0  }
0x21c: {  	v27 =	vadd.s32 $0x25F, v31;
	[tilespmem:s19+$0x9100] =	vst v30;
	v28 =	vld.idx.msk [tilespmem:v28+s9+$0x0], $0xffff  }
0x21d: {  	v30 =	vld.idx.msk [tilespmem:v32+s9+$0x0], $0xffff;
	[tilespmem:s17+$0xAF80] =	vst v26;
	v26 =	vadd.s32 $0x154F, v23  }
0x21e: {  	[tilespmem:s21+$0x7F80] =	vst v21;
	v21 =	vld.idx.msk [tilespmem:v29+s9+$0x0], $0xffff;
	v29 =	vadd.s32 $0x1A0B, v7  }
0x21f: {  	v32 =	vld.idx.msk [tilespmem:v34+s9+$0x0], $0xffff;
	v34 =	vadd.s32 $0xBD6, v20;
	[tilespmem:s14+$0xF080] =	vst v33  }
0x220: {  	[tilespmem:s31+$0x6200] =	vst v19;
	v19 =	vadd.s32 $0x1093, v25;
	v24 =	vld.idx.msk [tilespmem:v24+s9+$0x0], $0xffff  }
0x221: {  	v33 =	vadd.s32 $0x71B, v18;
	v27 =	vld.idx.msk [tilespmem:v27+s9+$0x0], $0xffff;
	[tilespmem:s16+$0xC200] =	vst v14  }
0x222: {  	v14 =	vld.idx.msk [tilespmem:v26+s9+$0x0], $0xffff;
	[tilespmem:s15+$0xE000] =	vst v28;
	v26 =	vadd.s32 $0x1D99, v0;
	v0 =	vmovc v1;
	v1 =	vmov v2;
	v2 =	vmov v16  }
0x223: {  	v16 =	vadd.s32 $0x260, v31;
	[tilespmem:s19+$0x9180] =	vst v30;
	v28 =	vld.idx.msk [tilespmem:v29+s9+$0x0], $0xffff  }
0x224: {  	v29 =	vld.idx.msk [tilespmem:v34+s9+$0x0], $0xffff;
	[tilespmem:s17+$0xB000] =	vst v21;
	v21 =	vadd.s32 $0x1550, v23  }
0x225: {  	s3 =	sor.u32 s5, s0;
	v23 =	vadd.s32 $0x1A0C, v7;
	v7 =	vmov v8;
	v8 =	vmov v13;
	[tilespmem:s21+$0x8000] =	vst v32;
	v19 =	vld.idx.msk [tilespmem:v19+s9+$0x0], $0xffff  }
0x226: {  	s5 =	sor.u32 $0x380, s3;
	v30 =	vadd.s32 $0xBD7, v20;
	v13 =	vld.idx.msk [tilespmem:v33+s9+$0x0], $0xffff;
	[tilespmem:s14+$0xF100] =	vst v24  }
0x227: {  	v24 =	vadd.s32 $0x1094, v25;
	[tilespmem:s5+$0x5F00] =	vst v27;
	v25 =	vld.idx.msk [tilespmem:v26+s9+$0x0], $0xffff  }
0x228: {  	v18 =	vadd.s32 $0x71C, v18;
	v16 =	vld.idx.msk [tilespmem:v16+s9+$0x0], $0xffff;
	[tilespmem:s16+$0xC280] =	vst v14  }
0x229: {  	v14 =	vld.idx.msk [tilespmem:v21+s9+$0x0], $0xffff;
	[tilespmem:s15+$0xE080] =	vst v28  }
0x22a: {  	[tilespmem:s19+$0x9200] =	vst v29;
	v21 =	vld.idx.msk [tilespmem:v23+s9+$0x0], $0xffff  }
0x22b: {  	s10 =	sor.u32 $0x2180, s1;
	s1 =	smov.u32 s2;
	v23 =	vld.idx.msk [tilespmem:v30+s9+$0x0], $0xffff;
	[tilespmem:s17+$0xB080] =	vst v19  }
0x22c: {  	[tilespmem:s10+$0x5F00] =	vst v13;
	v13 =	vld.idx.msk [tilespmem:v24+s9+$0x0], $0xffff  }
0x22d: {  	v19 =	vadd.s32 $0xBD8, v20;
	v18 =	vld.idx.msk [tilespmem:v18+s9+$0x0], $0xffff;
	[tilespmem:s14+$0xF180] =	vst v25;
	s14 =	smov.u32 s15;
	s15 =	smov.u32 s16;
	s16 =	smov.u32 s17  }
0x22e: {  	s17 =	smov.u32 s19;
	[tilespmem:s31+$0x6F00] =	vst v16;
	v28 =	vld [tilespmem:s19+$0x1280];
	s19 =	smov.u32 s21;
	s21 =	smov.u32 s31  }
0x22f: {  	v16 =	vld [tilespmem:s11+$0x0];
	[tilespmem:s15+$0xCF00] =	vst v14  }
0x230: {  	v14 =	vld [tilespmem:s22+$0x0];
	[tilespmem:s14+$0xE100] =	vst v21;
	s22 =	smov.u32 s24;
	s24 =	smov.u32 s26;
	s26 =	smov.u32 s10  }
0x231: {  	[tilespmem:s17+$0x9280] =	vst v23;
	v20 =	vld [tilespmem:s18+$0x0];
	s18 =	smov.u32 s20;
	s20 =	smov.u32 s23;
	s23 =	smov.u32 s4  }
0x232: {  	v19 =	vld.idx.msk [tilespmem:v19+s9+$0x0], $0xffff;
	[tilespmem:s16+$0xB100] =	vst v13  }
0x233: {  	[tilespmem:s19+$0x8100] =	vst v18;
	v13 =	vld [tilespmem:s25+$0x0];
	s25 =	smov.u32 s28;
	s28 =	smov.u32 s6  }
0x234: {  	v21 =	vmul.u32 $0x3, v16;
	v18 =	vld [tilespmem:s12+$0x0];
	s12 =	smov.u32 s5  }
0x235: {  	v25 =	vld [tilespmem:s17+$0x1300];
	v14 =	vmul.u32 $0x3, v14  }
0x236: {  	v23 =	vadd.s32 $0x38D, v21;
	v24 =	vld [tilespmem:s17+$0x2000];
	v16 =	vmul.u32 $0x3, v20  }
0x237: {  	v20 =	vld [tilespmem:s17+$0x2080];
	v26 =	vadd.s32 $0x167D, v14  }
0x238: {  	[tilespmem:s17+$0x9F00] =	vst v19;
	v19 =	vld [tilespmem:s17+$0x2100];
	v13 =	vmul.u32 $0x3, v13  }
0x239: {  	v27 =	vadd.s32 $0x1B39, v16;
	v30 =	vmul.u32 $0x3, v18;
	v18 =	vld [tilespmem:s30+$0x0];
	s30 =	smov.u32 s8  }
0x23a: {  	v29 =	vld [tilespmem:s17+$0x2200];
	v31 =	vadd.s32 $0x11C1, v13;
	v36 =	vadd.s32 $0x11C3, v13  }
0x23b: {  	v32 =	vld.idx.msk [tilespmem:v23+s9+$0x0], $0xffff;
	v34 =	vadd.s32 $0x849, v30;
	v33 =	vmul.u32 $0x3, v24  }
0x23c: {  	v24 =	vmul.u32 $0x3, v20;
	v20 =	vld [tilespmem:s17+$0x2280]  }
0x23d: {  	v35 =	vadd.s32 $0x38E, v21;
	v26 =	vld.idx.msk [tilespmem:v26+s9+$0x0], $0xffff  }
0x23e: {  	v42 =	vmul.u32 $0x3, v18;
	v27 =	vld.idx.msk [tilespmem:v27+s9+$0x0], $0xffff  }
0x23f: {  	v23 =	vmul.u32 $0x3, v29;
	v29 =	vld.idx.msk [tilespmem:v31+s9+$0x0], $0xffff;
	v31 =	vadd.s32 $0x167E, v14  }
0x240: {  	v34 =	vld.idx.msk [tilespmem:v34+s9+$0x0], $0xffff;
	v37 =	vadd.s32 $0xD05, v42  }
0x241: {  	[tilespmem:s21+$0x6F80] =	vst v32;
	v18 =	vmul.u32 $0x3, v20;
	v20 =	vld [tilespmem:s17+$0x2300];
	v32 =	vadd.s32 $0x11C2, v13  }
0x242: {  	v38 =	vadd.s32 $0x84A, v30;
	v35 =	vld.idx.msk [tilespmem:v35+s9+$0x0], $0xffff  }
0x243: {  	v41 =	vadd.s32 $0x1B3A, v16;
	v40 =	vld [tilespmem:s17+$0x3000];
	[tilespmem:s15+$0xCF80] =	vst v26  }
0x244: {  	v43 =	vadd.s32 $0x38F, v21;
	v31 =	vld.idx.msk [tilespmem:v31+s9+$0x0], $0xffff;
	[tilespmem:s14+$0xE180] =	vst v27  }
.Ltmp0:
0x245: {  	v26 =	vld.idx.msk [tilespmem:v37+s9+$0x0], $0xffff;
	[tilespmem:s16+$0xB180] =	vst v29;
	(pc) =	sbr.rel @p0 .LBB2_2-.Ltmp0, $4  }
0x246: {  	[tilespmem:s19+$0x8180] =	vst v34;
	v13 =	vmul.u32 $0x3, v20;
	v39 =	vld.idx.msk [tilespmem:v32+s9+$0x0], $0xffff;
	v32 =	vadd.s32 $0x167F, v14  }
0x247: {  	v29 =	vld.idx.msk [tilespmem:v38+s9+$0x0], $0xffff  }
0x248: {  	v27 =	vadd.s32 $0xD06, v42;
	[tilespmem:s21+$0x7000] =	vst v35;
	v14 =	vmul.u32 $0x3, v40;
	v21 =	vld.idx.msk [tilespmem:v41+s9+$0x0], $0xffff  }
0x249: {  	s0 =	sadd.s32 $0x80, s0;
	s2 =	smov.u32 s7;
	v30 =	vadd.s32 $0x84B, v30;
	v34 =	vld.idx.msk [tilespmem:v43+s9+$0x0], $0xffff  }
0x24a: {  	_ =	sdelay $0x2  }
0x24b: {  	s2 =	sor.u32 $0x1180, s1  }
0x24c: {  	v20 =	vld [tilespmem:s17+$0x3080];
	[tilespmem:s2+$0x5F00] =	vst v34  }
0x24d: {  	v34 =	vld [tilespmem:s21+$0x200];
	_ =	sdelay $0x4  }
0x24e: {  	v34 =	vmul.u32 $0x3, v34;
	_ =	sdelay $0x1  }
0x24f: {  	v35 =	vadd.s32 $0x4BC, v34;
	_ =	sdelay $0x4  }
0x250: {  	v35 =	vld.idx.msk [tilespmem:v35+s9+$0x0], $0xffff  }
0x251: {  	v37 =	vadd.s32 $0x4BD, v34;
	_ =	sdelay $0x3  }
0x252: {  	v38 =	vld [tilespmem:s21+$0x280];
	[tilespmem:s21+$0x7100] =	vst v35  }
0x253: {  	v35 =	vld.idx.msk [tilespmem:v37+s9+$0x0], $0xffff  }
0x254: {  	v34 =	vadd.s32 $0x4BE, v34;
	_ =	sdelay $0x3  }
0x255: {  	v56 =	vmul.u32 $0x3, v38;
	[tilespmem:s21+$0x7180] =	vst v35  }
0x256: {  	v34 =	vld.idx.msk [tilespmem:v34+s9+$0x0], $0xffff  }
0x257: {  	v57 =	vadd.s32 $0x5EB, v56;
	_ =	sdelay $0x3  }
0x258: {  	[tilespmem:s21+$0x7200] =	vst v34  }
0x259: {  	v34 =	vld.idx.msk [tilespmem:v57+s9+$0x0], $0xffff  }
0x25a: {  	v58 =	vadd.s32 $0x5EC, v56;
	_ =	sdelay $0x2  }
0x25b: {  	s4 =	sor.u32 $0x1380, s3  }
0x25c: {  	[tilespmem:s4+$0x5F00] =	vst v34  }
0x25d: {  	v34 =	vld.idx.msk [tilespmem:v58+s9+$0x0], $0xffff  }
0x25e: {  	v59 =	vld [tilespmem:s21+$0x300]  }
0x25f: {  	v37 =	vadd.s32 $0x5ED, v56;
	_ =	sdelay $0x3  }
0x260: {  	[tilespmem:s21+$0x7F00] =	vst v34;
	v60 =	vmul.u32 $0x3, v59  }
0x261: {  	v61 =	vld.idx.msk [tilespmem:v37+s9+$0x0], $0xffff  }
0x262: {  	v62 =	vadd.s32 $0x71A, v60;
	_ =	sdelay $0x3  }
0x263: {  	[tilespmem:s21+$0x7F80] =	vst v61  }
0x264: {  	v35 =	vld.idx.msk [tilespmem:v62+s9+$0x0], $0xffff  }
0x265: {  	v63 =	vadd.s32 $0x71B, v60;
	_ =	sdelay $0x3  }
0x266: {  	[tilespmem:s21+$0x8000] =	vst v35  }
0x267: {  	v35 =	vld.idx.msk [tilespmem:v63+s9+$0x0], $0xffff  }
0x268: {  	v34 =	vadd.s32 $0x71C, v60;
	_ =	sdelay $0x2  }
0x269: {  	s7 =	sor.u32 $0x2180, s1  }
0x26a: {  	[tilespmem:s7+$0x5F00] =	vst v35  }
0x26b: {  	v34 =	vld.idx.msk [tilespmem:v34+s9+$0x0], $0xffff;
	_ =	sdelay $0x4  }
0x26c: {  	[tilespmem:s21+$0x8100] =	vst v34  }
0x26d: {  	v34 =	vld [tilespmem:s12+$0x0];
	_ =	sdelay $0x4  }
0x26e: {  	v34 =	vmul.u32 $0x3, v34;
	_ =	sdelay $0x1  }
0x26f: {  	v40 =	vadd.s32 $0x849, v34;
	_ =	sdelay $0x4  }
0x270: {  	v35 =	vld.idx.msk [tilespmem:v40+s9+$0x0], $0xffff  }
0x271: {  	v41 =	vadd.s32 $0x84A, v34;
	_ =	sdelay $0x3  }
0x272: {  	[tilespmem:s21+$0x8180] =	vst v35  }
0x273: {  	v43 =	vld.idx.msk [tilespmem:v41+s9+$0x0], $0xffff  }
0x274: {  	v34 =	vadd.s32 $0x84B, v34;
	_ =	sdelay $0x1  }
0x275: {  	[tilespmem:s19+$0x8200] =	vst v29  }
0x276: {  	v30 =	vld.idx.msk [tilespmem:v30+s9+$0x0], $0xffff  }
0x277: {  	[tilespmem:s21+$0x8200] =	vst v43  }
0x278: {  	v29 =	vld.idx.msk [tilespmem:v34+s9+$0x0], $0xffff;
	_ =	sdelay $0x1  }
0x279: {  	s0 =	sor.u32 $0x2380, s29  }
0x27a: {  	[tilespmem:s0+$0x5F00] =	vst v30  }
0x27b: {  	v30 =	vld [tilespmem:s19+$0x1000];
	s12 =	sor.u32 $0x2380, s3  }
0x27c: {  	[tilespmem:s12+$0x5F00] =	vst v29  }
0x27d: {  	v45 =	vld [tilespmem:s21+$0x1000];
	_ =	sdelay $0x2  }
0x27e: {  	v44 =	vmul.u32 $0x3, v30;
	_ =	sdelay $0x1  }
0x27f: {  	v46 =	vadd.s32 $0x978, v44;
	v30 =	vmul.u32 $0x3, v45;
	_ =	sdelay $0x1  }
0x280: {  	v47 =	vadd.s32 $0x978, v30;
	_ =	sdelay $0x2  }
0x281: {  	v34 =	vld.idx.msk [tilespmem:v46+s9+$0x0], $0xffff  }
0x282: {  	v52 =	vadd.s32 $0x979, v44  }
0x283: {  	v54 =	vld.idx.msk [tilespmem:v47+s9+$0x0], $0xffff  }
0x284: {  	v56 =	vadd.s32 $0x979, v30;
	_ =	sdelay $0x1  }
0x285: {  	v53 =	vld [tilespmem:s19+$0x1080];
	[tilespmem:s19+$0x8F00] =	vst v34  }
0x286: {  	v55 =	vld.idx.msk [tilespmem:v52+s9+$0x0], $0xffff  }
0x287: {  	v41 =	vld [tilespmem:s21+$0x1080];
	[tilespmem:s21+$0x8F00] =	vst v54  }
0x288: {  	v29 =	vadd.s32 $0x97A, v44;
	v58 =	vld.idx.msk [tilespmem:v56+s9+$0x0], $0xffff  }
0x289: {  	v30 =	vadd.s32 $0x97A, v30;
	_ =	sdelay $0x2  }
0x28a: {  	v57 =	vmul.u32 $0x3, v53;
	[tilespmem:s19+$0x8F80] =	vst v55  }
0x28b: {  	v60 =	vmul.u32 $0x3, v41;
	v29 =	vld.idx.msk [tilespmem:v29+s9+$0x0], $0xffff;
	[tilespmem:s21+$0x8F80] =	vst v58  }
0x28c: {  	v59 =	vadd.s32 $0xAA7, v57;
	v61 =	vld.idx.msk [tilespmem:v30+s9+$0x0], $0xffff  }
0x28d: {  	v63 =	vadd.s32 $0xAA7, v60;
	_ =	sdelay $0x2  }
0x28e: {  	[tilespmem:s19+$0x9000] =	vst v29  }
0x28f: {  	v62 =	vld.idx.msk [tilespmem:v59+s9+$0x0], $0xffff;
	[tilespmem:s21+$0x9000] =	vst v61  }
0x290: {  	v38 =	vadd.s32 $0xAA8, v57;
	v29 =	vld.idx.msk [tilespmem:v63+s9+$0x0], $0xffff  }
0x291: {  	v41 =	vadd.s32 $0xAA8, v60;
	_ =	sdelay $0x1  }
0x292: {  	v40 =	vld [tilespmem:s19+$0x1100]  }
0x293: {  	v43 =	vld [tilespmem:s21+$0x1100];
	[tilespmem:s19+$0x9080] =	vst v62  }
0x294: {  	v30 =	vld.idx.msk [tilespmem:v38+s9+$0x0], $0xffff;
	[tilespmem:s21+$0x9080] =	vst v29  }
0x295: {  	v34 =	vadd.s32 $0xAA9, v57;
	v45 =	vld.idx.msk [tilespmem:v41+s9+$0x0], $0xffff  }
0x296: {  	v35 =	vadd.s32 $0xAA9, v60;
	_ =	sdelay $0x2  }
0x297: {  	v44 =	vmul.u32 $0x3, v40;
	[tilespmem:s19+$0x9100] =	vst v30  }
0x298: {  	v47 =	vmul.u32 $0x3, v43;
	v34 =	vld.idx.msk [tilespmem:v34+s9+$0x0], $0xffff;
	[tilespmem:s21+$0x9100] =	vst v45  }
0x299: {  	v46 =	vadd.s32 $0xBD6, v44;
	v30 =	vld.idx.msk [tilespmem:v35+s9+$0x0], $0xffff  }
0x29a: {  	v54 =	vadd.s32 $0xBD6, v47;
	_ =	sdelay $0x2  }
0x29b: {  	[tilespmem:s19+$0x9180] =	vst v34  }
0x29c: {  	v34 =	vld.idx.msk [tilespmem:v46+s9+$0x0], $0xffff;
	[tilespmem:s21+$0x9180] =	vst v30  }
0x29d: {  	v55 =	vadd.s32 $0xBD7, v44;
	v30 =	vld.idx.msk [tilespmem:v54+s9+$0x0], $0xffff  }
0x29e: {  	v56 =	vadd.s32 $0xBD7, v47;
	_ =	sdelay $0x2  }
0x29f: {  	[tilespmem:s19+$0x9200] =	vst v34  }
0x2a0: {  	v34 =	vld.idx.msk [tilespmem:v55+s9+$0x0], $0xffff;
	[tilespmem:s21+$0x9200] =	vst v30  }
0x2a1: {  	v29 =	vadd.s32 $0xBD8, v44;
	v30 =	vld.idx.msk [tilespmem:v56+s9+$0x0], $0xffff  }
0x2a2: {  	v57 =	vadd.s32 $0xBD8, v47;
	_ =	sdelay $0x2  }
0x2a3: {  	[tilespmem:s19+$0x9280] =	vst v34  }
0x2a4: {  	v29 =	vld.idx.msk [tilespmem:v29+s9+$0x0], $0xffff;
	[tilespmem:s21+$0x9280] =	vst v30  }
0x2a5: {  	v58 =	vld.idx.msk [tilespmem:v57+s9+$0x0], $0xffff;
	_ =	sdelay $0x3  }
0x2a6: {  	[tilespmem:s19+$0x9F00] =	vst v29  }
0x2a7: {  	v59 =	vld [tilespmem:s30+$0x0];
	[tilespmem:s21+$0x9F00] =	vst v58  }
0x2a8: {  	v29 =	vld [tilespmem:s2+$0x0];
	_ =	sdelay $0x3  }
0x2a9: {  	v55 =	vmul.u32 $0x3, v59  }
0x2aa: {  	v57 =	vmul.u32 $0x3, v29  }
0x2ab: {  	v60 =	vadd.s32 $0xD05, v55  }
0x2ac: {  	v61 =	vadd.s32 $0xD05, v57;
	_ =	sdelay $0x3  }
0x2ad: {  	v58 =	vld.idx.msk [tilespmem:v60+s9+$0x0], $0xffff  }
0x2ae: {  	v59 =	vadd.s32 $0xD06, v55;
	v60 =	vld.idx.msk [tilespmem:v61+s9+$0x0], $0xffff  }
0x2af: {  	v61 =	vadd.s32 $0xD06, v57  }
0x2b0: {  	v49 =	vld [tilespmem:s19+$0x1200]  }
0x2b1: {  	[tilespmem:s17+$0x9F80] =	vst v26;
	v50 =	vld [tilespmem:s21+$0x1200]  }
0x2b2: {  	v56 =	vld.idx.msk [tilespmem:v27+s9+$0x0], $0xffff;
	[tilespmem:s19+$0x9F80] =	vst v58  }
0x2b3: {  	v42 =	vadd.s32 $0xD07, v42;
	v58 =	vld.idx.msk [tilespmem:v59+s9+$0x0], $0xffff;
	[tilespmem:s21+$0x9F80] =	vst v60  }
0x2b4: {  	v55 =	vadd.s32 $0xD07, v55;
	v62 =	vld.idx.msk [tilespmem:v61+s9+$0x0], $0xffff  }
0x2b5: {  	v57 =	vadd.s32 $0xD07, v57;
	_ =	sdelay $0x1  }
0x2b6: {  	[tilespmem:s17+$0xA000] =	vst v56  }
0x2b7: {  	v49 =	vmul.u32 $0x3, v49;
	v42 =	vld.idx.msk [tilespmem:v42+s9+$0x0], $0xffff;
	[tilespmem:s19+$0xA000] =	vst v58  }
0x2b8: {  	v50 =	vmul.u32 $0x3, v50;
	v63 =	vadd.s32 $0xE34, v22;
	v55 =	vld.idx.msk [tilespmem:v55+s9+$0x0], $0xffff;
	[tilespmem:s21+$0xA000] =	vst v62  }
0x2b9: {  	v60 =	vadd.s32 $0xE34, v49;
	v57 =	vld.idx.msk [tilespmem:v57+s9+$0x0], $0xffff  }
0x2ba: {  	v61 =	vadd.s32 $0xE34, v50;
	_ =	sdelay $0x1  }
0x2bb: {  	[tilespmem:s17+$0xA080] =	vst v42  }
0x2bc: {  	v42 =	vld.idx.msk [tilespmem:v63+s9+$0x0], $0xffff;
	[tilespmem:s19+$0xA080] =	vst v55  }
0x2bd: {  	v55 =	vadd.s32 $0xE35, v22;
	v62 =	vld.idx.msk [tilespmem:v60+s9+$0x0], $0xffff;
	[tilespmem:s21+$0xA080] =	vst v57  }
0x2be: {  	v63 =	vadd.s32 $0xE35, v49;
	v60 =	vld.idx.msk [tilespmem:v61+s9+$0x0], $0xffff  }
0x2bf: {  	v61 =	vadd.s32 $0xE35, v50  }
0x2c0: {  	v51 =	vld [tilespmem:s19+$0x1280]  }
0x2c1: {  	v53 =	vld [tilespmem:s21+$0x1280];
	[tilespmem:s17+$0xA100] =	vst v42  }
0x2c2: {  	v42 =	vld.idx.msk [tilespmem:v55+s9+$0x0], $0xffff;
	[tilespmem:s19+$0xA100] =	vst v62  }
0x2c3: {  	v62 =	vadd.s32 $0xE36, v22;
	v63 =	vld.idx.msk [tilespmem:v63+s9+$0x0], $0xffff;
	[tilespmem:s21+$0xA100] =	vst v60  }
0x2c4: {  	v49 =	vadd.s32 $0xE36, v49;
	v60 =	vld.idx.msk [tilespmem:v61+s9+$0x0], $0xffff  }
0x2c5: {  	v50 =	vadd.s32 $0xE36, v50;
	_ =	sdelay $0x1  }
0x2c6: {  	v28 =	vmul.u32 $0x3, v28;
	[tilespmem:s17+$0xA180] =	vst v42  }
0x2c7: {  	v42 =	vmul.u32 $0x3, v51;
	v22 =	vld.idx.msk [tilespmem:v62+s9+$0x0], $0xffff;
	[tilespmem:s19+$0xA180] =	vst v63  }
0x2c8: {  	v53 =	vmul.u32 $0x3, v53;
	v49 =	vld.idx.msk [tilespmem:v49+s9+$0x0], $0xffff;
	v61 =	vadd.s32 $0xF63, v28;
	[tilespmem:s21+$0xA180] =	vst v60  }
0x2c9: {  	v62 =	vadd.s32 $0xF63, v42;
	v50 =	vld.idx.msk [tilespmem:v50+s9+$0x0], $0xffff  }
0x2ca: {  	v63 =	vadd.s32 $0xF63, v53;
	_ =	sdelay $0x1  }
0x2cb: {  	[tilespmem:s17+$0xA200] =	vst v22  }
0x2cc: {  	[tilespmem:s19+$0xA200] =	vst v49;
	v22 =	vld.idx.msk [tilespmem:v61+s9+$0x0], $0xffff  }
0x2cd: {  	v49 =	vadd.s32 $0xF64, v28;
	v60 =	vld.idx.msk [tilespmem:v62+s9+$0x0], $0xffff;
	[tilespmem:s21+$0xA200] =	vst v50  }
0x2ce: {  	v61 =	vadd.s32 $0xF64, v42;
	v62 =	vld.idx.msk [tilespmem:v63+s9+$0x0], $0xffff  }
0x2cf: {  	v63 =	vadd.s32 $0xF64, v53  }
0x2d0: {  	v52 =	vld [tilespmem:s19+$0x1300]  }
0x2d1: {  	v54 =	vld [tilespmem:s21+$0x1300];
	[tilespmem:s17+$0xA280] =	vst v22  }
0x2d2: {  	[tilespmem:s19+$0xA280] =	vst v60;
	v22 =	vld.idx.msk [tilespmem:v49+s9+$0x0], $0xffff  }
0x2d3: {  	v28 =	vadd.s32 $0xF65, v28;
	v59 =	vld.idx.msk [tilespmem:v61+s9+$0x0], $0xffff;
	[tilespmem:s21+$0xA280] =	vst v62  }
0x2d4: {  	v42 =	vadd.s32 $0xF65, v42;
	v60 =	vld.idx.msk [tilespmem:v63+s9+$0x0], $0xffff  }
0x2d5: {  	v61 =	vadd.s32 $0xF65, v53;
	_ =	sdelay $0x1  }
0x2d6: {  	[tilespmem:s17+$0xAF00] =	vst v22;
	v22 =	vmul.u32 $0x3, v25  }
0x2d7: {  	[tilespmem:s19+$0xAF00] =	vst v59;
	v62 =	vld.idx.msk [tilespmem:v28+s9+$0x0], $0xffff;
	v28 =	vmul.u32 $0x3, v52  }
0x2d8: {  	v56 =	vmul.u32 $0x3, v54;
	v42 =	vld.idx.msk [tilespmem:v42+s9+$0x0], $0xffff;
	v63 =	vadd.s32 $0x1092, v22;
	[tilespmem:s21+$0xAF00] =	vst v60  }
0x2d9: {  	v52 =	vadd.s32 $0x1092, v28;
	v51 =	vld.idx.msk [tilespmem:v61+s9+$0x0], $0xffff  }
0x2da: {  	v57 =	vadd.s32 $0x1092, v56;
	_ =	sdelay $0x1  }
0x2db: {  	[tilespmem:s17+$0xAF80] =	vst v62  }
0x2dc: {  	[tilespmem:s19+$0xAF80] =	vst v42;
	v25 =	vld.idx.msk [tilespmem:v63+s9+$0x0], $0xffff  }
0x2dd: {  	v58 =	vadd.s32 $0x1093, v22;
	v59 =	vld.idx.msk [tilespmem:v52+s9+$0x0], $0xffff;
	[tilespmem:s21+$0xAF80] =	vst v51  }
0x2de: {  	v60 =	vadd.s32 $0x1093, v28;
	v61 =	vld.idx.msk [tilespmem:v57+s9+$0x0], $0xffff  }
0x2df: {  	v62 =	vadd.s32 $0x1093, v56;
	_ =	sdelay $0x1  }
0x2e0: {  	[tilespmem:s17+$0xB000] =	vst v25  }
0x2e1: {  	v25 =	vld.idx.msk [tilespmem:v58+s9+$0x0], $0xffff;
	[tilespmem:s19+$0xB000] =	vst v59  }
0x2e2: {  	v22 =	vadd.s32 $0x1094, v22;
	v63 =	vld.idx.msk [tilespmem:v60+s9+$0x0], $0xffff;
	[tilespmem:s21+$0xB000] =	vst v61  }
0x2e3: {  	v28 =	vadd.s32 $0x1094, v28;
	v54 =	vld.idx.msk [tilespmem:v62+s9+$0x0], $0xffff  }
0x2e4: {  	v50 =	vadd.s32 $0x1094, v56;
	_ =	sdelay $0x1  }
0x2e5: {  	[tilespmem:s17+$0xB080] =	vst v25  }
0x2e6: {  	v22 =	vld.idx.msk [tilespmem:v22+s9+$0x0], $0xffff;
	[tilespmem:s19+$0xB080] =	vst v63  }
0x2e7: {  	v55 =	vld.idx.msk [tilespmem:v28+s9+$0x0], $0xffff;
	[tilespmem:s21+$0xB080] =	vst v54  }
0x2e8: {  	v56 =	vld.idx.msk [tilespmem:v50+s9+$0x0], $0xffff;
	_ =	sdelay $0x2  }
0x2e9: {  	[tilespmem:s17+$0xB100] =	vst v22  }
0x2ea: {  	v22 =	vld [tilespmem:s25+$0x0];
	[tilespmem:s19+$0xB100] =	vst v55  }
0x2eb: {  	v25 =	vld [tilespmem:s28+$0x0];
	[tilespmem:s21+$0xB100] =	vst v56  }
0x2ec: {  	v28 =	vld [tilespmem:s4+$0x0];
	_ =	sdelay $0x2  }
0x2ed: {  	v22 =	vmul.u32 $0x3, v22  }
0x2ee: {  	v25 =	vmul.u32 $0x3, v25  }
0x2ef: {  	v57 =	vadd.s32 $0x11C1, v22;
	v28 =	vmul.u32 $0x3, v28  }
0x2f0: {  	v58 =	vadd.s32 $0x11C1, v25  }
0x2f1: {  	v59 =	vadd.s32 $0x11C1, v28;
	_ =	sdelay $0x2  }
0x2f2: {  	v42 =	vld.idx.msk [tilespmem:v57+s9+$0x0], $0xffff  }
0x2f3: {  	v60 =	vadd.s32 $0x11C2, v22;
	v49 =	vld.idx.msk [tilespmem:v58+s9+$0x0], $0xffff  }
0x2f4: {  	v61 =	vadd.s32 $0x11C2, v25;
	v50 =	vld.idx.msk [tilespmem:v59+s9+$0x0], $0xffff  }
0x2f5: {  	v62 =	vadd.s32 $0x11C2, v28  }
0x2f6: {  	v48 =	vld [tilespmem:s21+$0x2000]  }
0x2f7: {  	v47 =	vld [tilespmem:s19+$0x2000];
	[tilespmem:s17+$0xB180] =	vst v42  }
0x2f8: {  	[tilespmem:s19+$0xB180] =	vst v49;
	v42 =	vld.idx.msk [tilespmem:v60+s9+$0x0], $0xffff  }
0x2f9: {  	v22 =	vadd.s32 $0x11C3, v22;
	v49 =	vld.idx.msk [tilespmem:v61+s9+$0x0], $0xffff;
	[tilespmem:s21+$0xB180] =	vst v50  }
0x2fa: {  	v25 =	vadd.s32 $0x11C3, v25;
	v50 =	vld.idx.msk [tilespmem:v62+s9+$0x0], $0xffff  }
0x2fb: {  	[tilespmem:s16+$0xB200] =	vst v39;
	v28 =	vadd.s32 $0x11C3, v28  }
0x2fc: {  	v36 =	vld.idx.msk [tilespmem:v36+s9+$0x0], $0xffff  }
0x2fd: {  	v63 =	vadd.s32 $0x12F0, v17;
	[tilespmem:s17+$0xB200] =	vst v42  }
0x2fe: {  	v52 =	vmul.u32 $0x3, v47;
	v22 =	vld.idx.msk [tilespmem:v22+s9+$0x0], $0xffff;
	[tilespmem:s19+$0xB200] =	vst v49  }
0x2ff: {  	v48 =	vmul.u32 $0x3, v48;
	v53 =	vadd.s32 $0x12F0, v33;
	v25 =	vld.idx.msk [tilespmem:v25+s9+$0x0], $0xffff;
	[tilespmem:s21+$0xB200] =	vst v50  }
0x300: {  	v54 =	vadd.s32 $0x12F0, v52;
	v28 =	vld.idx.msk [tilespmem:v28+s9+$0x0], $0xffff  }
0x301: {  	[tilespmem:s16+$0xB280] =	vst v36;
	v55 =	vadd.s32 $0x12F0, v48  }
0x302: {  	v36 =	vld.idx.msk [tilespmem:v63+s9+$0x0], $0xffff  }
0x303: {  	v56 =	vadd.s32 $0x12F1, v17;
	[tilespmem:s17+$0xB280] =	vst v22  }
0x304: {  	v57 =	vld.idx.msk [tilespmem:v53+s9+$0x0], $0xffff;
	[tilespmem:s19+$0xB280] =	vst v25  }
0x305: {  	v58 =	vadd.s32 $0x12F1, v33;
	v59 =	vld.idx.msk [tilespmem:v54+s9+$0x0], $0xffff;
	[tilespmem:s21+$0xB280] =	vst v28  }
0x306: {  	v60 =	vadd.s32 $0x12F1, v52;
	v61 =	vld.idx.msk [tilespmem:v55+s9+$0x0], $0xffff  }
0x307: {  	v46 =	vld [tilespmem:s21+$0x2080];
	[tilespmem:s16+$0xBF00] =	vst v36;
	v62 =	vadd.s32 $0x12F1, v48  }
0x308: {  	v22 =	vld.idx.msk [tilespmem:v56+s9+$0x0], $0xffff  }
0x309: {  	v45 =	vld [tilespmem:s19+$0x2080];
	v63 =	vadd.s32 $0x12F2, v17;
	[tilespmem:s17+$0xBF00] =	vst v57  }
0x30a: {  	[tilespmem:s19+$0xBF00] =	vst v59;
	v25 =	vld.idx.msk [tilespmem:v58+s9+$0x0], $0xffff  }
0x30b: {  	v47 =	vadd.s32 $0x12F2, v33;
	v28 =	vld.idx.msk [tilespmem:v60+s9+$0x0], $0xffff;
	[tilespmem:s21+$0xBF00] =	vst v61  }
0x30c: {  	v49 =	vadd.s32 $0x12F2, v52;
	v51 =	vld.idx.msk [tilespmem:v62+s9+$0x0], $0xffff  }
0x30d: {  	v52 =	vadd.s32 $0x12F2, v48;
	[tilespmem:s16+$0xBF80] =	vst v22  }
0x30e: {  	v17 =	vld.idx.msk [tilespmem:v63+s9+$0x0], $0xffff  }
0x30f: {  	v53 =	vadd.s32 $0x141F, v15;
	[tilespmem:s17+$0xBF80] =	vst v25  }
0x310: {  	v54 =	vmul.u32 $0x3, v45;
	v33 =	vld.idx.msk [tilespmem:v47+s9+$0x0], $0xffff;
	[tilespmem:s19+$0xBF80] =	vst v28  }
0x311: {  	v56 =	vmul.u32 $0x3, v46;
	v55 =	vadd.s32 $0x141F, v24;
	v36 =	vld.idx.msk [tilespmem:v49+s9+$0x0], $0xffff;
	[tilespmem:s21+$0xBF80] =	vst v51  }
0x312: {  	v57 =	vadd.s32 $0x141F, v54;
	v42 =	vld.idx.msk [tilespmem:v52+s9+$0x0], $0xffff  }
0x313: {  	v46 =	vadd.s32 $0x141F, v56;
	[tilespmem:s16+$0xC000] =	vst v17  }
0x314: {  	v17 =	vld.idx.msk [tilespmem:v53+s9+$0x0], $0xffff  }
0x315: {  	v58 =	vadd.s32 $0x1420, v15;
	[tilespmem:s17+$0xC000] =	vst v33  }
0x316: {  	v28 =	vld.idx.msk [tilespmem:v55+s9+$0x0], $0xffff;
	[tilespmem:s19+$0xC000] =	vst v36  }
0x317: {  	v59 =	vadd.s32 $0x1420, v24;
	v36 =	vld.idx.msk [tilespmem:v57+s9+$0x0], $0xffff;
	[tilespmem:s21+$0xC000] =	vst v42  }
0x318: {  	v60 =	vadd.s32 $0x1420, v54;
	v42 =	vld.idx.msk [tilespmem:v46+s9+$0x0], $0xffff  }
0x319: {  	v43 =	vld [tilespmem:s19+$0x2100];
	v61 =	vadd.s32 $0x1420, v56;
	[tilespmem:s16+$0xC080] =	vst v17  }
0x31a: {  	v17 =	vld.idx.msk [tilespmem:v58+s9+$0x0], $0xffff  }
0x31b: {  	v44 =	vld [tilespmem:s21+$0x2100];
	v62 =	vadd.s32 $0x1421, v15;
	[tilespmem:s17+$0xC080] =	vst v28  }
0x31c: {  	[tilespmem:s19+$0xC080] =	vst v36;
	v63 =	vld.idx.msk [tilespmem:v59+s9+$0x0], $0xffff  }
0x31d: {  	v47 =	vadd.s32 $0x1421, v24;
	v48 =	vld.idx.msk [tilespmem:v60+s9+$0x0], $0xffff;
	[tilespmem:s21+$0xC080] =	vst v42  }
0x31e: {  	v25 =	vadd.s32 $0x1421, v54;
	v49 =	vld.idx.msk [tilespmem:v61+s9+$0x0], $0xffff  }
0x31f: {  	v6 =	vmul.u32 $0x3, v6;
	v26 =	vld [tilespmem:s19+$0x3080];
	v50 =	vadd.s32 $0x1421, v56;
	[tilespmem:s16+$0xC100] =	vst v17  }
0x320: {  	v15 =	vld.idx.msk [tilespmem:v62+s9+$0x0], $0xffff  }
0x321: {  	v37 =	vld [tilespmem:s19+$0x2280];
	v51 =	vmul.u32 $0x3, v19;
	v52 =	vadd.s32 $0x154E, v6;
	[tilespmem:s17+$0xC100] =	vst v63  }
0x322: {  	v53 =	vmul.u32 $0x3, v43;
	v22 =	vld.idx.msk [tilespmem:v47+s9+$0x0], $0xffff;
	[tilespmem:s19+$0xC100] =	vst v48  }
0x323: {  	v55 =	vmul.u32 $0x3, v44;
	v54 =	vadd.s32 $0x154E, v51;
	v25 =	vld.idx.msk [tilespmem:v25+s9+$0x0], $0xffff;
	[tilespmem:s21+$0xC100] =	vst v49  }
0x324: {  	v56 =	vadd.s32 $0x154E, v53;
	v36 =	vld.idx.msk [tilespmem:v50+s9+$0x0], $0xffff  }
0x325: {  	v40 =	vld [tilespmem:s19+$0x2200];
	v57 =	vadd.s32 $0x154E, v55;
	[tilespmem:s16+$0xC180] =	vst v15  }
0x326: {  	v15 =	vld.idx.msk [tilespmem:v52+s9+$0x0], $0xffff  }
0x327: {  	v38 =	vld [tilespmem:s21+$0x2280];
	v58 =	vadd.s32 $0x154F, v6;
	[tilespmem:s17+$0xC180] =	vst v22  }
0x328: {  	v22 =	vld.idx.msk [tilespmem:v54+s9+$0x0], $0xffff;
	[tilespmem:s19+$0xC180] =	vst v25  }
0x329: {  	v59 =	vadd.s32 $0x154F, v51;
	v60 =	vld.idx.msk [tilespmem:v56+s9+$0x0], $0xffff;
	[tilespmem:s21+$0xC180] =	vst v36  }
0x32a: {  	v61 =	vadd.s32 $0x154F, v53;
	v62 =	vld.idx.msk [tilespmem:v57+s9+$0x0], $0xffff  }
0x32b: {  	v41 =	vld [tilespmem:s21+$0x2200];
	v63 =	vadd.s32 $0x154F, v55;
	[tilespmem:s16+$0xC200] =	vst v15  }
0x32c: {  	v15 =	vld.idx.msk [tilespmem:v58+s9+$0x0], $0xffff  }
0x32d: {  	v35 =	vld [tilespmem:s21+$0x2300];
	v6 =	vadd.s32 $0x1550, v6;
	[tilespmem:s17+$0xC200] =	vst v22  }
0x32e: {  	v45 =	vld.idx.msk [tilespmem:v59+s9+$0x0], $0xffff;
	[tilespmem:s19+$0xC200] =	vst v60  }
0x32f: {  	v17 =	vadd.s32 $0x1550, v51;
	v46 =	vld.idx.msk [tilespmem:v61+s9+$0x0], $0xffff;
	[tilespmem:s21+$0xC200] =	vst v62  }
0x330: {  	v24 =	vadd.s32 $0x1550, v53;
	v47 =	vld.idx.msk [tilespmem:v63+s9+$0x0], $0xffff  }
0x331: {  	v34 =	vld [tilespmem:s19+$0x2300];
	v48 =	vadd.s32 $0x1550, v55;
	[tilespmem:s16+$0xC280] =	vst v15  }
0x332: {  	v6 =	vld.idx.msk [tilespmem:v6+s9+$0x0], $0xffff  }
0x333: {  	v29 =	vld [tilespmem:s19+$0x3000];
	[tilespmem:s17+$0xC280] =	vst v45  }
0x334: {  	v49 =	vld.idx.msk [tilespmem:v17+s9+$0x0], $0xffff;
	[tilespmem:s19+$0xC280] =	vst v46  }
0x335: {  	v50 =	vld.idx.msk [tilespmem:v24+s9+$0x0], $0xffff;
	[tilespmem:s21+$0xC280] =	vst v47  }
0x336: {  	v51 =	vld.idx.msk [tilespmem:v48+s9+$0x0], $0xffff  }
0x337: {  	v27 =	vld [tilespmem:s21+$0x3080];
	[tilespmem:s16+$0xCF00] =	vst v6  }
0x338: {  	v6 =	vld [tilespmem:s22+$0x0]  }
0x339: {  	v30 =	vld [tilespmem:s21+$0x3000];
	[tilespmem:s17+$0xCF00] =	vst v49  }
0x33a: {  	v15 =	vld [tilespmem:s24+$0x0];
	[tilespmem:s19+$0xCF00] =	vst v50  }
0x33b: {  	v17 =	vld [tilespmem:s26+$0x0];
	[tilespmem:s21+$0xCF00] =	vst v51  }
0x33c: {  	v19 =	vld [tilespmem:s7+$0x0]  }
0x33d: {  	v6 =	vmul.u32 $0x3, v6;
	_ =	sdelay $0x1  }
0x33e: {  	v52 =	vadd.s32 $0x167D, v6;
	v15 =	vmul.u32 $0x3, v15  }
0x33f: {  	v17 =	vmul.u32 $0x3, v17  }
0x340: {  	v53 =	vadd.s32 $0x167D, v15;
	v19 =	vmul.u32 $0x3, v19  }
0x341: {  	v54 =	vadd.s32 $0x167D, v17  }
0x342: {  	v55 =	vadd.s32 $0x167D, v19  }
0x343: {  	v22 =	vld.idx.msk [tilespmem:v52+s9+$0x0], $0xffff  }
0x344: {  	v56 =	vadd.s32 $0x167E, v6  }
0x345: {  	v24 =	vld.idx.msk [tilespmem:v53+s9+$0x0], $0xffff  }
0x346: {  	v57 =	vadd.s32 $0x167E, v15;
	v25 =	vld.idx.msk [tilespmem:v54+s9+$0x0], $0xffff  }
0x347: {  	v58 =	vadd.s32 $0x167E, v17;
	v28 =	vld.idx.msk [tilespmem:v55+s9+$0x0], $0xffff  }
0x348: {  	[tilespmem:s16+$0xCF80] =	vst v22;
	v59 =	vadd.s32 $0x167E, v19  }
0x349: {  	v22 =	vld.idx.msk [tilespmem:v56+s9+$0x0], $0xffff  }
0x34a: {  	v6 =	vadd.s32 $0x167F, v6;
	[tilespmem:s17+$0xCF80] =	vst v24  }
0x34b: {  	[tilespmem:s19+$0xCF80] =	vst v25;
	v24 =	vld.idx.msk [tilespmem:v57+s9+$0x0], $0xffff  }
0x34c: {  	v15 =	vadd.s32 $0x167F, v15;
	v25 =	vld.idx.msk [tilespmem:v58+s9+$0x0], $0xffff;
	[tilespmem:s21+$0xCF80] =	vst v28  }
0x34d: {  	[tilespmem:s15+$0xD000] =	vst v31;
	v17 =	vadd.s32 $0x167F, v17;
	v28 =	vld.idx.msk [tilespmem:v59+s9+$0x0], $0xffff  }
0x34e: {  	v31 =	vld.idx.msk [tilespmem:v32+s9+$0x0], $0xffff;
	v19 =	vadd.s32 $0x167F, v19;
	[tilespmem:s16+$0xD000] =	vst v22  }
0x34f: {  	v60 =	vadd.s32 $0x17AC, v11;
	v6 =	vld.idx.msk [tilespmem:v6+s9+$0x0], $0xffff  }
0x350: {  	v62 =	vadd.s32 $0x17AC, v12;
	[tilespmem:s17+$0xD000] =	vst v24  }
0x351: {  	v61 =	vmul.u32 $0x3, v40;
	v15 =	vld.idx.msk [tilespmem:v15+s9+$0x0], $0xffff;
	[tilespmem:s19+$0xD000] =	vst v25  }
0x352: {  	v36 =	vadd.s32 $0x17AC, v23;
	v63 =	vmul.u32 $0x3, v41;
	v17 =	vld.idx.msk [tilespmem:v17+s9+$0x0], $0xffff;
	[tilespmem:s21+$0xD000] =	vst v28  }
0x353: {  	[tilespmem:s15+$0xD080] =	vst v31;
	v39 =	vadd.s32 $0x17AC, v61;
	v19 =	vld.idx.msk [tilespmem:v19+s9+$0x0], $0xffff  }
0x354: {  	v40 =	vadd.s32 $0x17AC, v63;
	v22 =	vld.idx.msk [tilespmem:v60+s9+$0x0], $0xffff;
	[tilespmem:s16+$0xD080] =	vst v6  }
0x355: {  	v41 =	vadd.s32 $0x17AD, v11;
	v32 =	vld.idx.msk [tilespmem:v62+s9+$0x0], $0xffff  }
0x356: {  	v42 =	vadd.s32 $0x17AD, v12;
	[tilespmem:s17+$0xD080] =	vst v15  }
0x357: {  	v33 =	vld.idx.msk [tilespmem:v36+s9+$0x0], $0xffff;
	[tilespmem:s19+$0xD080] =	vst v17  }
0x358: {  	v43 =	vadd.s32 $0x17AD, v23;
	v28 =	vld.idx.msk [tilespmem:v39+s9+$0x0], $0xffff;
	[tilespmem:s21+$0xD080] =	vst v19  }
0x359: {  	v44 =	vadd.s32 $0x17AD, v61;
	[tilespmem:s15+$0xD100] =	vst v22;
	v31 =	vld.idx.msk [tilespmem:v40+s9+$0x0], $0xffff  }
0x35a: {  	v45 =	vadd.s32 $0x17AD, v63;
	v6 =	vld.idx.msk [tilespmem:v41+s9+$0x0], $0xffff;
	[tilespmem:s16+$0xD100] =	vst v32  }
0x35b: {  	v46 =	vadd.s32 $0x17AE, v11;
	v15 =	vld.idx.msk [tilespmem:v42+s9+$0x0], $0xffff  }
0x35c: {  	v47 =	vadd.s32 $0x17AE, v12;
	[tilespmem:s17+$0xD100] =	vst v33  }
0x35d: {  	v17 =	vld.idx.msk [tilespmem:v43+s9+$0x0], $0xffff;
	[tilespmem:s19+$0xD100] =	vst v28  }
0x35e: {  	v48 =	vadd.s32 $0x17AE, v23;
	v19 =	vld.idx.msk [tilespmem:v44+s9+$0x0], $0xffff;
	[tilespmem:s21+$0xD100] =	vst v31  }
0x35f: {  	v24 =	vadd.s32 $0x17AE, v61;
	[tilespmem:s15+$0xD180] =	vst v6;
	v22 =	vld.idx.msk [tilespmem:v45+s9+$0x0], $0xffff  }
0x360: {  	v49 =	vadd.s32 $0x17AE, v63;
	v11 =	vld.idx.msk [tilespmem:v46+s9+$0x0], $0xffff;
	[tilespmem:s16+$0xD180] =	vst v15  }
0x361: {  	v50 =	vadd.s32 $0x18DB, v9;
	v12 =	vld.idx.msk [tilespmem:v47+s9+$0x0], $0xffff  }
0x362: {  	v52 =	vadd.s32 $0x18DB, v10;
	[tilespmem:s17+$0xD180] =	vst v17  }
0x363: {  	v51 =	vmul.u32 $0x3, v37;
	v23 =	vld.idx.msk [tilespmem:v48+s9+$0x0], $0xffff;
	[tilespmem:s19+$0xD180] =	vst v19  }
0x364: {  	v53 =	vmul.u32 $0x3, v38;
	v54 =	vadd.s32 $0x18DB, v18;
	v24 =	vld.idx.msk [tilespmem:v24+s9+$0x0], $0xffff;
	[tilespmem:s21+$0xD180] =	vst v22  }
0x365: {  	v55 =	vadd.s32 $0x18DB, v51;
	[tilespmem:s15+$0xD200] =	vst v11;
	v6 =	vld.idx.msk [tilespmem:v49+s9+$0x0], $0xffff  }
0x366: {  	v56 =	vadd.s32 $0x18DB, v53;
	v15 =	vld.idx.msk [tilespmem:v50+s9+$0x0], $0xffff;
	[tilespmem:s16+$0xD200] =	vst v12  }
0x367: {  	v57 =	vadd.s32 $0x18DC, v9;
	v25 =	vld.idx.msk [tilespmem:v52+s9+$0x0], $0xffff  }
0x368: {  	v58 =	vadd.s32 $0x18DC, v10;
	[tilespmem:s17+$0xD200] =	vst v23  }
0x369: {  	v28 =	vld.idx.msk [tilespmem:v54+s9+$0x0], $0xffff;
	[tilespmem:s19+$0xD200] =	vst v24  }
0x36a: {  	v59 =	vadd.s32 $0x18DC, v18;
	v22 =	vld.idx.msk [tilespmem:v55+s9+$0x0], $0xffff;
	[tilespmem:s21+$0xD200] =	vst v6  }
0x36b: {  	v60 =	vadd.s32 $0x18DC, v51;
	[tilespmem:s15+$0xD280] =	vst v15;
	v11 =	vld.idx.msk [tilespmem:v56+s9+$0x0], $0xffff  }
0x36c: {  	v61 =	vadd.s32 $0x18DC, v53;
	v12 =	vld.idx.msk [tilespmem:v57+s9+$0x0], $0xffff;
	[tilespmem:s16+$0xD280] =	vst v25  }
0x36d: {  	v62 =	vadd.s32 $0x18DD, v9;
	v23 =	vld.idx.msk [tilespmem:v58+s9+$0x0], $0xffff  }
0x36e: {  	v63 =	vadd.s32 $0x18DD, v10;
	[tilespmem:s17+$0xD280] =	vst v28  }
0x36f: {  	v24 =	vld.idx.msk [tilespmem:v59+s9+$0x0], $0xffff;
	[tilespmem:s19+$0xD280] =	vst v22  }
0x370: {  	v25 =	vadd.s32 $0x18DD, v18;
	v6 =	vld.idx.msk [tilespmem:v60+s9+$0x0], $0xffff;
	[tilespmem:s21+$0xD280] =	vst v11  }
0x371: {  	[tilespmem:s15+$0xDF00] =	vst v12;
	v28 =	vadd.s32 $0x18DD, v51;
	v15 =	vld.idx.msk [tilespmem:v61+s9+$0x0], $0xffff  }
0x372: {  	v31 =	vadd.s32 $0x18DD, v53;
	v9 =	vld.idx.msk [tilespmem:v62+s9+$0x0], $0xffff;
	[tilespmem:s16+$0xDF00] =	vst v23  }
0x373: {  	v32 =	vadd.s32 $0x1A0A, v7;
	v10 =	vld.idx.msk [tilespmem:v63+s9+$0x0], $0xffff  }
0x374: {  	v33 =	vmul.u32 $0x3, v34;
	v34 =	vadd.s32 $0x1A0A, v8;
	[tilespmem:s17+$0xDF00] =	vst v24  }
0x375: {  	v18 =	vld.idx.msk [tilespmem:v25+s9+$0x0], $0xffff;
	[tilespmem:s19+$0xDF00] =	vst v6  }
0x376: {  	v37 =	vadd.s32 $0x1A0A, v13;
	v36 =	vmul.u32 $0x3, v35;
	v11 =	vld.idx.msk [tilespmem:v28+s9+$0x0], $0xffff;
	[tilespmem:s21+$0xDF00] =	vst v15  }
0x377: {  	v38 =	vadd.s32 $0x1A0A, v33;
	[tilespmem:s15+$0xDF80] =	vst v9;
	v12 =	vld.idx.msk [tilespmem:v31+s9+$0x0], $0xffff  }
0x378: {  	v39 =	vadd.s32 $0x1A0A, v36;
	v17 =	vld.idx.msk [tilespmem:v32+s9+$0x0], $0xffff;
	[tilespmem:s16+$0xDF80] =	vst v10  }
0x379: {  	v40 =	vadd.s32 $0x1A0B, v7;
	v22 =	vld.idx.msk [tilespmem:v34+s9+$0x0], $0xffff  }
0x37a: {  	v41 =	vadd.s32 $0x1A0B, v8;
	[tilespmem:s17+$0xDF80] =	vst v18  }
0x37b: {  	v23 =	vld.idx.msk [tilespmem:v37+s9+$0x0], $0xffff;
	[tilespmem:s19+$0xDF80] =	vst v11  }
0x37c: {  	v42 =	vadd.s32 $0x1A0B, v13;
	v15 =	vld.idx.msk [tilespmem:v38+s9+$0x0], $0xffff;
	[tilespmem:s21+$0xDF80] =	vst v12  }
0x37d: {  	v43 =	vadd.s32 $0x1A0B, v33;
	[tilespmem:s15+$0xE000] =	vst v17;
	v9 =	vld.idx.msk [tilespmem:v39+s9+$0x0], $0xffff  }
0x37e: {  	v44 =	vadd.s32 $0x1A0B, v36;
	v10 =	vld.idx.msk [tilespmem:v40+s9+$0x0], $0xffff;
	[tilespmem:s16+$0xE000] =	vst v22  }
0x37f: {  	v45 =	vadd.s32 $0x1A0C, v7;
	v18 =	vld.idx.msk [tilespmem:v41+s9+$0x0], $0xffff  }
0x380: {  	v46 =	vadd.s32 $0x1A0C, v8;
	[tilespmem:s17+$0xE000] =	vst v23  }
0x381: {  	v11 =	vld.idx.msk [tilespmem:v42+s9+$0x0], $0xffff;
	[tilespmem:s19+$0xE000] =	vst v15  }
0x382: {  	v47 =	vadd.s32 $0x1A0C, v13;
	v12 =	vld.idx.msk [tilespmem:v43+s9+$0x0], $0xffff;
	[tilespmem:s21+$0xE000] =	vst v9  }
0x383: {  	v48 =	vadd.s32 $0x1A0C, v33;
	[tilespmem:s15+$0xE080] =	vst v10;
	v49 =	vld.idx.msk [tilespmem:v44+s9+$0x0], $0xffff  }
0x384: {  	v6 =	vadd.s32 $0x1A0C, v36;
	v7 =	vld.idx.msk [tilespmem:v45+s9+$0x0], $0xffff;
	[tilespmem:s16+$0xE080] =	vst v18  }
0x385: {  	v8 =	vld.idx.msk [tilespmem:v46+s9+$0x0], $0xffff  }
0x386: {  	[tilespmem:s17+$0xE080] =	vst v11  }
0x387: {  	v50 =	vld.idx.msk [tilespmem:v47+s9+$0x0], $0xffff;
	[tilespmem:s19+$0xE080] =	vst v12  }
0x388: {  	v9 =	vld.idx.msk [tilespmem:v48+s9+$0x0], $0xffff;
	[tilespmem:s21+$0xE080] =	vst v49  }
0x389: {  	[tilespmem:s15+$0xE100] =	vst v7;
	v6 =	vld.idx.msk [tilespmem:v6+s9+$0x0], $0xffff  }
0x38a: {  	v7 =	vld [tilespmem:s18+$0x0];
	[tilespmem:s16+$0xE100] =	vst v8  }
0x38b: {  	v8 =	vld [tilespmem:s20+$0x0]  }
0x38c: {  	[tilespmem:s17+$0xE100] =	vst v50  }
0x38d: {  	v10 =	vld [tilespmem:s23+$0x0];
	[tilespmem:s19+$0xE100] =	vst v9  }
0x38e: {  	v9 =	vld [tilespmem:s0+$0x0];
	[tilespmem:s21+$0xE100] =	vst v6  }
0x38f: {  	v7 =	vmul.u32 $0x3, v7;
	v6 =	vld [tilespmem:s12+$0x0]  }
0x390: {  	v8 =	vmul.u32 $0x3, v8  }
0x391: {  	v51 =	vadd.s32 $0x1B39, v7  }
0x392: {  	v52 =	vadd.s32 $0x1B39, v8;
	v10 =	vmul.u32 $0x3, v10  }
0x393: {  	v9 =	vmul.u32 $0x3, v9  }
0x394: {  	v53 =	vadd.s32 $0x1B39, v10;
	v6 =	vmul.u32 $0x3, v6  }
0x395: {  	v54 =	vadd.s32 $0x1B39, v9  }
0x396: {  	v11 =	vld.idx.msk [tilespmem:v51+s9+$0x0], $0xffff;
	v55 =	vadd.s32 $0x1B39, v6  }
0x397: {  	v56 =	vadd.s32 $0x1B3A, v7;
	v12 =	vld.idx.msk [tilespmem:v52+s9+$0x0], $0xffff  }
0x398: {  	v57 =	vadd.s32 $0x1B3A, v8  }
0x399: {  	v13 =	vld.idx.msk [tilespmem:v53+s9+$0x0], $0xffff  }
0x39a: {  	v58 =	vadd.s32 $0x1B3A, v10;
	v15 =	vld.idx.msk [tilespmem:v54+s9+$0x0], $0xffff  }
0x39b: {  	[tilespmem:s15+$0xE180] =	vst v11;
	v59 =	vadd.s32 $0x1B3A, v9;
	v17 =	vld.idx.msk [tilespmem:v55+s9+$0x0], $0xffff  }
0x39c: {  	v18 =	vld.idx.msk [tilespmem:v56+s9+$0x0], $0xffff;
	[tilespmem:s16+$0xE180] =	vst v12;
	v60 =	vadd.s32 $0x1B3A, v6  }
0x39d: {  	v7 =	vadd.s32 $0x1B3B, v7;
	v12 =	vld.idx.msk [tilespmem:v57+s9+$0x0], $0xffff  }
0x39e: {  	v8 =	vadd.s32 $0x1B3B, v8;
	[tilespmem:s17+$0xE180] =	vst v13  }
0x39f: {  	v16 =	vadd.s32 $0x1B3B, v16;
	v13 =	vld.idx.msk [tilespmem:v58+s9+$0x0], $0xffff;
	[tilespmem:s19+$0xE180] =	vst v15  }
0x3a0: {  	v10 =	vadd.s32 $0x1B3B, v10;
	v15 =	vld.idx.msk [tilespmem:v59+s9+$0x0], $0xffff;
	[tilespmem:s21+$0xE180] =	vst v17  }
0x3a1: {  	v9 =	vadd.s32 $0x1B3B, v9;
	[tilespmem:s15+$0xE200] =	vst v18;
	v11 =	vld.idx.msk [tilespmem:v60+s9+$0x0], $0xffff  }
0x3a2: {  	v7 =	vld.idx.msk [tilespmem:v7+s9+$0x0], $0xffff;
	v6 =	vadd.s32 $0x1B3B, v6;
	[tilespmem:s16+$0xE200] =	vst v12  }
0x3a3: {  	[tilespmem:s14+$0xE200] =	vst v21;
	v62 =	vadd.s32 $0x1C68, v4;
	v8 =	vld.idx.msk [tilespmem:v8+s9+$0x0], $0xffff  }
0x3a4: {  	v21 =	vadd.s32 $0x1C68, v5;
	v16 =	vld.idx.msk [tilespmem:v16+s9+$0x0], $0xffff;
	[tilespmem:s17+$0xE200] =	vst v13  }
0x3a5: {  	v63 =	vmul.u32 $0x3, v29;
	v61 =	vadd.s32 $0x1C68, v3;
	v10 =	vld.idx.msk [tilespmem:v10+s9+$0x0], $0xffff;
	[tilespmem:s19+$0xE200] =	vst v15  }
0x3a6: {  	v22 =	vmul.u32 $0x3, v30;
	v23 =	vadd.s32 $0x1C68, v14;
	v9 =	vld.idx.msk [tilespmem:v9+s9+$0x0], $0xffff;
	[tilespmem:s21+$0xE200] =	vst v11  }
0x3a7: {  	v24 =	vadd.s32 $0x1C68, v63;
	[tilespmem:s15+$0xE280] =	vst v7;
	v6 =	vld.idx.msk [tilespmem:v6+s9+$0x0], $0xffff  }
0x3a8: {  	v25 =	vadd.s32 $0x1C68, v22;
	v12 =	vld.idx.msk [tilespmem:v62+s9+$0x0], $0xffff;
	[tilespmem:s16+$0xE280] =	vst v8  }
0x3a9: {  	[tilespmem:s14+$0xE280] =	vst v16;
	v29 =	vadd.s32 $0x1C69, v4;
	v18 =	vld.idx.msk [tilespmem:v21+s9+$0x0], $0xffff  }
0x3aa: {  	v30 =	vadd.s32 $0x1C69, v5;
	v16 =	vld.idx.msk [tilespmem:v61+s9+$0x0], $0xffff;
	[tilespmem:s17+$0xE280] =	vst v10  }
0x3ab: {  	v28 =	vadd.s32 $0x1C69, v3;
	v19 =	vld.idx.msk [tilespmem:v23+s9+$0x0], $0xffff;
	[tilespmem:s19+$0xE280] =	vst v9  }
0x3ac: {  	v31 =	vadd.s32 $0x1C69, v14;
	v11 =	vld.idx.msk [tilespmem:v24+s9+$0x0], $0xffff;
	[tilespmem:s21+$0xE280] =	vst v6  }
0x3ad: {  	v32 =	vadd.s32 $0x1C69, v63;
	[tilespmem:s15+$0xEF00] =	vst v12;
	v7 =	vld.idx.msk [tilespmem:v25+s9+$0x0], $0xffff  }
0x3ae: {  	v33 =	vadd.s32 $0x1C69, v22;
	v8 =	vld.idx.msk [tilespmem:v29+s9+$0x0], $0xffff;
	[tilespmem:s16+$0xEF00] =	vst v18  }
0x3af: {  	v35 =	vadd.s32 $0x1C6A, v4;
	[tilespmem:s14+$0xEF00] =	vst v16;
	v10 =	vld.idx.msk [tilespmem:v30+s9+$0x0], $0xffff  }
0x3b0: {  	v36 =	vadd.s32 $0x1C6A, v5;
	v16 =	vld.idx.msk [tilespmem:v28+s9+$0x0], $0xffff;
	[tilespmem:s17+$0xEF00] =	vst v19  }
0x3b1: {  	v34 =	vadd.s32 $0x1C6A, v3;
	v9 =	vld.idx.msk [tilespmem:v31+s9+$0x0], $0xffff;
	[tilespmem:s19+$0xEF00] =	vst v11  }
0x3b2: {  	v37 =	vadd.s32 $0x1C6A, v14;
	v6 =	vld.idx.msk [tilespmem:v32+s9+$0x0], $0xffff;
	[tilespmem:s21+$0xEF00] =	vst v7  }
0x3b3: {  	v38 =	vadd.s32 $0x1C6A, v63;
	[tilespmem:s15+$0xEF80] =	vst v8;
	v12 =	vld.idx.msk [tilespmem:v33+s9+$0x0], $0xffff  }
0x3b4: {  	v39 =	vadd.s32 $0x1C6A, v22;
	v4 =	vld.idx.msk [tilespmem:v35+s9+$0x0], $0xffff;
	[tilespmem:s16+$0xEF80] =	vst v10  }
0x3b5: {  	v42 =	vadd.s32 $0x1D97, v1;
	[tilespmem:s14+$0xEF80] =	vst v16;
	v5 =	vld.idx.msk [tilespmem:v36+s9+$0x0], $0xffff  }
0x3b6: {  	v41 =	vmul.u32 $0x3, v20;
	v3 =	vld.idx.msk [tilespmem:v34+s9+$0x0], $0xffff;
	v44 =	vadd.s32 $0x1D97, v2;
	[tilespmem:s17+$0xEF80] =	vst v9  }
0x3b7: {  	v40 =	vadd.s32 $0x1D97, v0;
	v43 =	vmul.u32 $0x3, v26;
	v11 =	vld.idx.msk [tilespmem:v37+s9+$0x0], $0xffff;
	[tilespmem:s19+$0xEF80] =	vst v6  }
0x3b8: {  	v45 =	vmul.u32 $0x3, v27;
	v46 =	vadd.s32 $0x1D97, v41;
	v7 =	vld.idx.msk [tilespmem:v38+s9+$0x0], $0xffff;
	[tilespmem:s21+$0xEF80] =	vst v12  }
0x3b9: {  	v47 =	vadd.s32 $0x1D97, v43;
	[tilespmem:s15+$0xF000] =	vst v4;
	v8 =	vld.idx.msk [tilespmem:v39+s9+$0x0], $0xffff  }
0x3ba: {  	v49 =	vadd.s32 $0x1D97, v45;
	v14 =	vld.idx.msk [tilespmem:v42+s9+$0x0], $0xffff;
	[tilespmem:s16+$0xF000] =	vst v5  }
0x3bb: {  	v51 =	vadd.s32 $0x1D98, v1;
	[tilespmem:s14+$0xF000] =	vst v3;
	v15 =	vld.idx.msk [tilespmem:v44+s9+$0x0], $0xffff  }
0x3bc: {  	v48 =	vld.idx.msk [tilespmem:v40+s9+$0x0], $0xffff;
	v52 =	vadd.s32 $0x1D98, v2;
	[tilespmem:s17+$0xF000] =	vst v11  }
0x3bd: {  	v50 =	vadd.s32 $0x1D98, v0;
	v16 =	vld.idx.msk [tilespmem:v46+s9+$0x0], $0xffff;
	[tilespmem:s19+$0xF000] =	vst v7  }
0x3be: {  	v53 =	vadd.s32 $0x1D98, v41;
	v3 =	vld.idx.msk [tilespmem:v47+s9+$0x0], $0xffff;
	[tilespmem:s21+$0xF000] =	vst v8  }
0x3bf: {  	v54 =	vadd.s32 $0x1D98, v43;
	[tilespmem:s15+$0xF080] =	vst v14;
	v4 =	vld.idx.msk [tilespmem:v49+s9+$0x0], $0xffff  }
0x3c0: {  	v55 =	vadd.s32 $0x1D98, v45;
	v5 =	vld.idx.msk [tilespmem:v51+s9+$0x0], $0xffff;
	[tilespmem:s16+$0xF080] =	vst v15  }
0x3c1: {  	[tilespmem:s14+$0xF080] =	vst v48;
	v57 =	vadd.s32 $0x1D99, v1;
	v11 =	vld.idx.msk [tilespmem:v52+s9+$0x0], $0xffff  }
0x3c2: {  	v58 =	vadd.s32 $0x1D99, v2;
	v12 =	vld.idx.msk [tilespmem:v50+s9+$0x0], $0xffff;
	[tilespmem:s17+$0xF080] =	vst v16  }
0x3c3: {  	v56 =	vadd.s32 $0x1D99, v0;
	v7 =	vld.idx.msk [tilespmem:v53+s9+$0x0], $0xffff;
	[tilespmem:s19+$0xF080] =	vst v3  }
0x3c4: {  	v59 =	vadd.s32 $0x1D99, v41;
	v8 =	vld.idx.msk [tilespmem:v54+s9+$0x0], $0xffff;
	[tilespmem:s21+$0xF080] =	vst v4  }
0x3c5: {  	v60 =	vadd.s32 $0x1D99, v43;
	[tilespmem:s15+$0xF100] =	vst v5;
	v61 =	vld.idx.msk [tilespmem:v55+s9+$0x0], $0xffff  }
0x3c6: {  	v62 =	vadd.s32 $0x1D99, v45;
	v1 =	vld.idx.msk [tilespmem:v57+s9+$0x0], $0xffff;
	[tilespmem:s16+$0xF100] =	vst v11  }
0x3c7: {  	[tilespmem:s14+$0xF100] =	vst v12;
	v2 =	vld.idx.msk [tilespmem:v58+s9+$0x0], $0xffff  }
0x3c8: {  	v0 =	vld.idx.msk [tilespmem:v56+s9+$0x0], $0xffff;
	[tilespmem:s17+$0xF100] =	vst v7  }
0x3c9: {  	v3 =	vld.idx.msk [tilespmem:v59+s9+$0x0], $0xffff;
	[tilespmem:s19+$0xF100] =	vst v8  }
0x3ca: {  	v4 =	vld.idx.msk [tilespmem:v60+s9+$0x0], $0xffff;
	[tilespmem:s21+$0xF100] =	vst v61  }
0x3cb: {  	[tilespmem:s15+$0xF180] =	vst v1;
	v63 =	vld.idx.msk [tilespmem:v62+s9+$0x0], $0xffff  }
0x3cc: {  	[tilespmem:s16+$0xF180] =	vst v2  }
0x3cd: {  	[tilespmem:s14+$0xF180] =	vst v0  }
0x3ce: {  	[tilespmem:s17+$0xF180] =	vst v3  }
0x3cf: {  	[tilespmem:s19+$0xF180] =	vst v4  }
0x3d0: {  	s1 =	simm.s32 $0x1000;
	s3 =	simm.s32 $0x20000;
	[tilespmem:s21+$0xF180] =	vst v63  }
0x3d1: {  	s30 =	simm.s32 $0x5F00;
	s4 =	simm.s32 $0x2;
	s29 =	rddreg [dreg:$0x6]  }
0x3d2: {  	[hbm4b:s29+s1] =	stream.strided.scatter [tilespmem:s30], [sflag:$0x2], $0xA000, s3, s1, $0x38;
	[tilespmem:$0xFF00] =	vst v63  }
0x3d3: {  	_ =	swait.ge [sflag:s4], $0xA000  }
0x3d4: {  	s13 =	sadd.s32 $0x1, s13;
	s31 =	rddreg [dreg:$0x7]  }
0x3d5: {  	p0 =	sne.s32 s13, s31  }
.Ltmp1:
0x3d6: {  	_ = 	snop;
	(pc) =	sbr.rel @p0 .LBB2_1-.Ltmp1, $3  }
0x3d7: {  	_ =	sdelay $0x1  }
0x3d8: {  	[sflag:s4] =	ssyncset.done $0x0  }
0x3d9: {  	[sflag:s4] =	ssyncadd.s32 $0xFFFF6000  }
0x3da: {  	_ =	sfence.sel $0x180000  }
0x3db: {  	[bflag:$0x0] =	sbarrier.arrive $0xFFFF  }
0x3dc: {  	_ =	strace $0x90000047  }
0x3dd: {  	s0 =	stileid.u32;
	[bflag:$0x2] =	sbarrier.arrive $0xFFFF  }
0x3de: {  	p0 =	sne.s32 s0, $0x0;
	s0 =	rddreg [dreg:$0x3]  }
0x3df: {  	s0 =	sadd.s32 @!p0 $0x100000, s0  }
0x3e0: {  	[sflag:s0] =	ssyncadd.tile.s32 @!p0 $0x1;
	_ =	shalt  }
.Lfunc_end2:
_tile_overlayer_lowered:
.L_overlay_start_2:
0x3e1: {  	(tag) =	ssettag $0x2  }
0x3e2: {  	s0 =	rddreg [dreg:$0x0];
	s2 =	stileid.u32  }
0x3e3: {  	s1 =	rddreg [dreg:$0x1];
	p0 =	sne.s32 s2, $0x0  }
0x3e4: {  	s3 =	rddreg [dreg:$0x2];
	[bflag:$0x3] =	sbarrier.arrive $0xFFFF;
	s2 =	simm.s32 @!p0 $0x1C02  }
0x3e5: {  	[timem:s3], [sflag:s2] =	dma.local @!p0 [hbm:s0], s1  }
0x3e6: {  	s0 =	simm.s32 @!p0 $0x2  }
0x3e7: {  	_ =	swait.ge @!p0 [sflag:s0], s1  }
0x3e8: {  	s1 =	ssub.s32 @!p0 $0x0, s1;
	[sflag:s0] =	ssyncset.done @!p0 $0x0  }
0x3e9: {  	[sflag:s0] =	ssyncadd.s32 @!p0 s1  }
0x3ea: {  	[bflag:$0x3] =	sbarrier.arrive $0xFFFF  }
0x3eb: {  	_ =	shalt  }

</sc_bundles>
